<compile_context>
chip_gen: v7x
topology: tpu7x:2x2x1
jax: 0.10.2.dev20260603
libtpu: 0.0.44.dev20260713+nightly
codegen_flags: <defaults>
</compile_context>

<pallas_src>
import functools

import jax
import jax.numpy as jnp
from jax import lax
from jax.experimental import pallas as pl
from jax.experimental.pallas import tpu as pltpu
from jax.experimental.pallas import tpu_sc as plsc

N, C = 1024, 100000
BC = 2048
NB = (C + BC - 1) // BC
LAST = NB - 1

_NC, _NS, _L = 2, 16, 16
_NW = _NC * _NS
_BPW = N // _NW


def _sc_gather_body(cos_hbm, phi_hbm, tgt_hbm, cost_out, phit_out,
                    tgt_v, cwin, pwin, cg_v, pg_v, sem):
    wid = lax.axis_index("s") * _NC + lax.axis_index("c")
    base = wid * _BPW
    pltpu.sync_copy(tgt_hbm.at[pl.ds(base, _BPW)], tgt_v)
    copies = []
    for r in range(_BPW):
        if r % _L == 0:
            tgrp = tgt_v[pl.ds(r, _L)]
        t = tgrp[r % _L]
        c0 = pl.multiple_of(jnp.bitwise_and(t, -128), 128)
        r0 = (r // 8) * 8
        copies.append(pltpu.async_copy(
            cos_hbm.at[pl.ds(base + r0, 8), pl.ds(c0, 128)],
            cwin.at[pl.ds(r * 8, 8)], sem))
        copies.append(pltpu.async_copy(
            phi_hbm.at[pl.ds(base + r0, 8), pl.ds(c0, 128)],
            pwin.at[pl.ds(r * 8, 8)], sem))
    for cp in copies:
        cp.wait()
    for j in range(_BPW // _L):
        tv = tgt_v[pl.ds(j * _L, _L)]
        off = jnp.bitwise_and(tv, 127)
        r = j * _L + lax.iota(jnp.int32, _L)
        rows = r * 8 + jnp.bitwise_and(r, 7)
        cg_v[pl.ds(j * _L, _L)] = plsc.load_gather(cwin, [rows, off])
        pg_v[pl.ds(j * _L, _L)] = plsc.load_gather(pwin, [rows, off])
    pltpu.sync_copy(cg_v, cost_out.at[pl.ds(base, _BPW)])
    pltpu.sync_copy(pg_v, phit_out.at[pl.ds(base, _BPW)])


@functools.cache
def _sc_gather():
    return functools.partial(
        pl.kernel,
        out_type=(jax.ShapeDtypeStruct((N,), jnp.float32),
                  jax.ShapeDtypeStruct((N,), jnp.float32)),
        mesh=plsc.VectorSubcoreMesh(core_axis_name="c", subcore_axis_name="s",
                                    num_cores=_NC, num_subcores=_NS),
        scratch_types=[
            pltpu.VMEM((_BPW,), jnp.int32),
            pltpu.VMEM((_BPW * 8, 128), jnp.float32),
            pltpu.VMEM((_BPW * 8, 128), jnp.float32),
            pltpu.VMEM((_BPW,), jnp.float32),
            pltpu.VMEM((_BPW,), jnp.float32),
            pltpu.SemaphoreType.DMA,
        ],
        compiler_params=pltpu.CompilerParams(needs_layout_passes=False,
                                             use_tc_tiling_on_sc=True),
    )(_sc_gather_body)


def _tc_body(cos_ref, cost_ref, phit_ref, out_ref, m_ref, s_ref):
    k = pl.program_id(0)

    @pl.when(k == 0)
    def _init():
        m_ref[...] = jnp.full(m_ref.shape, -jnp.inf, jnp.float32)
        s_ref[...] = jnp.zeros(s_ref.shape, jnp.float32)

    def update(block):
        m = m_ref[...]
        bm = jnp.max(block, axis=1, keepdims=True)
        mn = jnp.maximum(m, bm)
        s_ref[...] = (s_ref[...] * jnp.exp(m - mn)
                      + jnp.sum(jnp.exp(block - mn), axis=1, keepdims=True))
        m_ref[...] = mn

    @pl.when(k < LAST)
    def _full():
        update(cos_ref[...])

    @pl.when(k == LAST)
    def _last():
        block = cos_ref[...]
        ids = lax.broadcasted_iota(jnp.int32, block.shape, 1) + k * BC
        update(jnp.where(ids < C, block, -jnp.inf))
        m = m_ref[...]
        s = s_ref[...]
        phit = phit_ref[...]
        cost = cost_ref[...]
        mf = jnp.maximum(m, phit)
        z = s * jnp.exp(m - mf) - jnp.exp(cost - mf) + jnp.exp(phit - mf)
        nll = mf + jnp.log(z) - phit
        out_ref[...] = (jnp.sum(nll) * (1.0 / N)).reshape(1, 1)


_tc_pass = pl.pallas_call(
    _tc_body,
    grid=(NB,),
    in_specs=[
        pl.BlockSpec((N, BC), lambda k: (0, k)),
        pl.BlockSpec((N, 1), lambda k: (0, 0)),
        pl.BlockSpec((N, 1), lambda k: (0, 0)),
    ],
    out_specs=pl.BlockSpec((1, 1), lambda k: (0, 0)),
    out_shape=jax.ShapeDtypeStruct((1, 1), jnp.float32),
    scratch_shapes=[
        pltpu.VMEM((N, 1), jnp.float32),
        pltpu.VMEM((N, 1), jnp.float32),
    ],
    compiler_params=pltpu.CompilerParams(
        dimension_semantics=("arbitrary",),
    ),
)


@jax.jit
def _impl(cos, phi, target):
    cos_t, phi_t = _sc_gather()(cos, phi, target)
    loss = _tc_pass(cos, cos_t.reshape(N, 1), phi_t.reshape(N, 1))
    return loss[0, 0]


def kernel(cos, phi, target):
    return _impl(cos, phi, target)

# --- scband reference (transcript-rebuilt; emitter-appended) ---
"""Pipeline reference for scband-parallel-arc-loss-38053410242835 (READ-ONLY COPY).

The authoritative reference and input builder live on the scoring server;
editing this copy changes nothing except your own understanding.
"""

import jax, jax.numpy as jnp
import numpy as np

N, C = 1024, 100000
IGNORE_INDEX = -100

def setup_inputs(seed: int = 0) -> dict:
    key = jax.random.key(seed)
    k1, k2, k3 = jax.random.split(key, 3)
    cos = jax.random.normal(k1, (N, C), dtype=jnp.float32)
    phi = jax.random.normal(k2, (N, C), dtype=jnp.float32)
    target = jax.random.randint(k3, (N,), 0, C, dtype=jnp.int32)
    return {"cos": cos, "phi": phi, "target": target}

def reference(cos, phi, target):
    n, c = cos.shape
    # one_hot via scatter-overwrite (maps to .at[].set)
    one_hot = jnp.zeros((n, c), dtype=cos.dtype).at[jnp.arange(n), target].set(1.0)
    # ArcFace margin injection: replace target logit with phi
    output = one_hot * phi + (1.0 - one_hot) * cos
    # cross entropy with ignore_index=-100, reduction='mean'
    logp = jax.nn.log_softmax(output, axis=-1)
    nll = -jnp.take_along_axis(logp, jnp.clip(target, 0, c - 1)[:, None], axis=1)[:, 0]
    valid = (target != IGNORE_INDEX).astype(cos.dtype)
    loss = jnp.sum(nll * valid) / jnp.maximum(jnp.sum(valid), 1.0)
    return loss

if __name__ == "__main__":
    import jax
    _d = setup_inputs()
    print(jax.jit(kernel)(*tuple(_d.values())))

</pallas_src>

<mosaic_0001>
#map = affine_map<(d0, d1) -> (0, 0)>
#map1 = affine_map<(d0, d1) -> (0)>
module attributes {stable_mosaic.version = 14 : i64} {
  func.func @_sc_gather_body(%arg0: i32, %arg1: i32, %arg2: memref<1024x100000xf32, #tpu.memory_space<hbm>>, %arg3: memref<1024x100000xf32, #tpu.memory_space<hbm>>, %arg4: memref<1024xi32, #tpu.memory_space<hbm>>, %arg5: memref<1024xf32, #tpu.memory_space<hbm>>, %arg6: memref<1024xf32, #tpu.memory_space<hbm>>, %arg7: memref<32xi32, #tpu.memory_space<vmem>>, %arg8: memref<256x128xf32, #tpu.memory_space<vmem>>, %arg9: memref<256x128xf32, #tpu.memory_space<vmem>>, %arg10: memref<32xf32, #tpu.memory_space<vmem>>, %arg11: memref<32xf32, #tpu.memory_space<vmem>>, %arg12: memref<!tpu.dma_semaphore, #tpu.memory_space<semaphore_mem>>) attributes {dimension_semantics = [#tpu.dimension_semantics<core_parallel>, #tpu.dimension_semantics<subcore_parallel>], iteration_bounds = array<i64: 2, 16>, scalar_prefetch = 0 : i64, scratch_operands = 6 : i64, tpu.core_type = #tpu.core_type<sc_vector_subcore>, window_params = [{transform_indices = #map}, {transform_indices = #map}, {transform_indices = #map1}, {transform_indices = #map1}, {transform_indices = #map1}]} {
    %mul3A = arith.constant 2 : i32
    %mul3A_0 = arith.muli %arg1, %mul3A : i32
    %add3A = arith.addi %mul3A_0, %arg0 : i32
    %mul3A_1 = arith.constant 32 : i32
    %mul3A_2 = arith.muli %add3A, %mul3A_1 : i32
    "tpu.region"() ({
      %run_scoped3A = tpu.sem_alloc : memref<!tpu.dma_semaphore, #tpu.memory_space<semaphore_mem>>
      %dma_start3A_1353 = tpu.memref_slice %arg4[%mul3A_2] : memref<1024xi32, #tpu.memory_space<hbm>> -> memref<32xi32, #tpu.memory_space<hbm>>
      %dma_start3A_1354 = tpu.memref_slice %arg4[%mul3A_2] : memref<1024xi32, #tpu.memory_space<hbm>> -> memref<32xi32, #tpu.memory_space<hbm>>
      tpu.enqueue_dma source(%dma_start3A_1354 : memref<32xi32, #tpu.memory_space<hbm>>) target(%arg7 : memref<32xi32, #tpu.memory_space<vmem>>) target_semaphore(%run_scoped3A : memref<!tpu.dma_semaphore, #tpu.memory_space<semaphore_mem>>)
      %dma_wait3A_1355 = tpu.memref_slice %arg4[%mul3A_2] : memref<1024xi32, #tpu.memory_space<hbm>> -> memref<32xi32, #tpu.memory_space<hbm>>
      %dma_wait3A_1356 = tpu.memref_slice %arg4[%mul3A_2] : memref<1024xi32, #tpu.memory_space<hbm>> -> memref<32xi32, #tpu.memory_space<hbm>>
      tpu.wait_dma2 semaphore(%run_scoped3A : memref<!tpu.dma_semaphore, #tpu.memory_space<semaphore_mem>>) src(%dma_wait3A_1356 : memref<32xi32, #tpu.memory_space<hbm>>) dst(%arg7 : memref<32xi32, #tpu.memory_space<vmem>>)
      tpu.yield
    }) : () -> ()
    %get3A = arith.constant 0 : index
    %get3A_3 = tpu.vector_load %arg7[%get3A] {strides = array<i32>} : memref<32xi32, #tpu.memory_space<vmem>>, vector<16xi32>,
    %slice3A = vector.extract_strided_slice %get3A_3 {offsets = [0], sizes = [1], strides = [1]} : vector<16xi32> to vector<1xi32>
    %squeeze3A = vector.extract %slice3A[0] : i32 from vector<1xi32>
    %and3A = arith.constant -128 : i32
    %and3A_4 = arith.andi %squeeze3A, %and3A : i32
    %multiple_of3A = tpu.assume_multiple %and3A_4, 128 : i32
    %add3A_5 = arith.constant 0 : i32
    %add3A_6 = arith.addi %mul3A_2, %add3A_5 : i32
    %dma_start3A = arith.constant 0 : i32
    %dma_start3A_7 = arith.constant 0 : i32
    %dma_start3A_8 = tpu.memref_slice %arg8[%dma_start3A, %dma_start3A_7] : memref<256x128xf32, #tpu.memory_space<vmem>> -> memref<8x128xf32, #tpu.memory_space<vmem>>
    %dma_start3A_9 = tpu.memref_slice %arg2[%add3A_6, %multiple_of3A] : memref<1024x100000xf32, #tpu.memory_space<hbm>> -> memref<8x128xf32, #tpu.memory_space<hbm>>
    %dma_start3A_10 = arith.constant 0 : i32
    %dma_start3A_11 = arith.constant 0 : i32
    %dma_start3A_12 = tpu.memref_slice %arg8[%dma_start3A_10, %dma_start3A_11] : memref<256x128xf32, #tpu.memory_space<vmem>> -> memref<8x128xf32, #tpu.memory_space<vmem>>
    %dma_start3A_13 = tpu.memref_slice %arg2[%add3A_6, %multiple_of3A] : memref<1024x100000xf32, #tpu.memory_space<hbm>> -> memref<8x128xf32, #tpu.memory_space<hbm>>
    tpu.enqueue_dma source(%dma_start3A_13 : memref<8x128xf32, #tpu.memory_space<hbm>>) target(%dma_start3A_12 : memref<8x128xf32, #tpu.memory_space<vmem>>) target_semaphore(%arg12 : memref<!tpu.dma_semaphore, #tpu.memory_space<semaphore_mem>>)
    %add3A_14 = arith.constant 0 : i32
    %add3A_15 = arith.addi %mul3A_2, %add3A_14 : i32
    %dma_start3A_16 = arith.constant 0 : i32
    %dma_start3A_17 = arith.constant 0 : i32
    %dma_start3A_18 = tpu.memref_slice %arg9[%dma_start3A_16, %dma_start3A_17] : memref<256x128xf32, #tpu.memory_space<vmem>> -> memref<8x128xf32, #tpu.memory_space<vmem>>
    %dma_start3A_19 = tpu.memref_slice %arg3[%add3A_15, %multiple_of3A] : memref<1024x100000xf32, #tpu.memory_space<hbm>> -> memref<8x128xf32, #tpu.memory_space<hbm>>
    %dma_start3A_20 = arith.constant 0 : i32
    %dma_start3A_21 = arith.constant 0 : i32
    %dma_start3A_22 = tpu.memref_slice %arg9[%dma_start3A_20, %dma_start3A_21] : memref<256x128xf32, #tpu.memory_space<vmem>> -> memref<8x128xf32, #tpu.memory_space<vmem>>
    %dma_start3A_23 = tpu.memref_slice %arg3[%add3A_15, %multiple_of3A] : memref<1024x100000xf32, #tpu.memory_space<hbm>> -> memref<8x128xf32, #tpu.memory_space<hbm>>
    tpu.enqueue_dma source(%dma_start3A_23 : memref<8x128xf32, #tpu.memory_space<hbm>>) target(%dma_start3A_22 : memref<8x128xf32, #tpu.memory_space<vmem>>) target_semaphore(%arg12 : memref<!tpu.dma_semaphore, #tpu.memory_space<semaphore_mem>>)
    %slice3A_24 = vector.extract_strided_slice %get3A_3 {offsets = [1], sizes = [1], strides = [1]} : vector<16xi32> to vector<1xi32>
    %squeeze3A_25 = vector.extract %slice3A_24[0] : i32 from vector<1xi32>
    %and3A_26 = arith.constant -128 : i32
    %and3A_27 = arith.andi %squeeze3A_25, %and3A_26 : i32
    %multiple_of3A_28 = tpu.assume_multiple %and3A_27, 128 : i32
    %add3A_29 = arith.constant 0 : i32
    %add3A_30 = arith.addi %mul3A_2, %add3A_29 : i32
    %dma_start3A_31 = arith.constant 8 : i32
    %dma_start3A_32 = arith.constant 0 : i32
    %dma_start3A_33 = tpu.memref_slice %arg8[%dma_start3A_31, %dma_start3A_32] : memref<256x128xf32, #tpu.memory_space<vmem>> -> memref<8x128xf32, #tpu.memory_space<vmem>>
    %dma_start3A_34 = tpu.memref_slice %arg2[%add3A_30, %multiple_of3A_28] : memref<1024x100000xf32, #tpu.memory_space<hbm>> -> memref<8x128xf32, #tpu.memory_space<hbm>>
    %dma_start3A_35 = arith.constant 8 : i32
    %dma_start3A_36 = arith.constant 0 : i32
    %dma_start3A_37 = tpu.memref_slice %arg8[%dma_start3A_35, %dma_start3A_36] : memref<256x128xf32, #tpu.memory_space<vmem>> -> memref<8x128xf32, #tpu.memory_space<vmem>>
    %dma_start3A_38 = tpu.memref_slice %arg2[%add3A_30, %multiple_of3A_28] : memref<1024x100000xf32, #tpu.memory_space<hbm>> -> memref<8x128xf32, #tpu.memory_space<hbm>>
    tpu.enqueue_dma source(%dma_start3A_38 : memref<8x128xf32, #tpu.memory_space<hbm>>) target(%dma_start3A_37 : memref<8x128xf32, #tpu.memory_space<vmem>>) target_semaphore(%arg12 : memref<!tpu.dma_semaphore, #tpu.memory_space<semaphore_mem>>)
    %add3A_39 = arith.constant 0 : i32
    %add3A_40 = arith.addi %mul3A_2, %add3A_39 : i32
    %dma_start3A_41 = arith.constant 8 : i32
    %dma_start3A_42 = arith.constant 0 : i32
    %dma_start3A_43 = tpu.memref_slice %arg9[%dma_start3A_41, %dma_start3A_42] : memref<256x128xf32, #tpu.memory_space<vmem>> -> memref<8x128xf32, #tpu.memory_space<vmem>>
    %dma_start3A_44 = tpu.memref_slice %arg3[%add3A_40, %multiple_of3A_28] : memref<1024x100000xf32, #tpu.memory_space<hbm>> -> memref<8x128xf32, #tpu.memory_space<hbm>>
    %dma_start3A_45 = arith.constant 8 : i32
    %dma_start3A_46 = arith.constant 0 : i32
    %dma_start3A_47 = tpu.memref_slice %arg9[%dma_start3A_45, %dma_start3A_46] : memref<256x128xf32, #tpu.memory_space<vmem>> -> memref<8x128xf32, #tpu.memory_space<vmem>>
    %dma_start3A_48 = tpu.memref_slice %arg3[%add3A_40, %multiple_of3A_28] : memref<1024x100000xf32, #tpu.memory_space<hbm>> -> memref<8x128xf32, #tpu.memory_space<hbm>>
    tpu.enqueue_dma source(%dma_start3A_48 : memref<8x128xf32, #tpu.memory_space<hbm>>) target(%dma_start3A_47 : memref<8x128xf32, #tpu.memory_space<vmem>>) target_semaphore(%arg12 : memref<!tpu.dma_semaphore, #tpu.memory_space<semaphore_mem>>)
    %slice3A_49 = vector.extract_strided_slice %get3A_3 {offsets = [2], sizes = [1], strides = [1]} : vector<16xi32> to vector<1xi32>
    %squeeze3A_50 = vector.extract %slice3A_49[0] : i32 from vector<1xi32>
    %and3A_51 = arith.constant -128 : i32
    %and3A_52 = arith.andi %squeeze3A_50, %and3A_51 : i32
    %multiple_of3A_53 = tpu.assume_multiple %and3A_52, 128 : i32
    %add3A_54 = arith.constant 0 : i32
    %add3A_55 = arith.addi %mul3A_2, %add3A_54 : i32
    %dma_start3A_56 = arith.constant 16 : i32
    %dma_start3A_57 = arith.constant 0 : i32
    %dma_start3A_58 = tpu.memref_slice %arg8[%dma_start3A_56, %dma_start3A_57] : memref<256x128xf32, #tpu.memory_space<vmem>> -> memref<8x128xf32, #tpu.memory_space<vmem>>
    %dma_start3A_59 = tpu.memref_slice %arg2[%add3A_55, %multiple_of3A_53] : memref<1024x100000xf32, #tpu.memory_space<hbm>> -> memref<8x128xf32, #tpu.memory_space<hbm>>
    %dma_start3A_60 = arith.constant 16 : i32
    %dma_start3A_61 = arith.constant 0 : i32
    %dma_start3A_62 = tpu.memref_slice %arg8[%dma_start3A_60, %dma_start3A_61] : memref<256x128xf32, #tpu.memory_space<vmem>> -> memref<8x128xf32, #tpu.memory_space<vmem>>
    %dma_start3A_63 = tpu.memref_slice %arg2[%add3A_55, %multiple_of3A_53] : memref<1024x100000xf32, #tpu.memory_space<hbm>> -> memref<8x128xf32, #tpu.memory_space<hbm>>
    tpu.enqueue_dma source(%dma_start3A_63 : memref<8x128xf32, #tpu.memory_space<hbm>>) target(%dma_start3A_62 : memref<8x128xf32, #tpu.memory_space<vmem>>) target_semaphore(%arg12 : memref<!tpu.dma_semaphore, #tpu.memory_space<semaphore_mem>>)
    %add3A_64 = arith.constant 0 : i32
    %add3A_65 = arith.addi %mul3A_2, %add3A_64 : i32
    %dma_start3A_66 = arith.constant 16 : i32
    %dma_start3A_67 = arith.constant 0 : i32
    %dma_start3A_68 = tpu.memref_slice %arg9[%dma_start3A_66, %dma_start3A_67] : memref<256x128xf32, #tpu.memory_space<vmem>> -> memref<8x128xf32, #tpu.memory_space<vmem>>
    %dma_start3A_69 = tpu.memref_slice %arg3[%add3A_65, %multiple_of3A_53] : memref<1024x100000xf32, #tpu.memory_space<hbm>> -> memref<8x128xf32, #tpu.memory_space<hbm>>
    %dma_start3A_70 = arith.constant 16 : i32
    %dma_start3A_71 = arith.constant 0 : i32
    %dma_start3A_72 = tpu.memref_slice %arg9[%dma_start3A_70, %dma_start3A_71] : memref<256x128xf32, #tpu.memory_space<vmem>> -> memref<8x128xf32, #tpu.memory_space<vmem>>
    %dma_start3A_73 = tpu.memref_slice %arg3[%add3A_65, %multiple_of3A_53] : memref<1024x100000xf32, #tpu.memory_space<hbm>> -> memref<8x128xf32, #tpu.memory_space<hbm>>
    tpu.enqueue_dma source(%dma_start3A_73 : memref<8x128xf32, #tpu.memory_space<hbm>>) target(%dma_start3A_72 : memref<8x128xf32, #tpu.memory_space<vmem>>) target_semaphore(%arg12 : memref<!tpu.dma_semaphore, #tpu.memory_space<semaphore_mem>>)
    %slice3A_74 = vector.extract_strided_slice %get3A_3 {offsets = [3], sizes = [1], strides = [1]} : vector<16xi32> to vector<1xi32>
    %squeeze3A_75 = vector.extract %slice3A_74[0] : i32 from vector<1xi32>
    %and3A_76 = arith.constant -128 : i32
    %and3A_77 = arith.andi %squeeze3A_75, %and3A_76 : i32
    %multiple_of3A_78 = tpu.assume_multiple %and3A_77, 128 : i32
    %add3A_79 = arith.constant 0 : i32
    %add3A_80 = arith.addi %mul3A_2, %add3A_79 : i32
    %dma_start3A_81 = arith.constant 24 : i32
    %dma_start3A_82 = arith.constant 0 : i32
    %dma_start3A_83 = tpu.memref_slice %arg8[%dma_start3A_81, %dma_start3A_82] : memref<256x128xf32, #tpu.memory_space<vmem>> -> memref<8x128xf32, #tpu.memory_space<vmem>>
    %dma_start3A_84 = tpu.memref_slice %arg2[%add3A_80, %multiple_of3A_78] : memref<1024x100000xf32, #tpu.memory_space<hbm>> -> memref<8x128xf32, #tpu.memory_space<hbm>>
    %dma_start3A_85 = arith.constant 24 : i32
    %dma_start3A_86 = arith.constant 0 : i32
    %dma_start3A_87 = tpu.memref_slice %arg8[%dma_start3A_85, %dma_start3A_86] : memref<256x128xf32, #tpu.memory_space<vmem>> -> memref<8x128xf32, #tpu.memory_space<vmem>>
    %dma_start3A_88 = tpu.memref_slice %arg2[%add3A_80, %multiple_of3A_78] : memref<1024x100000xf32, #tpu.memory_space<hbm>> -> memref<8x128xf32, #tpu.memory_space<hbm>>
    tpu.enqueue_dma source(%dma_start3A_88 : memref<8x128xf32, #tpu.memory_space<hbm>>) target(%dma_start3A_87 : memref<8x128xf32, #tpu.memory_space<vmem>>) target_semaphore(%arg12 : memref<!tpu.dma_semaphore, #tpu.memory_space<semaphore_mem>>)
    %add3A_89 = arith.constant 0 : i32
    %add3A_90 = arith.addi %mul3A_2, %add3A_89 : i32
    %dma_start3A_91 = arith.constant 24 : i32
    %dma_start3A_92 = arith.constant 0 : i32
    %dma_start3A_93 = tpu.memref_slice %arg9[%dma_start3A_91, %dma_start3A_92] : memref<256x128xf32, #tpu.memory_space<vmem>> -> memref<8x128xf32, #tpu.memory_space<vmem>>
    %dma_start3A_94 = tpu.memref_slice %arg3[%add3A_90, %multiple_of3A_78] : memref<1024x100000xf32, #tpu.memory_space<hbm>> -> memref<8x128xf32, #tpu.memory_space<hbm>>
    %dma_start3A_95 = arith.constant 24 : i32
    %dma_start3A_96 = arith.constant 0 : i32
    %dma_start3A_97 = tpu.memref_slice %arg9[%dma_start3A_95, %dma_start3A_96] : memref<256x128xf32, #tpu.memory_space<vmem>> -> memref<8x128xf32, #tpu.memory_space<vmem>>
    %dma_start3A_98 = tpu.memref_slice %arg3[%add3A_90, %multiple_of3A_78] : memref<1024x100000xf32, #tpu.memory_space<hbm>> -> memref<8x128xf32, #tpu.memory_space<hbm>>
    tpu.enqueue_dma source(%dma_start3A_98 : memref<8x128xf32, #tpu.memory_space<hbm>>) target(%dma_start3A_97 : memref<8x128xf32, #tpu.memory_space<vmem>>) target_semaphore(%arg12 : memref<!tpu.dma_semaphore, #tpu.memory_space<semaphore_mem>>)
    %slice3A_99 = vector.extract_strided_slice %get3A_3 {offsets = [4], sizes = [1], strides = [1]} : vector<16xi32> to vector<1xi32>
    %squeeze3A_100 = vector.extract %slice3A_99[0] : i32 from vector<1xi32>
    %and3A_101 = arith.constant -128 : i32
    %and3A_102 = arith.andi %squeeze3A_100, %and3A_101 : i32
    %multiple_of3A_103 = tpu.assume_multiple %and3A_102, 128 : i32
    %add3A_104 = arith.constant 0 : i32
    %add3A_105 = arith.addi %mul3A_2, %add3A_104 : i32
    %dma_start3A_106 = arith.constant 32 : i32
    %dma_start3A_107 = arith.constant 0 : i32
    %dma_start3A_108 = tpu.memref_slice %arg8[%dma_start3A_106, %dma_start3A_107] : memref<256x128xf32, #tpu.memory_space<vmem>> -> memref<8x128xf32, #tpu.memory_space<vmem>>
    %dma_start3A_109 = tpu.memref_slice %arg2[%add3A_105, %multiple_of3A_103] : memref<1024x100000xf32, #tpu.memory_space<hbm>> -> memref<8x128xf32, #tpu.memory_space<hbm>>
    %dma_start3A_110 = arith.constant 32 : i32
    %dma_start3A_111 = arith.constant 0 : i32
    %dma_start3A_112 = tpu.memref_slice %arg8[%dma_start3A_110, %dma_start3A_111] : memref<256x128xf32, #tpu.memory_space<vmem>> -> memref<8x128xf32, #tpu.memory_space<vmem>>
    %dma_start3A_113 = tpu.memref_slice %arg2[%add3A_105, %multiple_of3A_103] : memref<1024x100000xf32, #tpu.memory_space<hbm>> -> memref<8x128xf32, #tpu.memory_space<hbm>>
    tpu.enqueue_dma source(%dma_start3A_113 : memref<8x128xf32, #tpu.memory_space<hbm>>) target(%dma_start3A_112 : memref<8x128xf32, #tpu.memory_space<vmem>>) target_semaphore(%arg12 : memref<!tpu.dma_semaphore, #tpu.memory_space<semaphore_mem>>)
    %add3A_114 = arith.constant 0 : i32
    %add3A_115 = arith.addi %mul3A_2, %add3A_114 : i32
    %dma_start3A_116 = arith.constant 32 : i32
    %dma_start3A_117 = arith.constant 0 : i32
    %dma_start3A_118 = tpu.memref_slice %arg9[%dma_start3A_116, %dma_start3A_117] : memref<256x128xf32, #tpu.memory_space<vmem>> -> memref<8x128xf32, #tpu.memory_space<vmem>>
    %dma_start3A_119 = tpu.memref_slice %arg3[%add3A_115, %multiple_of3A_103] : memref<1024x100000xf32, #tpu.memory_space<hbm>> -> memref<8x128xf32, #tpu.memory_space<hbm>>
    %dma_start3A_120 = arith.constant 32 : i32
    %dma_start3A_121 = arith.constant 0 : i32
    %dma_start3A_122 = tpu.memref_slice %arg9[%dma_start3A_120, %dma_start3A_121] : memref<256x128xf32, #tpu.memory_space<vmem>> -> memref<8x128xf32, #tpu.memory_space<vmem>>
    %dma_start3A_123 = tpu.memref_slice %arg3[%add3A_115, %multiple_of3A_103] : memref<1024x100000xf32, #tpu.memory_space<hbm>> -> memref<8x128xf32, #tpu.memory_space<hbm>>
    tpu.enqueue_dma source(%dma_start3A_123 : memref<8x128xf32, #tpu.memory_space<hbm>>) target(%dma_start3A_122 : memref<8x128xf32, #tpu.memory_space<vmem>>) target_semaphore(%arg12 : memref<!tpu.dma_semaphore, #tpu.memory_space<semaphore_mem>>)
    %slice3A_124 = vector.extract_strided_slice %get3A_3 {offsets = [5], sizes = [1], strides = [1]} : vector<16xi32> to vector<1xi32>
    %squeeze3A_125 = vector.extract %slice3A_124[0] : i32 from vector<1xi32>
    %and3A_126 = arith.constant -128 : i32
    %and3A_127 = arith.andi %squeeze3A_125, %and3A_126 : i32
    %multiple_of3A_128 = tpu.assume_multiple %and3A_127, 128 : i32
    %add3A_129 = arith.constant 0 : i32
    %add3A_130 = arith.addi %mul3A_2, %add3A_129 : i32
    %dma_start3A_131 = arith.constant 40 : i32
    %dma_start3A_132 = arith.constant 0 : i32
    %dma_start3A_133 = tpu.memref_slice %arg8[%dma_start3A_131, %dma_start3A_132] : memref<256x128xf32, #tpu.memory_space<vmem>> -> memref<8x128xf32, #tpu.memory_space<vmem>>
    %dma_start3A_134 = tpu.memref_slice %arg2[%add3A_130, %multiple_of3A_128] : memref<1024x100000xf32, #tpu.memory_space<hbm>> -> memref<8x128xf32, #tpu.memory_space<hbm>>
    %dma_start3A_135 = arith.constant 40 : i32
    %dma_start3A_136 = arith.constant 0 : i32
    %dma_start3A_137 = tpu.memref_slice %arg8[%dma_start3A_135, %dma_start3A_136] : memref<256x128xf32, #tpu.memory_space<vmem>> -> memref<8x128xf32, #tpu.memory_space<vmem>>
    %dma_start3A_138 = tpu.memref_slice %arg2[%add3A_130, %multiple_of3A_128] : memref<1024x100000xf32, #tpu.memory_space<hbm>> -> memref<8x128xf32, #tpu.memory_space<hbm>>
    tpu.enqueue_dma source(%dma_start3A_138 : memref<8x128xf32, #tpu.memory_space<hbm>>) target(%dma_start3A_137 : memref<8x128xf32, #tpu.memory_space<vmem>>) target_semaphore(%arg12 : memref<!tpu.dma_semaphore, #tpu.memory_space<semaphore_mem>>)
    %add3A_139 = arith.constant 0 : i32
    %add3A_140 = arith.addi %mul3A_2, %add3A_139 : i32
    %dma_start3A_141 = arith.constant 40 : i32
    %dma_start3A_142 = arith.constant 0 : i32
    %dma_start3A_143 = tpu.memref_slice %arg9[%dma_start3A_141, %dma_start3A_142] : memref<256x128xf32, #tpu.memory_space<vmem>> -> memref<8x128xf32, #tpu.memory_space<vmem>>
    %dma_start3A_144 = tpu.memref_slice %arg3[%add3A_140, %multiple_of3A_128] : memref<1024x100000xf32, #tpu.memory_space<hbm>> -> memref<8x128xf32, #tpu.memory_space<hbm>>
    %dma_start3A_145 = arith.constant 40 : i32
    %dma_start3A_146 = arith.constant 0 : i32
    %dma_start3A_147 = tpu.memref_slice %arg9[%dma_start3A_145, %dma_start3A_146] : memref<256x128xf32, #tpu.memory_space<vmem>> -> memref<8x128xf32, #tpu.memory_space<vmem>>
    %dma_start3A_148 = tpu.memref_slice %arg3[%add3A_140, %multiple_of3A_128] : memref<1024x100000xf32, #tpu.memory_space<hbm>> -> memref<8x128xf32, #tpu.memory_space<hbm>>
    tpu.enqueue_dma source(%dma_start3A_148 : memref<8x128xf32, #tpu.memory_space<hbm>>) target(%dma_start3A_147 : memref<8x128xf32, #tpu.memory_space<vmem>>) target_semaphore(%arg12 : memref<!tpu.dma_semaphore, #tpu.memory_space<semaphore_mem>>)
    %slice3A_149 = vector.extract_strided_slice %get3A_3 {offsets = [6], sizes = [1], strides = [1]} : vector<16xi32> to vector<1xi32>
    %squeeze3A_150 = vector.extract %slice3A_149[0] : i32 from vector<1xi32>
    %and3A_151 = arith.constant -128 : i32
    %and3A_152 = arith.andi %squeeze3A_150, %and3A_151 : i32
    %multiple_of3A_153 = tpu.assume_multiple %and3A_152, 128 : i32
    %add3A_154 = arith.constant 0 : i32
    %add3A_155 = arith.addi %mul3A_2, %add3A_154 : i32
    %dma_start3A_156 = arith.constant 48 : i32
    %dma_start3A_157 = arith.constant 0 : i32
    %dma_start3A_158 = tpu.memref_slice %arg8[%dma_start3A_156, %dma_start3A_157] : memref<256x128xf32, #tpu.memory_space<vmem>> -> memref<8x128xf32, #tpu.memory_space<vmem>>
    %dma_start3A_159 = tpu.memref_slice %arg2[%add3A_155, %multiple_of3A_153] : memref<1024x100000xf32, #tpu.memory_space<hbm>> -> memref<8x128xf32, #tpu.memory_space<hbm>>
    %dma_start3A_160 = arith.constant 48 : i32
    %dma_start3A_161 = arith.constant 0 : i32
    %dma_start3A_162 = tpu.memref_slice %arg8[%dma_start3A_160, %dma_start3A_161] : memref<256x128xf32, #tpu.memory_space<vmem>> -> memref<8x128xf32, #tpu.memory_space<vmem>>
    %dma_start3A_163 = tpu.memref_slice %arg2[%add3A_155, %multiple_of3A_153] : memref<1024x100000xf32, #tpu.memory_space<hbm>> -> memref<8x128xf32, #tpu.memory_space<hbm>>
    tpu.enqueue_dma source(%dma_start3A_163 : memref<8x128xf32, #tpu.memory_space<hbm>>) target(%dma_start3A_162 : memref<8x128xf32, #tpu.memory_space<vmem>>) target_semaphore(%arg12 : memref<!tpu.dma_semaphore, #tpu.memory_space<semaphore_mem>>)
    %add3A_164 = arith.constant 0 : i32
    %add3A_165 = arith.addi %mul3A_2, %add3A_164 : i32
    %dma_start3A_166 = arith.constant 48 : i32
    %dma_start3A_167 = arith.constant 0 : i32
    %dma_start3A_168 = tpu.memref_slice %arg9[%dma_start3A_166, %dma_start3A_167] : memref<256x128xf32, #tpu.memory_space<vmem>> -> memref<8x128xf32, #tpu.memory_space<vmem>>
    %dma_start3A_169 = tpu.memref_slice %arg3[%add3A_165, %multiple_of3A_153] : memref<1024x100000xf32, #tpu.memory_space<hbm>> -> memref<8x128xf32, #tpu.memory_space<hbm>>
    %dma_start3A_170 = arith.constant 48 : i32
    %dma_start3A_171 = arith.constant 0 : i32
    %dma_start3A_172 = tpu.memref_slice %arg9[%dma_start3A_170, %dma_start3A_171] : memref<256x128xf32, #tpu.memory_space<vmem>> -> memref<8x128xf32, #tpu.memory_space<vmem>>
    %dma_start3A_173 = tpu.memref_slice %arg3[%add3A_165, %multiple_of3A_153] : memref<1024x100000xf32, #tpu.memory_space<hbm>> -> memref<8x128xf32, #tpu.memory_space<hbm>>
    tpu.enqueue_dma source(%dma_start3A_173 : memref<8x128xf32, #tpu.memory_space<hbm>>) target(%dma_start3A_172 : memref<8x128xf32, #tpu.memory_space<vmem>>) target_semaphore(%arg12 : memref<!tpu.dma_semaphore, #tpu.memory_space<semaphore_mem>>)
    %slice3A_174 = vector.extract_strided_slice %get3A_3 {offsets = [7], sizes = [1], strides = [1]} : vector<16xi32> to vector<1xi32>
    %squeeze3A_175 = vector.extract %slice3A_174[0] : i32 from vector<1xi32>
    %and3A_176 = arith.constant -128 : i32
    %and3A_177 = arith.andi %squeeze3A_175, %and3A_176 : i32
    %multiple_of3A_178 = tpu.assume_multiple %and3A_177, 128 : i32
    %add3A_179 = arith.constant 0 : i32
    %add3A_180 = arith.addi %mul3A_2, %add3A_179 : i32
    %dma_start3A_181 = arith.constant 56 : i32
    %dma_start3A_182 = arith.constant 0 : i32
    %dma_start3A_183 = tpu.memref_slice %arg8[%dma_start3A_181, %dma_start3A_182] : memref<256x128xf32, #tpu.memory_space<vmem>> -> memref<8x128xf32, #tpu.memory_space<vmem>>
    %dma_start3A_184 = tpu.memref_slice %arg2[%add3A_180, %multiple_of3A_178] : memref<1024x100000xf32, #tpu.memory_space<hbm>> -> memref<8x128xf32, #tpu.memory_space<hbm>>
    %dma_start3A_185 = arith.constant 56 : i32
    %dma_start3A_186 = arith.constant 0 : i32
    %dma_start3A_187 = tpu.memref_slice %arg8[%dma_start3A_185, %dma_start3A_186] : memref<256x128xf32, #tpu.memory_space<vmem>> -> memref<8x128xf32, #tpu.memory_space<vmem>>
    %dma_start3A_188 = tpu.memref_slice %arg2[%add3A_180, %multiple_of3A_178] : memref<1024x100000xf32, #tpu.memory_space<hbm>> -> memref<8x128xf32, #tpu.memory_space<hbm>>
    tpu.enqueue_dma source(%dma_start3A_188 : memref<8x128xf32, #tpu.memory_space<hbm>>) target(%dma_start3A_187 : memref<8x128xf32, #tpu.memory_space<vmem>>) target_semaphore(%arg12 : memref<!tpu.dma_semaphore, #tpu.memory_space<semaphore_mem>>)
    %add3A_189 = arith.constant 0 : i32
    %add3A_190 = arith.addi %mul3A_2, %add3A_189 : i32
    %dma_start3A_191 = arith.constant 56 : i32
    %dma_start3A_192 = arith.constant 0 : i32
    %dma_start3A_193 = tpu.memref_slice %arg9[%dma_start3A_191, %dma_start3A_192] : memref<256x128xf32, #tpu.memory_space<vmem>> -> memref<8x128xf32, #tpu.memory_space<vmem>>
    %dma_start3A_194 = tpu.memref_slice %arg3[%add3A_190, %multiple_of3A_178] : memref<1024x100000xf32, #tpu.memory_space<hbm>> -> memref<8x128xf32, #tpu.memory_space<hbm>>
    %dma_start3A_195 = arith.constant 56 : i32
    %dma_start3A_196 = arith.constant 0 : i32
    %dma_start3A_197 = tpu.memref_slice %arg9[%dma_start3A_195, %dma_start3A_196] : memref<256x128xf32, #tpu.memory_space<vmem>> -> memref<8x128xf32, #tpu.memory_space<vmem>>
    %dma_start3A_198 = tpu.memref_slice %arg3[%add3A_190, %multiple_of3A_178] : memref<1024x100000xf32, #tpu.memory_space<hbm>> -> memref<8x128xf32, #tpu.memory_space<hbm>>
    tpu.enqueue_dma source(%dma_start3A_198 : memref<8x128xf32, #tpu.memory_space<hbm>>) target(%dma_start3A_197 : memref<8x128xf32, #tpu.memory_space<vmem>>) target_semaphore(%arg12 : memref<!tpu.dma_semaphore, #tpu.memory_space<semaphore_mem>>)
    %slice3A_199 = vector.extract_strided_slice %get3A_3 {offsets = [8], sizes = [1], strides = [1]} : vector<16xi32> to vector<1xi32>
    %squeeze3A_200 = vector.extract %slice3A_199[0] : i32 from vector<1xi32>
    %and3A_201 = arith.constant -128 : i32
    %and3A_202 = arith.andi %squeeze3A_200, %and3A_201 : i32
    %multiple_of3A_203 = tpu.assume_multiple %and3A_202, 128 : i32
    %add3A_204 = arith.constant 8 : i32
    %add3A_205 = arith.addi %mul3A_2, %add3A_204 : i32
    %dma_start3A_206 = arith.constant 64 : i32
    %dma_start3A_207 = arith.constant 0 : i32
    %dma_start3A_208 = tpu.memref_slice %arg8[%dma_start3A_206, %dma_start3A_207] : memref<256x128xf32, #tpu.memory_space<vmem>> -> memref<8x128xf32, #tpu.memory_space<vmem>>
    %dma_start3A_209 = tpu.memref_slice %arg2[%add3A_205, %multiple_of3A_203] : memref<1024x100000xf32, #tpu.memory_space<hbm>> -> memref<8x128xf32, #tpu.memory_space<hbm>>
    %dma_start3A_210 = arith.constant 64 : i32
    %dma_start3A_211 = arith.constant 0 : i32
    %dma_start3A_212 = tpu.memref_slice %arg8[%dma_start3A_210, %dma_start3A_211] : memref<256x128xf32, #tpu.memory_space<vmem>> -> memref<8x128xf32, #tpu.memory_space<vmem>>
    %dma_start3A_213 = tpu.memref_slice %arg2[%add3A_205, %multiple_of3A_203] : memref<1024x100000xf32, #tpu.memory_space<hbm>> -> memref<8x128xf32, #tpu.memory_space<hbm>>
    tpu.enqueue_dma source(%dma_start3A_213 : memref<8x128xf32, #tpu.memory_space<hbm>>) target(%dma_start3A_212 : memref<8x128xf32, #tpu.memory_space<vmem>>) target_semaphore(%arg12 : memref<!tpu.dma_semaphore, #tpu.memory_space<semaphore_mem>>)
    %add3A_214 = arith.constant 8 : i32
    %add3A_215 = arith.addi %mul3A_2, %add3A_214 : i32
    %dma_start3A_216 = arith.constant 64 : i32
    %dma_start3A_217 = arith.constant 0 : i32
    %dma_start3A_218 = tpu.memref_slice %arg9[%dma_start3A_216, %dma_start3A_217] : memref<256x128xf32, #tpu.memory_space<vmem>> -> memref<8x128xf32, #tpu.memory_space<vmem>>
    %dma_start3A_219 = tpu.memref_slice %arg3[%add3A_215, %multiple_of3A_203] : memref<1024x100000xf32, #tpu.memory_space<hbm>> -> memref<8x128xf32, #tpu.memory_space<hbm>>
    %dma_start3A_220 = arith.constant 64 : i32
    %dma_start3A_221 = arith.constant 0 : i32
    %dma_start3A_222 = tpu.memref_slice %arg9[%dma_start3A_220, %dma_start3A_221] : memref<256x128xf32, #tpu.memory_space<vmem>> -> memref<8x128xf32, #tpu.memory_space<vmem>>
    %dma_start3A_223 = tpu.memref_slice %arg3[%add3A_215, %multiple_of3A_203] : memref<1024x100000xf32, #tpu.memory_space<hbm>> -> memref<8x128xf32, #tpu.memory_space<hbm>>
    tpu.enqueue_dma source(%dma_start3A_223 : memref<8x128xf32, #tpu.memory_space<hbm>>) target(%dma_start3A_222 : memref<8x128xf32, #tpu.memory_space<vmem>>) target_semaphore(%arg12 : memref<!tpu.dma_semaphore, #tpu.memory_space<semaphore_mem>>)
    %slice3A_224 = vector.extract_strided_slice %get3A_3 {offsets = [9], sizes = [1], strides = [1]} : vector<16xi32> to vector<1xi32>
    %squeeze3A_225 = vector.extract %slice3A_224[0] : i32 from vector<1xi32>
    %and3A_226 = arith.constant -128 : i32
    %and3A_227 = arith.andi %squeeze3A_225, %and3A_226 : i32
    %multiple_of3A_228 = tpu.assume_multiple %and3A_227, 128 : i32
    %add3A_229 = arith.constant 8 : i32
    %add3A_230 = arith.addi %mul3A_2, %add3A_229 : i32
    %dma_start3A_231 = arith.constant 72 : i32
    %dma_start3A_232 = arith.constant 0 : i32
    %dma_start3A_233 = tpu.memref_slice %arg8[%dma_start3A_231, %dma_start3A_232] : memref<256x128xf32, #tpu.memory_space<vmem>> -> memref<8x128xf32, #tpu.memory_space<vmem>>
    %dma_start3A_234 = tpu.memref_slice %arg2[%add3A_230, %multiple_of3A_228] : memref<1024x100000xf32, #tpu.memory_space<hbm>> -> memref<8x128xf32, #tpu.memory_space<hbm>>
    %dma_start3A_235 = arith.constant 72 : i32
    %dma_start3A_236 = arith.constant 0 : i32
    %dma_start3A_237 = tpu.memref_slice %arg8[%dma_start3A_235, %dma_start3A_236] : memref<256x128xf32, #tpu.memory_space<vmem>> -> memref<8x128xf32, #tpu.memory_space<vmem>>
    %dma_start3A_238 = tpu.memref_slice %arg2[%add3A_230, %multiple_of3A_228] : memref<1024x100000xf32, #tpu.memory_space<hbm>> -> memref<8x128xf32, #tpu.memory_space<hbm>>
    tpu.enqueue_dma source(%dma_start3A_238 : memref<8x128xf32, #tpu.memory_space<hbm>>) target(%dma_start3A_237 : memref<8x128xf32, #tpu.memory_space<vmem>>) target_semaphore(%arg12 : memref<!tpu.dma_semaphore, #tpu.memory_space<semaphore_mem>>)
    %add3A_239 = arith.constant 8 : i32
    %add3A_240 = arith.addi %mul3A_2, %add3A_239 : i32
    %dma_start3A_241 = arith.constant 72 : i32
    %dma_start3A_242 = arith.constant 0 : i32
    %dma_start3A_243 = tpu.memref_slice %arg9[%dma_start3A_241, %dma_start3A_242] : memref<256x128xf32, #tpu.memory_space<vmem>> -> memref<8x128xf32, #tpu.memory_space<vmem>>
    %dma_start3A_244 = tpu.memref_slice %arg3[%add3A_240, %multiple_of3A_228] : memref<1024x100000xf32, #tpu.memory_space<hbm>> -> memref<8x128xf32, #tpu.memory_space<hbm>>
    %dma_start3A_245 = arith.constant 72 : i32
    %dma_start3A_246 = arith.constant 0 : i32
    %dma_start3A_247 = tpu.memref_slice %arg9[%dma_start3A_245, %dma_start3A_246] : memref<256x128xf32, #tpu.memory_space<vmem>> -> memref<8x128xf32, #tpu.memory_space<vmem>>
    %dma_start3A_248 = tpu.memref_slice %arg3[%add3A_240, %multiple_of3A_228] : memref<1024x100000xf32, #tpu.memory_space<hbm>> -> memref<8x128xf32, #tpu.memory_space<hbm>>
    tpu.enqueue_dma source(%dma_start3A_248 : memref<8x128xf32, #tpu.memory_space<hbm>>) target(%dma_start3A_247 : memref<8x128xf32, #tpu.memory_space<vmem>>) target_semaphore(%arg12 : memref<!tpu.dma_semaphore, #tpu.memory_space<semaphore_mem>>)
    %slice3A_249 = vector.extract_strided_slice %get3A_3 {offsets = [10], sizes = [1], strides = [1]} : vector<16xi32> to vector<1xi32>
    %squeeze3A_250 = vector.extract %slice3A_249[0] : i32 from vector<1xi32>
    %and3A_251 = arith.constant -128 : i32
    %and3A_252 = arith.andi %squeeze3A_250, %and3A_251 : i32
    %multiple_of3A_253 = tpu.assume_multiple %and3A_252, 128 : i32
    %add3A_254 = arith.constant 8 : i32
    %add3A_255 = arith.addi %mul3A_2, %add3A_254 : i32
    %dma_start3A_256 = arith.constant 80 : i32
    %dma_start3A_257 = arith.constant 0 : i32
    %dma_start3A_258 = tpu.memref_slice %arg8[%dma_start3A_256, %dma_start3A_257] : memref<256x128xf32, #tpu.memory_space<vmem>> -> memref<8x128xf32, #tpu.memory_space<vmem>>
    %dma_start3A_259 = tpu.memref_slice %arg2[%add3A_255, %multiple_of3A_253] : memref<1024x100000xf32, #tpu.memory_space<hbm>> -> memref<8x128xf32, #tpu.memory_space<hbm>>
    %dma_start3A_260 = arith.constant 80 : i32
    %dma_start3A_261 = arith.constant 0 : i32
    %dma_start3A_262 = tpu.memref_slice %arg8[%dma_start3A_260, %dma_start3A_261] : memref<256x128xf32, #tpu.memory_space<vmem>> -> memref<8x128xf32, #tpu.memory_space<vmem>>
    %dma_start3A_263 = tpu.memref_slice %arg2[%add3A_255, %multiple_of3A_253] : memref<1024x100000xf32, #tpu.memory_space<hbm>> -> memref<8x128xf32, #tpu.memory_space<hbm>>
    tpu.enqueue_dma source(%dma_start3A_263 : memref<8x128xf32, #tpu.memory_space<hbm>>) target(%dma_start3A_262 : memref<8x128xf32, #tpu.memory_space<vmem>>) target_semaphore(%arg12 : memref<!tpu.dma_semaphore, #tpu.memory_space<semaphore_mem>>)
    %add3A_264 = arith.constant 8 : i32
    %add3A_265 = arith.addi %mul3A_2, %add3A_264 : i32
    %dma_start3A_266 = arith.constant 80 : i32
    %dma_start3A_267 = arith.constant 0 : i32
    %dma_start3A_268 = tpu.memref_slice %arg9[%dma_start3A_266, %dma_start3A_267] : memref<256x128xf32, #tpu.memory_space<vmem>> -> memref<8x128xf32, #tpu.memory_space<vmem>>
    %dma_start3A_269 = tpu.memref_slice %arg3[%add3A_265, %multiple_of3A_253] : memref<1024x100000xf32, #tpu.memory_space<hbm>> -> memref<8x128xf32, #tpu.memory_space<hbm>>
    %dma_start3A_270 = arith.constant 80 : i32
    %dma_start3A_271 = arith.constant 0 : i32
    %dma_start3A_272 = tpu.memref_slice %arg9[%dma_start3A_270, %dma_start3A_271] : memref<256x128xf32, #tpu.memory_space<vmem>> -> memref<8x128xf32, #tpu.memory_space<vmem>>
    %dma_start3A_273 = tpu.memref_slice %arg3[%add3A_265, %multiple_of3A_253] : memref<1024x100000xf32, #tpu.memory_space<hbm>> -> memref<8x128xf32, #tpu.memory_space<hbm>>
    tpu.enqueue_dma source(%dma_start3A_273 : memref<8x128xf32, #tpu.memory_space<hbm>>) target(%dma_start3A_272 : memref<8x128xf32, #tpu.memory_space<vmem>>) target_semaphore(%arg12 : memref<!tpu.dma_semaphore, #tpu.memory_space<semaphore_mem>>)
    %slice3A_274 = vector.extract_strided_slice %get3A_3 {offsets = [11], sizes = [1], strides = [1]} : vector<16xi32> to vector<1xi32>
    %squeeze3A_275 = vector.extract %slice3A_274[0] : i32 from vector<1xi32>
    %and3A_276 = arith.constant -128 : i32
    %and3A_277 = arith.andi %squeeze3A_275, %and3A_276 : i32
    %multiple_of3A_278 = tpu.assume_multiple %and3A_277, 128 : i32
    %add3A_279 = arith.constant 8 : i32
    %add3A_280 = arith.addi %mul3A_2, %add3A_279 : i32
    %dma_start3A_281 = arith.constant 88 : i32
    %dma_start3A_282 = arith.constant 0 : i32
    %dma_start3A_283 = tpu.memref_slice %arg8[%dma_start3A_281, %dma_start3A_282] : memref<256x128xf32, #tpu.memory_space<vmem>> -> memref<8x128xf32, #tpu.memory_space<vmem>>
    %dma_start3A_284 = tpu.memref_slice %arg2[%add3A_280, %multiple_of3A_278] : memref<1024x100000xf32, #tpu.memory_space<hbm>> -> memref<8x128xf32, #tpu.memory_space<hbm>>
    %dma_start3A_285 = arith.constant 88 : i32
    %dma_start3A_286 = arith.constant 0 : i32
    %dma_start3A_287 = tpu.memref_slice %arg8[%dma_start3A_285, %dma_start3A_286] : memref<256x128xf32, #tpu.memory_space<vmem>> -> memref<8x128xf32, #tpu.memory_space<vmem>>
    %dma_start3A_288 = tpu.memref_slice %arg2[%add3A_280, %multiple_of3A_278] : memref<1024x100000xf32, #tpu.memory_space<hbm>> -> memref<8x128xf32, #tpu.memory_space<hbm>>
    tpu.enqueue_dma source(%dma_start3A_288 : memref<8x128xf32, #tpu.memory_space<hbm>>) target(%dma_start3A_287 : memref<8x128xf32, #tpu.memory_space<vmem>>) target_semaphore(%arg12 : memref<!tpu.dma_semaphore, #tpu.memory_space<semaphore_mem>>)
    %add3A_289 = arith.constant 8 : i32
    %add3A_290 = arith.addi %mul3A_2, %add3A_289 : i32
    %dma_start3A_291 = arith.constant 88 : i32
    %dma_start3A_292 = arith.constant 0 : i32
    %dma_start3A_293 = tpu.memref_slice %arg9[%dma_start3A_291, %dma_start3A_292] : memref<256x128xf32, #tpu.memory_space<vmem>> -> memref<8x128xf32, #tpu.memory_space<vmem>>
    %dma_start3A_294 = tpu.memref_slice %arg3[%add3A_290, %multiple_of3A_278] : memref<1024x100000xf32, #tpu.memory_space<hbm>> -> memref<8x128xf32, #tpu.memory_space<hbm>>
    %dma_start3A_295 = arith.constant 88 : i32
    %dma_start3A_296 = arith.constant 0 : i32
    %dma_start3A_297 = tpu.memref_slice %arg9[%dma_start3A_295, %dma_start3A_296] : memref<256x128xf32, #tpu.memory_space<vmem>> -> memref<8x128xf32, #tpu.memory_space<vmem>>
    %dma_start3A_298 = tpu.memref_slice %arg3[%add3A_290, %multiple_of3A_278] : memref<1024x100000xf32, #tpu.memory_space<hbm>> -> memref<8x128xf32, #tpu.memory_space<hbm>>
    tpu.enqueue_dma source(%dma_start3A_298 : memref<8x128xf32, #tpu.memory_space<hbm>>) target(%dma_start3A_297 : memref<8x128xf32, #tpu.memory_space<vmem>>) target_semaphore(%arg12 : memref<!tpu.dma_semaphore, #tpu.memory_space<semaphore_mem>>)
    %slice3A_299 = vector.extract_strided_slice %get3A_3 {offsets = [12], sizes = [1], strides = [1]} : vector<16xi32> to vector<1xi32>
    %squeeze3A_300 = vector.extract %slice3A_299[0] : i32 from vector<1xi32>
    %and3A_301 = arith.constant -128 : i32
    %and3A_302 = arith.andi %squeeze3A_300, %and3A_301 : i32
    %multiple_of3A_303 = tpu.assume_multiple %and3A_302, 128 : i32
    %add3A_304 = arith.constant 8 : i32
    %add3A_305 = arith.addi %mul3A_2, %add3A_304 : i32
    %dma_start3A_306 = arith.constant 96 : i32
    %dma_start3A_307 = arith.constant 0 : i32
    %dma_start3A_308 = tpu.memref_slice %arg8[%dma_start3A_306, %dma_start3A_307] : memref<256x128xf32, #tpu.memory_space<vmem>> -> memref<8x128xf32, #tpu.memory_space<vmem>>
    %dma_start3A_309 = tpu.memref_slice %arg2[%add3A_305, %multiple_of3A_303] : memref<1024x100000xf32, #tpu.memory_space<hbm>> -> memref<8x128xf32, #tpu.memory_space<hbm>>
    %dma_start3A_310 = arith.constant 96 : i32
    %dma_start3A_311 = arith.constant 0 : i32
    %dma_start3A_312 = tpu.memref_slice %arg8[%dma_start3A_310, %dma_start3A_311] : memref<256x128xf32, #tpu.memory_space<vmem>> -> memref<8x128xf32, #tpu.memory_space<vmem>>
    %dma_start3A_313 = tpu.memref_slice %arg2[%add3A_305, %multiple_of3A_303] : memref<1024x100000xf32, #tpu.memory_space<hbm>> -> memref<8x128xf32, #tpu.memory_space<hbm>>
    tpu.enqueue_dma source(%dma_start3A_313 : memref<8x128xf32, #tpu.memory_space<hbm>>) target(%dma_start3A_312 : memref<8x128xf32, #tpu.memory_space<vmem>>) target_semaphore(%arg12 : memref<!tpu.dma_semaphore, #tpu.memory_space<semaphore_mem>>)
    %add3A_314 = arith.constant 8 : i32
    %add3A_315 = arith.addi %mul3A_2, %add3A_314 : i32
    %dma_start3A_316 = arith.constant 96 : i32
    %dma_start3A_317 = arith.constant 0 : i32
    %dma_start3A_318 = tpu.memref_slice %arg9[%dma_start3A_316, %dma_start3A_317] : memref<256x128xf32, #tpu.memory_space<vmem>> -> memref<8x128xf32, #tpu.memory_space<vmem>>
    %dma_start3A_319 = tpu.memref_slice %arg3[%add3A_315, %multiple_of3A_303] : memref<1024x100000xf32, #tpu.memory_space<hbm>> -> memref<8x128xf32, #tpu.memory_space<hbm>>
    %dma_start3A_320 = arith.constant 96 : i32
    %dma_start3A_321 = arith.constant 0 : i32
    %dma_start3A_322 = tpu.memref_slice %arg9[%dma_start3A_320, %dma_start3A_321] : memref<256x128xf32, #tpu.memory_space<vmem>> -> memref<8x128xf32, #tpu.memory_space<vmem>>
    %dma_start3A_323 = tpu.memref_slice %arg3[%add3A_315, %multiple_of3A_303] : memref<1024x100000xf32, #tpu.memory_space<hbm>> -> memref<8x128xf32, #tpu.memory_space<hbm>>
    tpu.enqueue_dma source(%dma_start3A_323 : memref<8x128xf32, #tpu.memory_space<hbm>>) target(%dma_start3A_322 : memref<8x128xf32, #tpu.memory_space<vmem>>) target_semaphore(%arg12 : memref<!tpu.dma_semaphore, #tpu.memory_space<semaphore_mem>>)
    %slice3A_324 = vector.extract_strided_slice %get3A_3 {offsets = [13], sizes = [1], strides = [1]} : vector<16xi32> to vector<1xi32>
    %squeeze3A_325 = vector.extract %slice3A_324[0] : i32 from vector<1xi32>
    %and3A_326 = arith.constant -128 : i32
    %and3A_327 = arith.andi %squeeze3A_325, %and3A_326 : i32
    %multiple_of3A_328 = tpu.assume_multiple %and3A_327, 128 : i32
    %add3A_329 = arith.constant 8 : i32
    %add3A_330 = arith.addi %mul3A_2, %add3A_329 : i32
    %dma_start3A_331 = arith.constant 104 : i32
    %dma_start3A_332 = arith.constant 0 : i32
    %dma_start3A_333 = tpu.memref_slice %arg8[%dma_start3A_331, %dma_start3A_332] : memref<256x128xf32, #tpu.memory_space<vmem>> -> memref<8x128xf32, #tpu.memory_space<vmem>>
    %dma_start3A_334 = tpu.memref_slice %arg2[%add3A_330, %multiple_of3A_328] : memref<1024x100000xf32, #tpu.memory_space<hbm>> -> memref<8x128xf32, #tpu.memory_space<hbm>>
    %dma_start3A_335 = arith.constant 104 : i32
    %dma_start3A_336 = arith.constant 0 : i32
    %dma_start3A_337 = tpu.memref_slice %arg8[%dma_start3A_335, %dma_start3A_336] : memref<256x128xf32, #tpu.memory_space<vmem>> -> memref<8x128xf32, #tpu.memory_space<vmem>>
    %dma_start3A_338 = tpu.memref_slice %arg2[%add3A_330, %multiple_of3A_328] : memref<1024x100000xf32, #tpu.memory_space<hbm>> -> memref<8x128xf32, #tpu.memory_space<hbm>>
    tpu.enqueue_dma source(%dma_start3A_338 : memref<8x128xf32, #tpu.memory_space<hbm>>) target(%dma_start3A_337 : memref<8x128xf32, #tpu.memory_space<vmem>>) target_semaphore(%arg12 : memref<!tpu.dma_semaphore, #tpu.memory_space<semaphore_mem>>)
    %add3A_339 = arith.constant 8 : i32
    %add3A_340 = arith.addi %mul3A_2, %add3A_339 : i32
    %dma_start3A_341 = arith.constant 104 : i32
    %dma_start3A_342 = arith.constant 0 : i32
    %dma_start3A_343 = tpu.memref_slice %arg9[%dma_start3A_341, %dma_start3A_342] : memref<256x128xf32, #tpu.memory_space<vmem>> -> memref<8x128xf32, #tpu.memory_space<vmem>>
    %dma_start3A_344 = tpu.memref_slice %arg3[%add3A_340, %multiple_of3A_328] : memref<1024x100000xf32, #tpu.memory_space<hbm>> -> memref<8x128xf32, #tpu.memory_space<hbm>>
    %dma_start3A_345 = arith.constant 104 : i32
    %dma_start3A_346 = arith.constant 0 : i32
    %dma_start3A_347 = tpu.memref_slice %arg9[%dma_start3A_345, %dma_start3A_346] : memref<256x128xf32, #tpu.memory_space<vmem>> -> memref<8x128xf32, #tpu.memory_space<vmem>>
    %dma_start3A_348 = tpu.memref_slice %arg3[%add3A_340, %multiple_of3A_328] : memref<1024x100000xf32, #tpu.memory_space<hbm>> -> memref<8x128xf32, #tpu.memory_space<hbm>>
    tpu.enqueue_dma source(%dma_start3A_348 : memref<8x128xf32, #tpu.memory_space<hbm>>) target(%dma_start3A_347 : memref<8x128xf32, #tpu.memory_space<vmem>>) target_semaphore(%arg12 : memref<!tpu.dma_semaphore, #tpu.memory_space<semaphore_mem>>)
    %slice3A_349 = vector.extract_strided_slice %get3A_3 {offsets = [14], sizes = [1], strides = [1]} : vector<16xi32> to vector<1xi32>
    %squeeze3A_350 = vector.extract %slice3A_349[0] : i32 from vector<1xi32>
    %and3A_351 = arith.constant -128 : i32
    %and3A_352 = arith.andi %squeeze3A_350, %and3A_351 : i32
    %multiple_of3A_353 = tpu.assume_multiple %and3A_352, 128 : i32
    %add3A_354 = arith.constant 8 : i32
    %add3A_355 = arith.addi %mul3A_2, %add3A_354 : i32
    %dma_start3A_356 = arith.constant 112 : i32
    %dma_start3A_357 = arith.constant 0 : i32
    %dma_start3A_358 = tpu.memref_slice %arg8[%dma_start3A_356, %dma_start3A_357] : memref<256x128xf32, #tpu.memory_space<vmem>> -> memref<8x128xf32, #tpu.memory_space<vmem>>
    %dma_start3A_359 = tpu.memref_slice %arg2[%add3A_355, %multiple_of3A_353] : memref<1024x100000xf32, #tpu.memory_space<hbm>> -> memref<8x128xf32, #tpu.memory_space<hbm>>
    %dma_start3A_360 = arith.constant 112 : i32
    %dma_start3A_361 = arith.constant 0 : i32
    %dma_start3A_362 = tpu.memref_slice %arg8[%dma_start3A_360, %dma_start3A_361] : memref<256x128xf32, #tpu.memory_space<vmem>> -> memref<8x128xf32, #tpu.memory_space<vmem>>
    %dma_start3A_363 = tpu.memref_slice %arg2[%add3A_355, %multiple_of3A_353] : memref<1024x100000xf32, #tpu.memory_space<hbm>> -> memref<8x128xf32, #tpu.memory_space<hbm>>
    tpu.enqueue_dma source(%dma_start3A_363 : memref<8x128xf32, #tpu.memory_space<hbm>>) target(%dma_start3A_362 : memref<8x128xf32, #tpu.memory_space<vmem>>) target_semaphore(%arg12 : memref<!tpu.dma_semaphore, #tpu.memory_space<semaphore_mem>>)
    %add3A_364 = arith.constant 8 : i32
    %add3A_365 = arith.addi %mul3A_2, %add3A_364 : i32
    %dma_start3A_366 = arith.constant 112 : i32
    %dma_start3A_367 = arith.constant 0 : i32
    %dma_start3A_368 = tpu.memref_slice %arg9[%dma_start3A_366, %dma_start3A_367] : memref<256x128xf32, #tpu.memory_space<vmem>> -> memref<8x128xf32, #tpu.memory_space<vmem>>
    %dma_start3A_369 = tpu.memref_slice %arg3[%add3A_365, %multiple_of3A_353] : memref<1024x100000xf32, #tpu.memory_space<hbm>> -> memref<8x128xf32, #tpu.memory_space<hbm>>
    %dma_start3A_370 = arith.constant 112 : i32
    %dma_start3A_371 = arith.constant 0 : i32
    %dma_start3A_372 = tpu.memref_slice %arg9[%dma_start3A_370, %dma_start3A_371] : memref<256x128xf32, #tpu.memory_space<vmem>> -> memref<8x128xf32, #tpu.memory_space<vmem>>
    %dma_start3A_373 = tpu.memref_slice %arg3[%add3A_365, %multiple_of3A_353] : memref<1024x100000xf32, #tpu.memory_space<hbm>> -> memref<8x128xf32, #tpu.memory_space<hbm>>
    tpu.enqueue_dma source(%dma_start3A_373 : memref<8x128xf32, #tpu.memory_space<hbm>>) target(%dma_start3A_372 : memref<8x128xf32, #tpu.memory_space<vmem>>) target_semaphore(%arg12 : memref<!tpu.dma_semaphore, #tpu.memory_space<semaphore_mem>>)
    %slice3A_374 = vector.extract_strided_slice %get3A_3 {offsets = [15], sizes = [1], strides = [1]} : vector<16xi32> to vector<1xi32>
    %squeeze3A_375 = vector.extract %slice3A_374[0] : i32 from vector<1xi32>
    %and3A_376 = arith.constant -128 : i32
    %and3A_377 = arith.andi %squeeze3A_375, %and3A_376 : i32
    %multiple_of3A_378 = tpu.assume_multiple %and3A_377, 128 : i32
    %add3A_379 = arith.constant 8 : i32
    %add3A_380 = arith.addi %mul3A_2, %add3A_379 : i32
    %dma_start3A_381 = arith.constant 120 : i32
    %dma_start3A_382 = arith.constant 0 : i32
    %dma_start3A_383 = tpu.memref_slice %arg8[%dma_start3A_381, %dma_start3A_382] : memref<256x128xf32, #tpu.memory_space<vmem>> -> memref<8x128xf32, #tpu.memory_space<vmem>>
    %dma_start3A_384 = tpu.memref_slice %arg2[%add3A_380, %multiple_of3A_378] : memref<1024x100000xf32, #tpu.memory_space<hbm>> -> memref<8x128xf32, #tpu.memory_space<hbm>>
    %dma_start3A_385 = arith.constant 120 : i32
    %dma_start3A_386 = arith.constant 0 : i32
    %dma_start3A_387 = tpu.memref_slice %arg8[%dma_start3A_385, %dma_start3A_386] : memref<256x128xf32, #tpu.memory_space<vmem>> -> memref<8x128xf32, #tpu.memory_space<vmem>>
    %dma_start3A_388 = tpu.memref_slice %arg2[%add3A_380, %multiple_of3A_378] : memref<1024x100000xf32, #tpu.memory_space<hbm>> -> memref<8x128xf32, #tpu.memory_space<hbm>>
    tpu.enqueue_dma source(%dma_start3A_388 : memref<8x128xf32, #tpu.memory_space<hbm>>) target(%dma_start3A_387 : memref<8x128xf32, #tpu.memory_space<vmem>>) target_semaphore(%arg12 : memref<!tpu.dma_semaphore, #tpu.memory_space<semaphore_mem>>)
    %add3A_389 = arith.constant 8 : i32
    %add3A_390 = arith.addi %mul3A_2, %add3A_389 : i32
    %dma_start3A_391 = arith.constant 120 : i32
    %dma_start3A_392 = arith.constant 0 : i32
    %dma_start3A_393 = tpu.memref_slice %arg9[%dma_start3A_391, %dma_start3A_392] : memref<256x128xf32, #tpu.memory_space<vmem>> -> memref<8x128xf32, #tpu.memory_space<vmem>>
    %dma_start3A_394 = tpu.memref_slice %arg3[%add3A_390, %multiple_of3A_378] : memref<1024x100000xf32, #tpu.memory_space<hbm>> -> memref<8x128xf32, #tpu.memory_space<hbm>>
    %dma_start3A_395 = arith.constant 120 : i32
    %dma_start3A_396 = arith.constant 0 : i32
    %dma_start3A_397 = tpu.memref_slice %arg9[%dma_start3A_395, %dma_start3A_396] : memref<256x128xf32, #tpu.memory_space<vmem>> -> memref<8x128xf32, #tpu.memory_space<vmem>>
    %dma_start3A_398 = tpu.memref_slice %arg3[%add3A_390, %multiple_of3A_378] : memref<1024x100000xf32, #tpu.memory_space<hbm>> -> memref<8x128xf32, #tpu.memory_space<hbm>>
    tpu.enqueue_dma source(%dma_start3A_398 : memref<8x128xf32, #tpu.memory_space<hbm>>) target(%dma_start3A_397 : memref<8x128xf32, #tpu.memory_space<vmem>>) target_semaphore(%arg12 : memref<!tpu.dma_semaphore, #tpu.memory_space<semaphore_mem>>)
    %get3A_399 = arith.constant 16 : index
    %get3A_400 = tpu.vector_load %arg7[%get3A_399] {strides = array<i32>} : memref<32xi32, #tpu.memory_space<vmem>>, vector<16xi32>,
    %slice3A_401 = vector.extract_strided_slice %get3A_400 {offsets = [0], sizes = [1], strides = [1]} : vector<16xi32> to vector<1xi32>
    %squeeze3A_402 = vector.extract %slice3A_401[0] : i32 from vector<1xi32>
    %and3A_403 = arith.constant -128 : i32
    %and3A_404 = arith.andi %squeeze3A_402, %and3A_403 : i32
    %multiple_of3A_405 = tpu.assume_multiple %and3A_404, 128 : i32
    %add3A_406 = arith.constant 16 : i32
    %add3A_407 = arith.addi %mul3A_2, %add3A_406 : i32
    %dma_start3A_408 = arith.constant 128 : i32
    %dma_start3A_409 = arith.constant 0 : i32
    %dma_start3A_410 = tpu.memref_slice %arg8[%dma_start3A_408, %dma_start3A_409] : memref<256x128xf32, #tpu.memory_space<vmem>> -> memref<8x128xf32, #tpu.memory_space<vmem>>
    %dma_start3A_411 = tpu.memref_slice %arg2[%add3A_407, %multiple_of3A_405] : memref<1024x100000xf32, #tpu.memory_space<hbm>> -> memref<8x128xf32, #tpu.memory_space<hbm>>
    %dma_start3A_412 = arith.constant 128 : i32
    %dma_start3A_413 = arith.constant 0 : i32
    %dma_start3A_414 = tpu.memref_slice %arg8[%dma_start3A_412, %dma_start3A_413] : memref<256x128xf32, #tpu.memory_space<vmem>> -> memref<8x128xf32, #tpu.memory_space<vmem>>
    %dma_start3A_415 = tpu.memref_slice %arg2[%add3A_407, %multiple_of3A_405] : memref<1024x100000xf32, #tpu.memory_space<hbm>> -> memref<8x128xf32, #tpu.memory_space<hbm>>
    tpu.enqueue_dma source(%dma_start3A_415 : memref<8x128xf32, #tpu.memory_space<hbm>>) target(%dma_start3A_414 : memref<8x128xf32, #tpu.memory_space<vmem>>) target_semaphore(%arg12 : memref<!tpu.dma_semaphore, #tpu.memory_space<semaphore_mem>>)
    %add3A_416 = arith.constant 16 : i32
    %add3A_417 = arith.addi %mul3A_2, %add3A_416 : i32
    %dma_start3A_418 = arith.constant 128 : i32
    %dma_start3A_419 = arith.constant 0 : i32
    %dma_start3A_420 = tpu.memref_slice %arg9[%dma_start3A_418, %dma_start3A_419] : memref<256x128xf32, #tpu.memory_space<vmem>> -> memref<8x128xf32, #tpu.memory_space<vmem>>
    %dma_start3A_421 = tpu.memref_slice %arg3[%add3A_417, %multiple_of3A_405] : memref<1024x100000xf32, #tpu.memory_space<hbm>> -> memref<8x128xf32, #tpu.memory_space<hbm>>
    %dma_start3A_422 = arith.constant 128 : i32
    %dma_start3A_423 = arith.constant 0 : i32
    %dma_start3A_424 = tpu.memref_slice %arg9[%dma_start3A_422, %dma_start3A_423] : memref<256x128xf32, #tpu.memory_space<vmem>> -> memref<8x128xf32, #tpu.memory_space<vmem>>
    %dma_start3A_425 = tpu.memref_slice %arg3[%add3A_417, %multiple_of3A_405] : memref<1024x100000xf32, #tpu.memory_space<hbm>> -> memref<8x128xf32, #tpu.memory_space<hbm>>
    tpu.enqueue_dma source(%dma_start3A_425 : memref<8x128xf32, #tpu.memory_space<hbm>>) target(%dma_start3A_424 : memref<8x128xf32, #tpu.memory_space<vmem>>) target_semaphore(%arg12 : memref<!tpu.dma_semaphore, #tpu.memory_space<semaphore_mem>>)
    %slice3A_426 = vector.extract_strided_slice %get3A_400 {offsets = [1], sizes = [1], strides = [1]} : vector<16xi32> to vector<1xi32>
    %squeeze3A_427 = vector.extract %slice3A_426[0] : i32 from vector<1xi32>
    %and3A_428 = arith.constant -128 : i32
    %and3A_429 = arith.andi %squeeze3A_427, %and3A_428 : i32
    %multiple_of3A_430 = tpu.assume_multiple %and3A_429, 128 : i32
    %add3A_431 = arith.constant 16 : i32
    %add3A_432 = arith.addi %mul3A_2, %add3A_431 : i32
    %dma_start3A_433 = arith.constant 136 : i32
    %dma_start3A_434 = arith.constant 0 : i32
    %dma_start3A_435 = tpu.memref_slice %arg8[%dma_start3A_433, %dma_start3A_434] : memref<256x128xf32, #tpu.memory_space<vmem>> -> memref<8x128xf32, #tpu.memory_space<vmem>>
    %dma_start3A_436 = tpu.memref_slice %arg2[%add3A_432, %multiple_of3A_430] : memref<1024x100000xf32, #tpu.memory_space<hbm>> -> memref<8x128xf32, #tpu.memory_space<hbm>>
    %dma_start3A_437 = arith.constant 136 : i32
    %dma_start3A_438 = arith.constant 0 : i32
    %dma_start3A_439 = tpu.memref_slice %arg8[%dma_start3A_437, %dma_start3A_438] : memref<256x128xf32, #tpu.memory_space<vmem>> -> memref<8x128xf32, #tpu.memory_space<vmem>>
    %dma_start3A_440 = tpu.memref_slice %arg2[%add3A_432, %multiple_of3A_430] : memref<1024x100000xf32, #tpu.memory_space<hbm>> -> memref<8x128xf32, #tpu.memory_space<hbm>>
    tpu.enqueue_dma source(%dma_start3A_440 : memref<8x128xf32, #tpu.memory_space<hbm>>) target(%dma_start3A_439 : memref<8x128xf32, #tpu.memory_space<vmem>>) target_semaphore(%arg12 : memref<!tpu.dma_semaphore, #tpu.memory_space<semaphore_mem>>)
    %add3A_441 = arith.constant 16 : i32
    %add3A_442 = arith.addi %mul3A_2, %add3A_441 : i32
    %dma_start3A_443 = arith.constant 136 : i32
    %dma_start3A_444 = arith.constant 0 : i32
    %dma_start3A_445 = tpu.memref_slice %arg9[%dma_start3A_443, %dma_start3A_444] : memref<256x128xf32, #tpu.memory_space<vmem>> -> memref<8x128xf32, #tpu.memory_space<vmem>>
    %dma_start3A_446 = tpu.memref_slice %arg3[%add3A_442, %multiple_of3A_430] : memref<1024x100000xf32, #tpu.memory_space<hbm>> -> memref<8x128xf32, #tpu.memory_space<hbm>>
    %dma_start3A_447 = arith.constant 136 : i32
    %dma_start3A_448 = arith.constant 0 : i32
    %dma_start3A_449 = tpu.memref_slice %arg9[%dma_start3A_447, %dma_start3A_448] : memref<256x128xf32, #tpu.memory_space<vmem>> -> memref<8x128xf32, #tpu.memory_space<vmem>>
    %dma_start3A_450 = tpu.memref_slice %arg3[%add3A_442, %multiple_of3A_430] : memref<1024x100000xf32, #tpu.memory_space<hbm>> -> memref<8x128xf32, #tpu.memory_space<hbm>>
    tpu.enqueue_dma source(%dma_start3A_450 : memref<8x128xf32, #tpu.memory_space<hbm>>) target(%dma_start3A_449 : memref<8x128xf32, #tpu.memory_space<vmem>>) target_semaphore(%arg12 : memref<!tpu.dma_semaphore, #tpu.memory_space<semaphore_mem>>)
    %slice3A_451 = vector.extract_strided_slice %get3A_400 {offsets = [2], sizes = [1], strides = [1]} : vector<16xi32> to vector<1xi32>
    %squeeze3A_452 = vector.extract %slice3A_451[0] : i32 from vector<1xi32>
    %and3A_453 = arith.constant -128 : i32
    %and3A_454 = arith.andi %squeeze3A_452, %and3A_453 : i32
    %multiple_of3A_455 = tpu.assume_multiple %and3A_454, 128 : i32
    %add3A_456 = arith.constant 16 : i32
    %add3A_457 = arith.addi %mul3A_2, %add3A_456 : i32
    %dma_start3A_458 = arith.constant 144 : i32
    %dma_start3A_459 = arith.constant 0 : i32
    %dma_start3A_460 = tpu.memref_slice %arg8[%dma_start3A_458, %dma_start3A_459] : memref<256x128xf32, #tpu.memory_space<vmem>> -> memref<8x128xf32, #tpu.memory_space<vmem>>
    %dma_start3A_461 = tpu.memref_slice %arg2[%add3A_457, %multiple_of3A_455] : memref<1024x100000xf32, #tpu.memory_space<hbm>> -> memref<8x128xf32, #tpu.memory_space<hbm>>
    %dma_start3A_462 = arith.constant 144 : i32
    %dma_start3A_463 = arith.constant 0 : i32
    %dma_start3A_464 = tpu.memref_slice %arg8[%dma_start3A_462, %dma_start3A_463] : memref<256x128xf32, #tpu.memory_space<vmem>> -> memref<8x128xf32, #tpu.memory_space<vmem>>
    %dma_start3A_465 = tpu.memref_slice %arg2[%add3A_457, %multiple_of3A_455] : memref<1024x100000xf32, #tpu.memory_space<hbm>> -> memref<8x128xf32, #tpu.memory_space<hbm>>
    tpu.enqueue_dma source(%dma_start3A_465 : memref<8x128xf32, #tpu.memory_space<hbm>>) target(%dma_start3A_464 : memref<8x128xf32, #tpu.memory_space<vmem>>) target_semaphore(%arg12 : memref<!tpu.dma_semaphore, #tpu.memory_space<semaphore_mem>>)
    %add3A_466 = arith.constant 16 : i32
    %add3A_467 = arith.addi %mul3A_2, %add3A_466 : i32
    %dma_start3A_468 = arith.constant 144 : i32
    %dma_start3A_469 = arith.constant 0 : i32
    %dma_start3A_470 = tpu.memref_slice %arg9[%dma_start3A_468, %dma_start3A_469] : memref<256x128xf32, #tpu.memory_space<vmem>> -> memref<8x128xf32, #tpu.memory_space<vmem>>
    %dma_start3A_471 = tpu.memref_slice %arg3[%add3A_467, %multiple_of3A_455] : memref<1024x100000xf32, #tpu.memory_space<hbm>> -> memref<8x128xf32, #tpu.memory_space<hbm>>
    %dma_start3A_472 = arith.constant 144 : i32
    %dma_start3A_473 = arith.constant 0 : i32
    %dma_start3A_474 = tpu.memref_slice %arg9[%dma_start3A_472, %dma_start3A_473] : memref<256x128xf32, #tpu.memory_space<vmem>> -> memref<8x128xf32, #tpu.memory_space<vmem>>
    %dma_start3A_475 = tpu.memref_slice %arg3[%add3A_467, %multiple_of3A_455] : memref<1024x100000xf32, #tpu.memory_space<hbm>> -> memref<8x128xf32, #tpu.memory_space<hbm>>
    tpu.enqueue_dma source(%dma_start3A_475 : memref<8x128xf32, #tpu.memory_space<hbm>>) target(%dma_start3A_474 : memref<8x128xf32, #tpu.memory_space<vmem>>) target_semaphore(%arg12 : memref<!tpu.dma_semaphore, #tpu.memory_space<semaphore_mem>>)
    %slice3A_476 = vector.extract_strided_slice %get3A_400 {offsets = [3], sizes = [1], strides = [1]} : vector<16xi32> to vector<1xi32>
    %squeeze3A_477 = vector.extract %slice3A_476[0] : i32 from vector<1xi32>
    %and3A_478 = arith.constant -128 : i32
    %and3A_479 = arith.andi %squeeze3A_477, %and3A_478 : i32
    %multiple_of3A_480 = tpu.assume_multiple %and3A_479, 128 : i32
    %add3A_481 = arith.constant 16 : i32
    %add3A_482 = arith.addi %mul3A_2, %add3A_481 : i32
    %dma_start3A_483 = arith.constant 152 : i32
    %dma_start3A_484 = arith.constant 0 : i32
    %dma_start3A_485 = tpu.memref_slice %arg8[%dma_start3A_483, %dma_start3A_484] : memref<256x128xf32, #tpu.memory_space<vmem>> -> memref<8x128xf32, #tpu.memory_space<vmem>>
    %dma_start3A_486 = tpu.memref_slice %arg2[%add3A_482, %multiple_of3A_480] : memref<1024x100000xf32, #tpu.memory_space<hbm>> -> memref<8x128xf32, #tpu.memory_space<hbm>>
    %dma_start3A_487 = arith.constant 152 : i32
    %dma_start3A_488 = arith.constant 0 : i32
    %dma_start3A_489 = tpu.memref_slice %arg8[%dma_start3A_487, %dma_start3A_488] : memref<256x128xf32, #tpu.memory_space<vmem>> -> memref<8x128xf32, #tpu.memory_space<vmem>>
    %dma_start3A_490 = tpu.memref_slice %arg2[%add3A_482, %multiple_of3A_480] : memref<1024x100000xf32, #tpu.memory_space<hbm>> -> memref<8x128xf32, #tpu.memory_space<hbm>>
    tpu.enqueue_dma source(%dma_start3A_490 : memref<8x128xf32, #tpu.memory_space<hbm>>) target(%dma_start3A_489 : memref<8x128xf32, #tpu.memory_space<vmem>>) target_semaphore(%arg12 : memref<!tpu.dma_semaphore, #tpu.memory_space<semaphore_mem>>)
    %add3A_491 = arith.constant 16 : i32
    %add3A_492 = arith.addi %mul3A_2, %add3A_491 : i32
    %dma_start3A_493 = arith.constant 152 : i32
    %dma_start3A_494 = arith.constant 0 : i32
    %dma_start3A_495 = tpu.memref_slice %arg9[%dma_start3A_493, %dma_start3A_494] : memref<256x128xf32, #tpu.memory_space<vmem>> -> memref<8x128xf32, #tpu.memory_space<vmem>>
    %dma_start3A_496 = tpu.memref_slice %arg3[%add3A_492, %multiple_of3A_480] : memref<1024x100000xf32, #tpu.memory_space<hbm>> -> memref<8x128xf32, #tpu.memory_space<hbm>>
    %dma_start3A_497 = arith.constant 152 : i32
    %dma_start3A_498 = arith.constant 0 : i32
    %dma_start3A_499 = tpu.memref_slice %arg9[%dma_start3A_497, %dma_start3A_498] : memref<256x128xf32, #tpu.memory_space<vmem>> -> memref<8x128xf32, #tpu.memory_space<vmem>>
    %dma_start3A_500 = tpu.memref_slice %arg3[%add3A_492, %multiple_of3A_480] : memref<1024x100000xf32, #tpu.memory_space<hbm>> -> memref<8x128xf32, #tpu.memory_space<hbm>>
    tpu.enqueue_dma source(%dma_start3A_500 : memref<8x128xf32, #tpu.memory_space<hbm>>) target(%dma_start3A_499 : memref<8x128xf32, #tpu.memory_space<vmem>>) target_semaphore(%arg12 : memref<!tpu.dma_semaphore, #tpu.memory_space<semaphore_mem>>)
    %slice3A_501 = vector.extract_strided_slice %get3A_400 {offsets = [4], sizes = [1], strides = [1]} : vector<16xi32> to vector<1xi32>
    %squeeze3A_502 = vector.extract %slice3A_501[0] : i32 from vector<1xi32>
    %and3A_503 = arith.constant -128 : i32
    %and3A_504 = arith.andi %squeeze3A_502, %and3A_503 : i32
    %multiple_of3A_505 = tpu.assume_multiple %and3A_504, 128 : i32
    %add3A_506 = arith.constant 16 : i32
    %add3A_507 = arith.addi %mul3A_2, %add3A_506 : i32
    %dma_start3A_508 = arith.constant 160 : i32
    %dma_start3A_509 = arith.constant 0 : i32
    %dma_start3A_510 = tpu.memref_slice %arg8[%dma_start3A_508, %dma_start3A_509] : memref<256x128xf32, #tpu.memory_space<vmem>> -> memref<8x128xf32, #tpu.memory_space<vmem>>
    %dma_start3A_511 = tpu.memref_slice %arg2[%add3A_507, %multiple_of3A_505] : memref<1024x100000xf32, #tpu.memory_space<hbm>> -> memref<8x128xf32, #tpu.memory_space<hbm>>
    %dma_start3A_512 = arith.constant 160 : i32
    %dma_start3A_513 = arith.constant 0 : i32
    %dma_start3A_514 = tpu.memref_slice %arg8[%dma_start3A_512, %dma_start3A_513] : memref<256x128xf32, #tpu.memory_space<vmem>> -> memref<8x128xf32, #tpu.memory_space<vmem>>
    %dma_start3A_515 = tpu.memref_slice %arg2[%add3A_507, %multiple_of3A_505] : memref<1024x100000xf32, #tpu.memory_space<hbm>> -> memref<8x128xf32, #tpu.memory_space<hbm>>
    tpu.enqueue_dma source(%dma_start3A_515 : memref<8x128xf32, #tpu.memory_space<hbm>>) target(%dma_start3A_514 : memref<8x128xf32, #tpu.memory_space<vmem>>) target_semaphore(%arg12 : memref<!tpu.dma_semaphore, #tpu.memory_space<semaphore_mem>>)
    %add3A_516 = arith.constant 16 : i32
    %add3A_517 = arith.addi %mul3A_2, %add3A_516 : i32
    %dma_start3A_518 = arith.constant 160 : i32
    %dma_start3A_519 = arith.constant 0 : i32
    %dma_start3A_520 = tpu.memref_slice %arg9[%dma_start3A_518, %dma_start3A_519] : memref<256x128xf32, #tpu.memory_space<vmem>> -> memref<8x128xf32, #tpu.memory_space<vmem>>
    %dma_start3A_521 = tpu.memref_slice %arg3[%add3A_517, %multiple_of3A_505] : memref<1024x100000xf32, #tpu.memory_space<hbm>> -> memref<8x128xf32, #tpu.memory_space<hbm>>
    %dma_start3A_522 = arith.constant 160 : i32
    %dma_start3A_523 = arith.constant 0 : i32
    %dma_start3A_524 = tpu.memref_slice %arg9[%dma_start3A_522, %dma_start3A_523] : memref<256x128xf32, #tpu.memory_space<vmem>> -> memref<8x128xf32, #tpu.memory_space<vmem>>
    %dma_start3A_525 = tpu.memref_slice %arg3[%add3A_517, %multiple_of3A_505] : memref<1024x100000xf32, #tpu.memory_space<hbm>> -> memref<8x128xf32, #tpu.memory_space<hbm>>
    tpu.enqueue_dma source(%dma_start3A_525 : memref<8x128xf32, #tpu.memory_space<hbm>>) target(%dma_start3A_524 : memref<8x128xf32, #tpu.memory_space<vmem>>) target_semaphore(%arg12 : memref<!tpu.dma_semaphore, #tpu.memory_space<semaphore_mem>>)
    %slice3A_526 = vector.extract_strided_slice %get3A_400 {offsets = [5], sizes = [1], strides = [1]} : vector<16xi32> to vector<1xi32>
    %squeeze3A_527 = vector.extract %slice3A_526[0] : i32 from vector<1xi32>
    %and3A_528 = arith.constant -128 : i32
    %and3A_529 = arith.andi %squeeze3A_527, %and3A_528 : i32
    %multiple_of3A_530 = tpu.assume_multiple %and3A_529, 128 : i32
    %add3A_531 = arith.constant 16 : i32
    %add3A_532 = arith.addi %mul3A_2, %add3A_531 : i32
    %dma_start3A_533 = arith.constant 168 : i32
    %dma_start3A_534 = arith.constant 0 : i32
    %dma_start3A_535 = tpu.memref_slice %arg8[%dma_start3A_533, %dma_start3A_534] : memref<256x128xf32, #tpu.memory_space<vmem>> -> memref<8x128xf32, #tpu.memory_space<vmem>>
    %dma_start3A_536 = tpu.memref_slice %arg2[%add3A_532, %multiple_of3A_530] : memref<1024x100000xf32, #tpu.memory_space<hbm>> -> memref<8x128xf32, #tpu.memory_space<hbm>>
    %dma_start3A_537 = arith.constant 168 : i32
    %dma_start3A_538 = arith.constant 0 : i32
    %dma_start3A_539 = tpu.memref_slice %arg8[%dma_start3A_537, %dma_start3A_538] : memref<256x128xf32, #tpu.memory_space<vmem>> -> memref<8x128xf32, #tpu.memory_space<vmem>>
    %dma_start3A_540 = tpu.memref_slice %arg2[%add3A_532, %multiple_of3A_530] : memref<1024x100000xf32, #tpu.memory_space<hbm>> -> memref<8x128xf32, #tpu.memory_space<hbm>>
    tpu.enqueue_dma source(%dma_start3A_540 : memref<8x128xf32, #tpu.memory_space<hbm>>) target(%dma_start3A_539 : memref<8x128xf32, #tpu.memory_space<vmem>>) target_semaphore(%arg12 : memref<!tpu.dma_semaphore, #tpu.memory_space<semaphore_mem>>)
    %add3A_541 = arith.constant 16 : i32
    %add3A_542 = arith.addi %mul3A_2, %add3A_541 : i32
    %dma_start3A_543 = arith.constant 168 : i32
    %dma_start3A_544 = arith.constant 0 : i32
    %dma_start3A_545 = tpu.memref_slice %arg9[%dma_start3A_543, %dma_start3A_544] : memref<256x128xf32, #tpu.memory_space<vmem>> -> memref<8x128xf32, #tpu.memory_space<vmem>>
    %dma_start3A_546 = tpu.memref_slice %arg3[%add3A_542, %multiple_of3A_530] : memref<1024x100000xf32, #tpu.memory_space<hbm>> -> memref<8x128xf32, #tpu.memory_space<hbm>>
    %dma_start3A_547 = arith.constant 168 : i32
    %dma_start3A_548 = arith.constant 0 : i32
    %dma_start3A_549 = tpu.memref_slice %arg9[%dma_start3A_547, %dma_start3A_548] : memref<256x128xf32, #tpu.memory_space<vmem>> -> memref<8x128xf32, #tpu.memory_space<vmem>>
    %dma_start3A_550 = tpu.memref_slice %arg3[%add3A_542, %multiple_of3A_530] : memref<1024x100000xf32, #tpu.memory_space<hbm>> -> memref<8x128xf32, #tpu.memory_space<hbm>>
    tpu.enqueue_dma source(%dma_start3A_550 : memref<8x128xf32, #tpu.memory_space<hbm>>) target(%dma_start3A_549 : memref<8x128xf32, #tpu.memory_space<vmem>>) target_semaphore(%arg12 : memref<!tpu.dma_semaphore, #tpu.memory_space<semaphore_mem>>)
    %slice3A_551 = vector.extract_strided_slice %get3A_400 {offsets = [6], sizes = [1], strides = [1]} : vector<16xi32> to vector<1xi32>
    %squeeze3A_552 = vector.extract %slice3A_551[0] : i32 from vector<1xi32>
    %and3A_553 = arith.constant -128 : i32
    %and3A_554 = arith.andi %squeeze3A_552, %and3A_553 : i32
    %multiple_of3A_555 = tpu.assume_multiple %and3A_554, 128 : i32
    %add3A_556 = arith.constant 16 : i32
    %add3A_557 = arith.addi %mul3A_2, %add3A_556 : i32
    %dma_start3A_558 = arith.constant 176 : i32
    %dma_start3A_559 = arith.constant 0 : i32
    %dma_start3A_560 = tpu.memref_slice %arg8[%dma_start3A_558, %dma_start3A_559] : memref<256x128xf32, #tpu.memory_space<vmem>> -> memref<8x128xf32, #tpu.memory_space<vmem>>
    %dma_start3A_561 = tpu.memref_slice %arg2[%add3A_557, %multiple_of3A_555] : memref<1024x100000xf32, #tpu.memory_space<hbm>> -> memref<8x128xf32, #tpu.memory_space<hbm>>
    %dma_start3A_562 = arith.constant 176 : i32
    %dma_start3A_563 = arith.constant 0 : i32
    %dma_start3A_564 = tpu.memref_slice %arg8[%dma_start3A_562, %dma_start3A_563] : memref<256x128xf32, #tpu.memory_space<vmem>> -> memref<8x128xf32, #tpu.memory_space<vmem>>
    %dma_start3A_565 = tpu.memref_slice %arg2[%add3A_557, %multiple_of3A_555] : memref<1024x100000xf32, #tpu.memory_space<hbm>> -> memref<8x128xf32, #tpu.memory_space<hbm>>
    tpu.enqueue_dma source(%dma_start3A_565 : memref<8x128xf32, #tpu.memory_space<hbm>>) target(%dma_start3A_564 : memref<8x128xf32, #tpu.memory_space<vmem>>) target_semaphore(%arg12 : memref<!tpu.dma_semaphore, #tpu.memory_space<semaphore_mem>>)
    %add3A_566 = arith.constant 16 : i32
    %add3A_567 = arith.addi %mul3A_2, %add3A_566 : i32
    %dma_start3A_568 = arith.constant 176 : i32
    %dma_start3A_569 = arith.constant 0 : i32
    %dma_start3A_570 = tpu.memref_slice %arg9[%dma_start3A_568, %dma_start3A_569] : memref<256x128xf32, #tpu.memory_space<vmem>> -> memref<8x128xf32, #tpu.memory_space<vmem>>
    %dma_start3A_571 = tpu.memref_slice %arg3[%add3A_567, %multiple_of3A_555] : memref<1024x100000xf32, #tpu.memory_space<hbm>> -> memref<8x128xf32, #tpu.memory_space<hbm>>
    %dma_start3A_572 = arith.constant 176 : i32
    %dma_start3A_573 = arith.constant 0 : i32
    %dma_start3A_574 = tpu.memref_slice %arg9[%dma_start3A_572, %dma_start3A_573] : memref<256x128xf32, #tpu.memory_space<vmem>> -> memref<8x128xf32, #tpu.memory_space<vmem>>
    %dma_start3A_575 = tpu.memref_slice %arg3[%add3A_567, %multiple_of3A_555] : memref<1024x100000xf32, #tpu.memory_space<hbm>> -> memref<8x128xf32, #tpu.memory_space<hbm>>
    tpu.enqueue_dma source(%dma_start3A_575 : memref<8x128xf32, #tpu.memory_space<hbm>>) target(%dma_start3A_574 : memref<8x128xf32, #tpu.memory_space<vmem>>) target_semaphore(%arg12 : memref<!tpu.dma_semaphore, #tpu.memory_space<semaphore_mem>>)
    %slice3A_576 = vector.extract_strided_slice %get3A_400 {offsets = [7], sizes = [1], strides = [1]} : vector<16xi32> to vector<1xi32>
    %squeeze3A_577 = vector.extract %slice3A_576[0] : i32 from vector<1xi32>
    %and3A_578 = arith.constant -128 : i32
    %and3A_579 = arith.andi %squeeze3A_577, %and3A_578 : i32
    %multiple_of3A_580 = tpu.assume_multiple %and3A_579, 128 : i32
    %add3A_581 = arith.constant 16 : i32
    %add3A_582 = arith.addi %mul3A_2, %add3A_581 : i32
    %dma_start3A_583 = arith.constant 184 : i32
    %dma_start3A_584 = arith.constant 0 : i32
    %dma_start3A_585 = tpu.memref_slice %arg8[%dma_start3A_583, %dma_start3A_584] : memref<256x128xf32, #tpu.memory_space<vmem>> -> memref<8x128xf32, #tpu.memory_space<vmem>>
    %dma_start3A_586 = tpu.memref_slice %arg2[%add3A_582, %multiple_of3A_580] : memref<1024x100000xf32, #tpu.memory_space<hbm>> -> memref<8x128xf32, #tpu.memory_space<hbm>>
    %dma_start3A_587 = arith.constant 184 : i32
    %dma_start3A_588 = arith.constant 0 : i32
    %dma_start3A_589 = tpu.memref_slice %arg8[%dma_start3A_587, %dma_start3A_588] : memref<256x128xf32, #tpu.memory_space<vmem>> -> memref<8x128xf32, #tpu.memory_space<vmem>>
    %dma_start3A_590 = tpu.memref_slice %arg2[%add3A_582, %multiple_of3A_580] : memref<1024x100000xf32, #tpu.memory_space<hbm>> -> memref<8x128xf32, #tpu.memory_space<hbm>>
    tpu.enqueue_dma source(%dma_start3A_590 : memref<8x128xf32, #tpu.memory_space<hbm>>) target(%dma_start3A_589 : memref<8x128xf32, #tpu.memory_space<vmem>>) target_semaphore(%arg12 : memref<!tpu.dma_semaphore, #tpu.memory_space<semaphore_mem>>)
    %add3A_591 = arith.constant 16 : i32
    %add3A_592 = arith.addi %mul3A_2, %add3A_591 : i32
    %dma_start3A_593 = arith.constant 184 : i32
    %dma_start3A_594 = arith.constant 0 : i32
    %dma_start3A_595 = tpu.memref_slice %arg9[%dma_start3A_593, %dma_start3A_594] : memref<256x128xf32, #tpu.memory_space<vmem>> -> memref<8x128xf32, #tpu.memory_space<vmem>>
    %dma_start3A_596 = tpu.memref_slice %arg3[%add3A_592, %multiple_of3A_580] : memref<1024x100000xf32, #tpu.memory_space<hbm>> -> memref<8x128xf32, #tpu.memory_space<hbm>>
    %dma_start3A_597 = arith.constant 184 : i32
    %dma_start3A_598 = arith.constant 0 : i32
    %dma_start3A_599 = tpu.memref_slice %arg9[%dma_start3A_597, %dma_start3A_598] : memref<256x128xf32, #tpu.memory_space<vmem>> -> memref<8x128xf32, #tpu.memory_space<vmem>>
    %dma_start3A_600 = tpu.memref_slice %arg3[%add3A_592, %multiple_of3A_580] : memref<1024x100000xf32, #tpu.memory_space<hbm>> -> memref<8x128xf32, #tpu.memory_space<hbm>>
    tpu.enqueue_dma source(%dma_start3A_600 : memref<8x128xf32, #tpu.memory_space<hbm>>) target(%dma_start3A_599 : memref<8x128xf32, #tpu.memory_space<vmem>>) target_semaphore(%arg12 : memref<!tpu.dma_semaphore, #tpu.memory_space<semaphore_mem>>)
    %slice3A_601 = vector.extract_strided_slice %get3A_400 {offsets = [8], sizes = [1], strides = [1]} : vector<16xi32> to vector<1xi32>
    %squeeze3A_602 = vector.extract %slice3A_601[0] : i32 from vector<1xi32>
    %and3A_603 = arith.constant -128 : i32
    %and3A_604 = arith.andi %squeeze3A_602, %and3A_603 : i32
    %multiple_of3A_605 = tpu.assume_multiple %and3A_604, 128 : i32
    %add3A_606 = arith.constant 24 : i32
    %add3A_607 = arith.addi %mul3A_2, %add3A_606 : i32
    %dma_start3A_608 = arith.constant 192 : i32
    %dma_start3A_609 = arith.constant 0 : i32
    %dma_start3A_610 = tpu.memref_slice %arg8[%dma_start3A_608, %dma_start3A_609] : memref<256x128xf32, #tpu.memory_space<vmem>> -> memref<8x128xf32, #tpu.memory_space<vmem>>
    %dma_start3A_611 = tpu.memref_slice %arg2[%add3A_607, %multiple_of3A_605] : memref<1024x100000xf32, #tpu.memory_space<hbm>> -> memref<8x128xf32, #tpu.memory_space<hbm>>
    %dma_start3A_612 = arith.constant 192 : i32
    %dma_start3A_613 = arith.constant 0 : i32
    %dma_start3A_614 = tpu.memref_slice %arg8[%dma_start3A_612, %dma_start3A_613] : memref<256x128xf32, #tpu.memory_space<vmem>> -> memref<8x128xf32, #tpu.memory_space<vmem>>
    %dma_start3A_615 = tpu.memref_slice %arg2[%add3A_607, %multiple_of3A_605] : memref<1024x100000xf32, #tpu.memory_space<hbm>> -> memref<8x128xf32, #tpu.memory_space<hbm>>
    tpu.enqueue_dma source(%dma_start3A_615 : memref<8x128xf32, #tpu.memory_space<hbm>>) target(%dma_start3A_614 : memref<8x128xf32, #tpu.memory_space<vmem>>) target_semaphore(%arg12 : memref<!tpu.dma_semaphore, #tpu.memory_space<semaphore_mem>>)
    %add3A_616 = arith.constant 24 : i32
    %add3A_617 = arith.addi %mul3A_2, %add3A_616 : i32
    %dma_start3A_618 = arith.constant 192 : i32
    %dma_start3A_619 = arith.constant 0 : i32
    %dma_start3A_620 = tpu.memref_slice %arg9[%dma_start3A_618, %dma_start3A_619] : memref<256x128xf32, #tpu.memory_space<vmem>> -> memref<8x128xf32, #tpu.memory_space<vmem>>
    %dma_start3A_621 = tpu.memref_slice %arg3[%add3A_617, %multiple_of3A_605] : memref<1024x100000xf32, #tpu.memory_space<hbm>> -> memref<8x128xf32, #tpu.memory_space<hbm>>
    %dma_start3A_622 = arith.constant 192 : i32
    %dma_start3A_623 = arith.constant 0 : i32
    %dma_start3A_624 = tpu.memref_slice %arg9[%dma_start3A_622, %dma_start3A_623] : memref<256x128xf32, #tpu.memory_space<vmem>> -> memref<8x128xf32, #tpu.memory_space<vmem>>
    %dma_start3A_625 = tpu.memref_slice %arg3[%add3A_617, %multiple_of3A_605] : memref<1024x100000xf32, #tpu.memory_space<hbm>> -> memref<8x128xf32, #tpu.memory_space<hbm>>
    tpu.enqueue_dma source(%dma_start3A_625 : memref<8x128xf32, #tpu.memory_space<hbm>>) target(%dma_start3A_624 : memref<8x128xf32, #tpu.memory_space<vmem>>) target_semaphore(%arg12 : memref<!tpu.dma_semaphore, #tpu.memory_space<semaphore_mem>>)
    %slice3A_626 = vector.extract_strided_slice %get3A_400 {offsets = [9], sizes = [1], strides = [1]} : vector<16xi32> to vector<1xi32>
    %squeeze3A_627 = vector.extract %slice3A_626[0] : i32 from vector<1xi32>
    %and3A_628 = arith.constant -128 : i32
    %and3A_629 = arith.andi %squeeze3A_627, %and3A_628 : i32
    %multiple_of3A_630 = tpu.assume_multiple %and3A_629, 128 : i32
    %add3A_631 = arith.constant 24 : i32
    %add3A_632 = arith.addi %mul3A_2, %add3A_631 : i32
    %dma_start3A_633 = arith.constant 200 : i32
    %dma_start3A_634 = arith.constant 0 : i32
    %dma_start3A_635 = tpu.memref_slice %arg8[%dma_start3A_633, %dma_start3A_634] : memref<256x128xf32, #tpu.memory_space<vmem>> -> memref<8x128xf32, #tpu.memory_space<vmem>>
    %dma_start3A_636 = tpu.memref_slice %arg2[%add3A_632, %multiple_of3A_630] : memref<1024x100000xf32, #tpu.memory_space<hbm>> -> memref<8x128xf32, #tpu.memory_space<hbm>>
    %dma_start3A_637 = arith.constant 200 : i32
    %dma_start3A_638 = arith.constant 0 : i32
    %dma_start3A_639 = tpu.memref_slice %arg8[%dma_start3A_637, %dma_start3A_638] : memref<256x128xf32, #tpu.memory_space<vmem>> -> memref<8x128xf32, #tpu.memory_space<vmem>>
    %dma_start3A_640 = tpu.memref_slice %arg2[%add3A_632, %multiple_of3A_630] : memref<1024x100000xf32, #tpu.memory_space<hbm>> -> memref<8x128xf32, #tpu.memory_space<hbm>>
    tpu.enqueue_dma source(%dma_start3A_640 : memref<8x128xf32, #tpu.memory_space<hbm>>) target(%dma_start3A_639 : memref<8x128xf32, #tpu.memory_space<vmem>>) target_semaphore(%arg12 : memref<!tpu.dma_semaphore, #tpu.memory_space<semaphore_mem>>)
    %add3A_641 = arith.constant 24 : i32
    %add3A_642 = arith.addi %mul3A_2, %add3A_641 : i32
    %dma_start3A_643 = arith.constant 200 : i32
    %dma_start3A_644 = arith.constant 0 : i32
    %dma_start3A_645 = tpu.memref_slice %arg9[%dma_start3A_643, %dma_start3A_644] : memref<256x128xf32, #tpu.memory_space<vmem>> -> memref<8x128xf32, #tpu.memory_space<vmem>>
    %dma_start3A_646 = tpu.memref_slice %arg3[%add3A_642, %multiple_of3A_630] : memref<1024x100000xf32, #tpu.memory_space<hbm>> -> memref<8x128xf32, #tpu.memory_space<hbm>>
    %dma_start3A_647 = arith.constant 200 : i32
    %dma_start3A_648 = arith.constant 0 : i32
    %dma_start3A_649 = tpu.memref_slice %arg9[%dma_start3A_647, %dma_start3A_648] : memref<256x128xf32, #tpu.memory_space<vmem>> -> memref<8x128xf32, #tpu.memory_space<vmem>>
    %dma_start3A_650 = tpu.memref_slice %arg3[%add3A_642, %multiple_of3A_630] : memref<1024x100000xf32, #tpu.memory_space<hbm>> -> memref<8x128xf32, #tpu.memory_space<hbm>>
    tpu.enqueue_dma source(%dma_start3A_650 : memref<8x128xf32, #tpu.memory_space<hbm>>) target(%dma_start3A_649 : memref<8x128xf32, #tpu.memory_space<vmem>>) target_semaphore(%arg12 : memref<!tpu.dma_semaphore, #tpu.memory_space<semaphore_mem>>)
    %slice3A_651 = vector.extract_strided_slice %get3A_400 {offsets = [10], sizes = [1], strides = [1]} : vector<16xi32> to vector<1xi32>
    %squeeze3A_652 = vector.extract %slice3A_651[0] : i32 from vector<1xi32>
    %and3A_653 = arith.constant -128 : i32
    %and3A_654 = arith.andi %squeeze3A_652, %and3A_653 : i32
    %multiple_of3A_655 = tpu.assume_multiple %and3A_654, 128 : i32
    %add3A_656 = arith.constant 24 : i32
    %add3A_657 = arith.addi %mul3A_2, %add3A_656 : i32
    %dma_start3A_658 = arith.constant 208 : i32
    %dma_start3A_659 = arith.constant 0 : i32
    %dma_start3A_660 = tpu.memref_slice %arg8[%dma_start3A_658, %dma_start3A_659] : memref<256x128xf32, #tpu.memory_space<vmem>> -> memref<8x128xf32, #tpu.memory_space<vmem>>
    %dma_start3A_661 = tpu.memref_slice %arg2[%add3A_657, %multiple_of3A_655] : memref<1024x100000xf32, #tpu.memory_space<hbm>> -> memref<8x128xf32, #tpu.memory_space<hbm>>
    %dma_start3A_662 = arith.constant 208 : i32
    %dma_start3A_663 = arith.constant 0 : i32
    %dma_start3A_664 = tpu.memref_slice %arg8[%dma_start3A_662, %dma_start3A_663] : memref<256x128xf32, #tpu.memory_space<vmem>> -> memref<8x128xf32, #tpu.memory_space<vmem>>
    %dma_start3A_665 = tpu.memref_slice %arg2[%add3A_657, %multiple_of3A_655] : memref<1024x100000xf32, #tpu.memory_space<hbm>> -> memref<8x128xf32, #tpu.memory_space<hbm>>
    tpu.enqueue_dma source(%dma_start3A_665 : memref<8x128xf32, #tpu.memory_space<hbm>>) target(%dma_start3A_664 : memref<8x128xf32, #tpu.memory_space<vmem>>) target_semaphore(%arg12 : memref<!tpu.dma_semaphore, #tpu.memory_space<semaphore_mem>>)
    %add3A_666 = arith.constant 24 : i32
    %add3A_667 = arith.addi %mul3A_2, %add3A_666 : i32
    %dma_start3A_668 = arith.constant 208 : i32
    %dma_start3A_669 = arith.constant 0 : i32
    %dma_start3A_670 = tpu.memref_slice %arg9[%dma_start3A_668, %dma_start3A_669] : memref<256x128xf32, #tpu.memory_space<vmem>> -> memref<8x128xf32, #tpu.memory_space<vmem>>
    %dma_start3A_671 = tpu.memref_slice %arg3[%add3A_667, %multiple_of3A_655] : memref<1024x100000xf32, #tpu.memory_space<hbm>> -> memref<8x128xf32, #tpu.memory_space<hbm>>
    %dma_start3A_672 = arith.constant 208 : i32
    %dma_start3A_673 = arith.constant 0 : i32
    %dma_start3A_674 = tpu.memref_slice %arg9[%dma_start3A_672, %dma_start3A_673] : memref<256x128xf32, #tpu.memory_space<vmem>> -> memref<8x128xf32, #tpu.memory_space<vmem>>
    %dma_start3A_675 = tpu.memref_slice %arg3[%add3A_667, %multiple_of3A_655] : memref<1024x100000xf32, #tpu.memory_space<hbm>> -> memref<8x128xf32, #tpu.memory_space<hbm>>
    tpu.enqueue_dma source(%dma_start3A_675 : memref<8x128xf32, #tpu.memory_space<hbm>>) target(%dma_start3A_674 : memref<8x128xf32, #tpu.memory_space<vmem>>) target_semaphore(%arg12 : memref<!tpu.dma_semaphore, #tpu.memory_space<semaphore_mem>>)
    %slice3A_676 = vector.extract_strided_slice %get3A_400 {offsets = [11], sizes = [1], strides = [1]} : vector<16xi32> to vector<1xi32>
    %squeeze3A_677 = vector.extract %slice3A_676[0] : i32 from vector<1xi32>
    %and3A_678 = arith.constant -128 : i32
    %and3A_679 = arith.andi %squeeze3A_677, %and3A_678 : i32
    %multiple_of3A_680 = tpu.assume_multiple %and3A_679, 128 : i32
    %add3A_681 = arith.constant 24 : i32
    %add3A_682 = arith.addi %mul3A_2, %add3A_681 : i32
    %dma_start3A_683 = arith.constant 216 : i32
    %dma_start3A_684 = arith.constant 0 : i32
    %dma_start3A_685 = tpu.memref_slice %arg8[%dma_start3A_683, %dma_start3A_684] : memref<256x128xf32, #tpu.memory_space<vmem>> -> memref<8x128xf32, #tpu.memory_space<vmem>>
    %dma_start3A_686 = tpu.memref_slice %arg2[%add3A_682, %multiple_of3A_680] : memref<1024x100000xf32, #tpu.memory_space<hbm>> -> memref<8x128xf32, #tpu.memory_space<hbm>>
    %dma_start3A_687 = arith.constant 216 : i32
    %dma_start3A_688 = arith.constant 0 : i32
    %dma_start3A_689 = tpu.memref_slice %arg8[%dma_start3A_687, %dma_start3A_688] : memref<256x128xf32, #tpu.memory_space<vmem>> -> memref<8x128xf32, #tpu.memory_space<vmem>>
    %dma_start3A_690 = tpu.memref_slice %arg2[%add3A_682, %multiple_of3A_680] : memref<1024x100000xf32, #tpu.memory_space<hbm>> -> memref<8x128xf32, #tpu.memory_space<hbm>>
    tpu.enqueue_dma source(%dma_start3A_690 : memref<8x128xf32, #tpu.memory_space<hbm>>) target(%dma_start3A_689 : memref<8x128xf32, #tpu.memory_space<vmem>>) target_semaphore(%arg12 : memref<!tpu.dma_semaphore, #tpu.memory_space<semaphore_mem>>)
    %add3A_691 = arith.constant 24 : i32
    %add3A_692 = arith.addi %mul3A_2, %add3A_691 : i32
    %dma_start3A_693 = arith.constant 216 : i32
    %dma_start3A_694 = arith.constant 0 : i32
    %dma_start3A_695 = tpu.memref_slice %arg9[%dma_start3A_693, %dma_start3A_694] : memref<256x128xf32, #tpu.memory_space<vmem>> -> memref<8x128xf32, #tpu.memory_space<vmem>>
    %dma_start3A_696 = tpu.memref_slice %arg3[%add3A_692, %multiple_of3A_680] : memref<1024x100000xf32, #tpu.memory_space<hbm>> -> memref<8x128xf32, #tpu.memory_space<hbm>>
    %dma_start3A_697 = arith.constant 216 : i32
    %dma_start3A_698 = arith.constant 0 : i32
    %dma_start3A_699 = tpu.memref_slice %arg9[%dma_start3A_697, %dma_start3A_698] : memref<256x128xf32, #tpu.memory_space<vmem>> -> memref<8x128xf32, #tpu.memory_space<vmem>>
    %dma_start3A_700 = tpu.memref_slice %arg3[%add3A_692, %multiple_of3A_680] : memref<1024x100000xf32, #tpu.memory_space<hbm>> -> memref<8x128xf32, #tpu.memory_space<hbm>>
    tpu.enqueue_dma source(%dma_start3A_700 : memref<8x128xf32, #tpu.memory_space<hbm>>) target(%dma_start3A_699 : memref<8x128xf32, #tpu.memory_space<vmem>>) target_semaphore(%arg12 : memref<!tpu.dma_semaphore, #tpu.memory_space<semaphore_mem>>)
    %slice3A_701 = vector.extract_strided_slice %get3A_400 {offsets = [12], sizes = [1], strides = [1]} : vector<16xi32> to vector<1xi32>
    %squeeze3A_702 = vector.extract %slice3A_701[0] : i32 from vector<1xi32>
    %and3A_703 = arith.constant -128 : i32
    %and3A_704 = arith.andi %squeeze3A_702, %and3A_703 : i32
    %multiple_of3A_705 = tpu.assume_multiple %and3A_704, 128 : i32
    %add3A_706 = arith.constant 24 : i32
    %add3A_707 = arith.addi %mul3A_2, %add3A_706 : i32
    %dma_start3A_708 = arith.constant 224 : i32
    %dma_start3A_709 = arith.constant 0 : i32
    %dma_start3A_710 = tpu.memref_slice %arg8[%dma_start3A_708, %dma_start3A_709] : memref<256x128xf32, #tpu.memory_space<vmem>> -> memref<8x128xf32, #tpu.memory_space<vmem>>
    %dma_start3A_711 = tpu.memref_slice %arg2[%add3A_707, %multiple_of3A_705] : memref<1024x100000xf32, #tpu.memory_space<hbm>> -> memref<8x128xf32, #tpu.memory_space<hbm>>
    %dma_start3A_712 = arith.constant 224 : i32
    %dma_start3A_713 = arith.constant 0 : i32
    %dma_start3A_714 = tpu.memref_slice %arg8[%dma_start3A_712, %dma_start3A_713] : memref<256x128xf32, #tpu.memory_space<vmem>> -> memref<8x128xf32, #tpu.memory_space<vmem>>
    %dma_start3A_715 = tpu.memref_slice %arg2[%add3A_707, %multiple_of3A_705] : memref<1024x100000xf32, #tpu.memory_space<hbm>> -> memref<8x128xf32, #tpu.memory_space<hbm>>
    tpu.enqueue_dma source(%dma_start3A_715 : memref<8x128xf32, #tpu.memory_space<hbm>>) target(%dma_start3A_714 : memref<8x128xf32, #tpu.memory_space<vmem>>) target_semaphore(%arg12 : memref<!tpu.dma_semaphore, #tpu.memory_space<semaphore_mem>>)
    %add3A_716 = arith.constant 24 : i32
    %add3A_717 = arith.addi %mul3A_2, %add3A_716 : i32
    %dma_start3A_718 = arith.constant 224 : i32
    %dma_start3A_719 = arith.constant 0 : i32
    %dma_start3A_720 = tpu.memref_slice %arg9[%dma_start3A_718, %dma_start3A_719] : memref<256x128xf32, #tpu.memory_space<vmem>> -> memref<8x128xf32, #tpu.memory_space<vmem>>
    %dma_start3A_721 = tpu.memref_slice %arg3[%add3A_717, %multiple_of3A_705] : memref<1024x100000xf32, #tpu.memory_space<hbm>> -> memref<8x128xf32, #tpu.memory_space<hbm>>
    %dma_start3A_722 = arith.constant 224 : i32
    %dma_start3A_723 = arith.constant 0 : i32
    %dma_start3A_724 = tpu.memref_slice %arg9[%dma_start3A_722, %dma_start3A_723] : memref<256x128xf32, #tpu.memory_space<vmem>> -> memref<8x128xf32, #tpu.memory_space<vmem>>
    %dma_start3A_725 = tpu.memref_slice %arg3[%add3A_717, %multiple_of3A_705] : memref<1024x100000xf32, #tpu.memory_space<hbm>> -> memref<8x128xf32, #tpu.memory_space<hbm>>
    tpu.enqueue_dma source(%dma_start3A_725 : memref<8x128xf32, #tpu.memory_space<hbm>>) target(%dma_start3A_724 : memref<8x128xf32, #tpu.memory_space<vmem>>) target_semaphore(%arg12 : memref<!tpu.dma_semaphore, #tpu.memory_space<semaphore_mem>>)
    %slice3A_726 = vector.extract_strided_slice %get3A_400 {offsets = [13], sizes = [1], strides = [1]} : vector<16xi32> to vector<1xi32>
    %squeeze3A_727 = vector.extract %slice3A_726[0] : i32 from vector<1xi32>
    %and3A_728 = arith.constant -128 : i32
    %and3A_729 = arith.andi %squeeze3A_727, %and3A_728 : i32
    %multiple_of3A_730 = tpu.assume_multiple %and3A_729, 128 : i32
    %add3A_731 = arith.constant 24 : i32
    %add3A_732 = arith.addi %mul3A_2, %add3A_731 : i32
    %dma_start3A_733 = arith.constant 232 : i32
    %dma_start3A_734 = arith.constant 0 : i32
    %dma_start3A_735 = tpu.memref_slice %arg8[%dma_start3A_733, %dma_start3A_734] : memref<256x128xf32, #tpu.memory_space<vmem>> -> memref<8x128xf32, #tpu.memory_space<vmem>>
    %dma_start3A_736 = tpu.memref_slice %arg2[%add3A_732, %multiple_of3A_730] : memref<1024x100000xf32, #tpu.memory_space<hbm>> -> memref<8x128xf32, #tpu.memory_space<hbm>>
    %dma_start3A_737 = arith.constant 232 : i32
    %dma_start3A_738 = arith.constant 0 : i32
    %dma_start3A_739 = tpu.memref_slice %arg8[%dma_start3A_737, %dma_start3A_738] : memref<256x128xf32, #tpu.memory_space<vmem>> -> memref<8x128xf32, #tpu.memory_space<vmem>>
    %dma_start3A_740 = tpu.memref_slice %arg2[%add3A_732, %multiple_of3A_730] : memref<1024x100000xf32, #tpu.memory_space<hbm>> -> memref<8x128xf32, #tpu.memory_space<hbm>>
    tpu.enqueue_dma source(%dma_start3A_740 : memref<8x128xf32, #tpu.memory_space<hbm>>) target(%dma_start3A_739 : memref<8x128xf32, #tpu.memory_space<vmem>>) target_semaphore(%arg12 : memref<!tpu.dma_semaphore, #tpu.memory_space<semaphore_mem>>)
    %add3A_741 = arith.constant 24 : i32
    %add3A_742 = arith.addi %mul3A_2, %add3A_741 : i32
    %dma_start3A_743 = arith.constant 232 : i32
    %dma_start3A_744 = arith.constant 0 : i32
    %dma_start3A_745 = tpu.memref_slice %arg9[%dma_start3A_743, %dma_start3A_744] : memref<256x128xf32, #tpu.memory_space<vmem>> -> memref<8x128xf32, #tpu.memory_space<vmem>>
    %dma_start3A_746 = tpu.memref_slice %arg3[%add3A_742, %multiple_of3A_730] : memref<1024x100000xf32, #tpu.memory_space<hbm>> -> memref<8x128xf32, #tpu.memory_space<hbm>>
    %dma_start3A_747 = arith.constant 232 : i32
    %dma_start3A_748 = arith.constant 0 : i32
    %dma_start3A_749 = tpu.memref_slice %arg9[%dma_start3A_747, %dma_start3A_748] : memref<256x128xf32, #tpu.memory_space<vmem>> -> memref<8x128xf32, #tpu.memory_space<vmem>>
    %dma_start3A_750 = tpu.memref_slice %arg3[%add3A_742, %multiple_of3A_730] : memref<1024x100000xf32, #tpu.memory_space<hbm>> -> memref<8x128xf32, #tpu.memory_space<hbm>>
    tpu.enqueue_dma source(%dma_start3A_750 : memref<8x128xf32, #tpu.memory_space<hbm>>) target(%dma_start3A_749 : memref<8x128xf32, #tpu.memory_space<vmem>>) target_semaphore(%arg12 : memref<!tpu.dma_semaphore, #tpu.memory_space<semaphore_mem>>)
    %slice3A_751 = vector.extract_strided_slice %get3A_400 {offsets = [14], sizes = [1], strides = [1]} : vector<16xi32> to vector<1xi32>
    %squeeze3A_752 = vector.extract %slice3A_751[0] : i32 from vector<1xi32>
    %and3A_753 = arith.constant -128 : i32
    %and3A_754 = arith.andi %squeeze3A_752, %and3A_753 : i32
    %multiple_of3A_755 = tpu.assume_multiple %and3A_754, 128 : i32
    %add3A_756 = arith.constant 24 : i32
    %add3A_757 = arith.addi %mul3A_2, %add3A_756 : i32
    %dma_start3A_758 = arith.constant 240 : i32
    %dma_start3A_759 = arith.constant 0 : i32
    %dma_start3A_760 = tpu.memref_slice %arg8[%dma_start3A_758, %dma_start3A_759] : memref<256x128xf32, #tpu.memory_space<vmem>> -> memref<8x128xf32, #tpu.memory_space<vmem>>
    %dma_start3A_761 = tpu.memref_slice %arg2[%add3A_757, %multiple_of3A_755] : memref<1024x100000xf32, #tpu.memory_space<hbm>> -> memref<8x128xf32, #tpu.memory_space<hbm>>
    %dma_start3A_762 = arith.constant 240 : i32
    %dma_start3A_763 = arith.constant 0 : i32
    %dma_start3A_764 = tpu.memref_slice %arg8[%dma_start3A_762, %dma_start3A_763] : memref<256x128xf32, #tpu.memory_space<vmem>> -> memref<8x128xf32, #tpu.memory_space<vmem>>
    %dma_start3A_765 = tpu.memref_slice %arg2[%add3A_757, %multiple_of3A_755] : memref<1024x100000xf32, #tpu.memory_space<hbm>> -> memref<8x128xf32, #tpu.memory_space<hbm>>
    tpu.enqueue_dma source(%dma_start3A_765 : memref<8x128xf32, #tpu.memory_space<hbm>>) target(%dma_start3A_764 : memref<8x128xf32, #tpu.memory_space<vmem>>) target_semaphore(%arg12 : memref<!tpu.dma_semaphore, #tpu.memory_space<semaphore_mem>>)
    %add3A_766 = arith.constant 24 : i32
    %add3A_767 = arith.addi %mul3A_2, %add3A_766 : i32
    %dma_start3A_768 = arith.constant 240 : i32
    %dma_start3A_769 = arith.constant 0 : i32
    %dma_start3A_770 = tpu.memref_slice %arg9[%dma_start3A_768, %dma_start3A_769] : memref<256x128xf32, #tpu.memory_space<vmem>> -> memref<8x128xf32, #tpu.memory_space<vmem>>
    %dma_start3A_771 = tpu.memref_slice %arg3[%add3A_767, %multiple_of3A_755] : memref<1024x100000xf32, #tpu.memory_space<hbm>> -> memref<8x128xf32, #tpu.memory_space<hbm>>
    %dma_start3A_772 = arith.constant 240 : i32
    %dma_start3A_773 = arith.constant 0 : i32
    %dma_start3A_774 = tpu.memref_slice %arg9[%dma_start3A_772, %dma_start3A_773] : memref<256x128xf32, #tpu.memory_space<vmem>> -> memref<8x128xf32, #tpu.memory_space<vmem>>
    %dma_start3A_775 = tpu.memref_slice %arg3[%add3A_767, %multiple_of3A_755] : memref<1024x100000xf32, #tpu.memory_space<hbm>> -> memref<8x128xf32, #tpu.memory_space<hbm>>
    tpu.enqueue_dma source(%dma_start3A_775 : memref<8x128xf32, #tpu.memory_space<hbm>>) target(%dma_start3A_774 : memref<8x128xf32, #tpu.memory_space<vmem>>) target_semaphore(%arg12 : memref<!tpu.dma_semaphore, #tpu.memory_space<semaphore_mem>>)
    %slice3A_776 = vector.extract_strided_slice %get3A_400 {offsets = [15], sizes = [1], strides = [1]} : vector<16xi32> to vector<1xi32>
    %squeeze3A_777 = vector.extract %slice3A_776[0] : i32 from vector<1xi32>
    %and3A_778 = arith.constant -128 : i32
    %and3A_779 = arith.andi %squeeze3A_777, %and3A_778 : i32
    %multiple_of3A_780 = tpu.assume_multiple %and3A_779, 128 : i32
    %add3A_781 = arith.constant 24 : i32
    %add3A_782 = arith.addi %mul3A_2, %add3A_781 : i32
    %dma_start3A_783 = arith.constant 248 : i32
    %dma_start3A_784 = arith.constant 0 : i32
    %dma_start3A_785 = tpu.memref_slice %arg8[%dma_start3A_783, %dma_start3A_784] : memref<256x128xf32, #tpu.memory_space<vmem>> -> memref<8x128xf32, #tpu.memory_space<vmem>>
    %dma_start3A_786 = tpu.memref_slice %arg2[%add3A_782, %multiple_of3A_780] : memref<1024x100000xf32, #tpu.memory_space<hbm>> -> memref<8x128xf32, #tpu.memory_space<hbm>>
    %dma_start3A_787 = arith.constant 248 : i32
    %dma_start3A_788 = arith.constant 0 : i32
    %dma_start3A_789 = tpu.memref_slice %arg8[%dma_start3A_787, %dma_start3A_788] : memref<256x128xf32, #tpu.memory_space<vmem>> -> memref<8x128xf32, #tpu.memory_space<vmem>>
    %dma_start3A_790 = tpu.memref_slice %arg2[%add3A_782, %multiple_of3A_780] : memref<1024x100000xf32, #tpu.memory_space<hbm>> -> memref<8x128xf32, #tpu.memory_space<hbm>>
    tpu.enqueue_dma source(%dma_start3A_790 : memref<8x128xf32, #tpu.memory_space<hbm>>) target(%dma_start3A_789 : memref<8x128xf32, #tpu.memory_space<vmem>>) target_semaphore(%arg12 : memref<!tpu.dma_semaphore, #tpu.memory_space<semaphore_mem>>)
    %add3A_791 = arith.constant 24 : i32
    %add3A_792 = arith.addi %mul3A_2, %add3A_791 : i32
    %dma_start3A_793 = arith.constant 248 : i32
    %dma_start3A_794 = arith.constant 0 : i32
    %dma_start3A_795 = tpu.memref_slice %arg9[%dma_start3A_793, %dma_start3A_794] : memref<256x128xf32, #tpu.memory_space<vmem>> -> memref<8x128xf32, #tpu.memory_space<vmem>>
    %dma_start3A_796 = tpu.memref_slice %arg3[%add3A_792, %multiple_of3A_780] : memref<1024x100000xf32, #tpu.memory_space<hbm>> -> memref<8x128xf32, #tpu.memory_space<hbm>>
    %dma_start3A_797 = arith.constant 248 : i32
    %dma_start3A_798 = arith.constant 0 : i32
    %dma_start3A_799 = tpu.memref_slice %arg9[%dma_start3A_797, %dma_start3A_798] : memref<256x128xf32, #tpu.memory_space<vmem>> -> memref<8x128xf32, #tpu.memory_space<vmem>>
    %dma_start3A_800 = tpu.memref_slice %arg3[%add3A_792, %multiple_of3A_780] : memref<1024x100000xf32, #tpu.memory_space<hbm>> -> memref<8x128xf32, #tpu.memory_space<hbm>>
    tpu.enqueue_dma source(%dma_start3A_800 : memref<8x128xf32, #tpu.memory_space<hbm>>) target(%dma_start3A_799 : memref<8x128xf32, #tpu.memory_space<vmem>>) target_semaphore(%arg12 : memref<!tpu.dma_semaphore, #tpu.memory_space<semaphore_mem>>)
    %dma_wait3A = arith.constant 0 : i32
    %dma_wait3A_801 = arith.constant 0 : i32
    %dma_wait3A_802 = tpu.memref_slice %arg8[%dma_wait3A, %dma_wait3A_801] : memref<256x128xf32, #tpu.memory_space<vmem>> -> memref<8x128xf32, #tpu.memory_space<vmem>>
    %dma_wait3A_803 = tpu.memref_slice %arg2[%add3A_6, %multiple_of3A] : memref<1024x100000xf32, #tpu.memory_space<hbm>> -> memref<8x128xf32, #tpu.memory_space<hbm>>
    %dma_wait3A_804 = arith.constant 0 : i32
    %dma_wait3A_805 = arith.constant 0 : i32
    %dma_wait3A_806 = tpu.memref_slice %arg8[%dma_wait3A_804, %dma_wait3A_805] : memref<256x128xf32, #tpu.memory_space<vmem>> -> memref<8x128xf32, #tpu.memory_space<vmem>>
    %dma_wait3A_807 = tpu.memref_slice %arg2[%add3A_6, %multiple_of3A] : memref<1024x100000xf32, #tpu.memory_space<hbm>> -> memref<8x128xf32, #tpu.memory_space<hbm>>
    tpu.wait_dma2 semaphore(%arg12 : memref<!tpu.dma_semaphore, #tpu.memory_space<semaphore_mem>>) src(%dma_wait3A_807 : memref<8x128xf32, #tpu.memory_space<hbm>>) dst(%dma_wait3A_806 : memref<8x128xf32, #tpu.memory_space<vmem>>)
    %dma_wait3A_808 = arith.constant 0 : i32
    %dma_wait3A_809 = arith.constant 0 : i32
    %dma_wait3A_810 = tpu.memref_slice %arg9[%dma_wait3A_808, %dma_wait3A_809] : memref<256x128xf32, #tpu.memory_space<vmem>> -> memref<8x128xf32, #tpu.memory_space<vmem>>
    %dma_wait3A_811 = tpu.memref_slice %arg3[%add3A_15, %multiple_of3A] : memref<1024x100000xf32, #tpu.memory_space<hbm>> -> memref<8x128xf32, #tpu.memory_space<hbm>>
    %dma_wait3A_812 = arith.constant 0 : i32
    %dma_wait3A_813 = arith.constant 0 : i32
    %dma_wait3A_814 = tpu.memref_slice %arg9[%dma_wait3A_812, %dma_wait3A_813] : memref<256x128xf32, #tpu.memory_space<vmem>> -> memref<8x128xf32, #tpu.memory_space<vmem>>
    %dma_wait3A_815 = tpu.memref_slice %arg3[%add3A_15, %multiple_of3A] : memref<1024x100000xf32, #tpu.memory_space<hbm>> -> memref<8x128xf32, #tpu.memory_space<hbm>>
    tpu.wait_dma2 semaphore(%arg12 : memref<!tpu.dma_semaphore, #tpu.memory_space<semaphore_mem>>) src(%dma_wait3A_815 : memref<8x128xf32, #tpu.memory_space<hbm>>) dst(%dma_wait3A_814 : memref<8x128xf32, #tpu.memory_space<vmem>>)
    %dma_wait3A_816 = arith.constant 8 : i32
    %dma_wait3A_817 = arith.constant 0 : i32
    %dma_wait3A_818 = tpu.memref_slice %arg8[%dma_wait3A_816, %dma_wait3A_817] : memref<256x128xf32, #tpu.memory_space<vmem>> -> memref<8x128xf32, #tpu.memory_space<vmem>>
    %dma_wait3A_819 = tpu.memref_slice %arg2[%add3A_30, %multiple_of3A_28] : memref<1024x100000xf32, #tpu.memory_space<hbm>> -> memref<8x128xf32, #tpu.memory_space<hbm>>
    %dma_wait3A_820 = arith.constant 8 : i32
    %dma_wait3A_821 = arith.constant 0 : i32
    %dma_wait3A_822 = tpu.memref_slice %arg8[%dma_wait3A_820, %dma_wait3A_821] : memref<256x128xf32, #tpu.memory_space<vmem>> -> memref<8x128xf32, #tpu.memory_space<vmem>>
    %dma_wait3A_823 = tpu.memref_slice %arg2[%add3A_30, %multiple_of3A_28] : memref<1024x100000xf32, #tpu.memory_space<hbm>> -> memref<8x128xf32, #tpu.memory_space<hbm>>
    tpu.wait_dma2 semaphore(%arg12 : memref<!tpu.dma_semaphore, #tpu.memory_space<semaphore_mem>>) src(%dma_wait3A_823 : memref<8x128xf32, #tpu.memory_space<hbm>>) dst(%dma_wait3A_822 : memref<8x128xf32, #tpu.memory_space<vmem>>)
    %dma_wait3A_824 = arith.constant 8 : i32
    %dma_wait3A_825 = arith.constant 0 : i32
    %dma_wait3A_826 = tpu.memref_slice %arg9[%dma_wait3A_824, %dma_wait3A_825] : memref<256x128xf32, #tpu.memory_space<vmem>> -> memref<8x128xf32, #tpu.memory_space<vmem>>
    %dma_wait3A_827 = tpu.memref_slice %arg3[%add3A_40, %multiple_of3A_28] : memref<1024x100000xf32, #tpu.memory_space<hbm>> -> memref<8x128xf32, #tpu.memory_space<hbm>>
    %dma_wait3A_828 = arith.constant 8 : i32
    %dma_wait3A_829 = arith.constant 0 : i32
    %dma_wait3A_830 = tpu.memref_slice %arg9[%dma_wait3A_828, %dma_wait3A_829] : memref<256x128xf32, #tpu.memory_space<vmem>> -> memref<8x128xf32, #tpu.memory_space<vmem>>
    %dma_wait3A_831 = tpu.memref_slice %arg3[%add3A_40, %multiple_of3A_28] : memref<1024x100000xf32, #tpu.memory_space<hbm>> -> memref<8x128xf32, #tpu.memory_space<hbm>>
    tpu.wait_dma2 semaphore(%arg12 : memref<!tpu.dma_semaphore, #tpu.memory_space<semaphore_mem>>) src(%dma_wait3A_831 : memref<8x128xf32, #tpu.memory_space<hbm>>) dst(%dma_wait3A_830 : memref<8x128xf32, #tpu.memory_space<vmem>>)
    %dma_wait3A_832 = arith.constant 16 : i32
    %dma_wait3A_833 = arith.constant 0 : i32
    %dma_wait3A_834 = tpu.memref_slice %arg8[%dma_wait3A_832, %dma_wait3A_833] : memref<256x128xf32, #tpu.memory_space<vmem>> -> memref<8x128xf32, #tpu.memory_space<vmem>>
    %dma_wait3A_835 = tpu.memref_slice %arg2[%add3A_55, %multiple_of3A_53] : memref<1024x100000xf32, #tpu.memory_space<hbm>> -> memref<8x128xf32, #tpu.memory_space<hbm>>
    %dma_wait3A_836 = arith.constant 16 : i32
    %dma_wait3A_837 = arith.constant 0 : i32
    %dma_wait3A_838 = tpu.memref_slice %arg8[%dma_wait3A_836, %dma_wait3A_837] : memref<256x128xf32, #tpu.memory_space<vmem>> -> memref<8x128xf32, #tpu.memory_space<vmem>>
    %dma_wait3A_839 = tpu.memref_slice %arg2[%add3A_55, %multiple_of3A_53] : memref<1024x100000xf32, #tpu.memory_space<hbm>> -> memref<8x128xf32, #tpu.memory_space<hbm>>
    tpu.wait_dma2 semaphore(%arg12 : memref<!tpu.dma_semaphore, #tpu.memory_space<semaphore_mem>>) src(%dma_wait3A_839 : memref<8x128xf32, #tpu.memory_space<hbm>>) dst(%dma_wait3A_838 : memref<8x128xf32, #tpu.memory_space<vmem>>)
    %dma_wait3A_840 = arith.constant 16 : i32
    %dma_wait3A_841 = arith.constant 0 : i32
    %dma_wait3A_842 = tpu.memref_slice %arg9[%dma_wait3A_840, %dma_wait3A_841] : memref<256x128xf32, #tpu.memory_space<vmem>> -> memref<8x128xf32, #tpu.memory_space<vmem>>
    %dma_wait3A_843 = tpu.memref_slice %arg3[%add3A_65, %multiple_of3A_53] : memref<1024x100000xf32, #tpu.memory_space<hbm>> -> memref<8x128xf32, #tpu.memory_space<hbm>>
    %dma_wait3A_844 = arith.constant 16 : i32
    %dma_wait3A_845 = arith.constant 0 : i32
    %dma_wait3A_846 = tpu.memref_slice %arg9[%dma_wait3A_844, %dma_wait3A_845] : memref<256x128xf32, #tpu.memory_space<vmem>> -> memref<8x128xf32, #tpu.memory_space<vmem>>
    %dma_wait3A_847 = tpu.memref_slice %arg3[%add3A_65, %multiple_of3A_53] : memref<1024x100000xf32, #tpu.memory_space<hbm>> -> memref<8x128xf32, #tpu.memory_space<hbm>>
    tpu.wait_dma2 semaphore(%arg12 : memref<!tpu.dma_semaphore, #tpu.memory_space<semaphore_mem>>) src(%dma_wait3A_847 : memref<8x128xf32, #tpu.memory_space<hbm>>) dst(%dma_wait3A_846 : memref<8x128xf32, #tpu.memory_space<vmem>>)
    %dma_wait3A_848 = arith.constant 24 : i32
    %dma_wait3A_849 = arith.constant 0 : i32
    %dma_wait3A_850 = tpu.memref_slice %arg8[%dma_wait3A_848, %dma_wait3A_849] : memref<256x128xf32, #tpu.memory_space<vmem>> -> memref<8x128xf32, #tpu.memory_space<vmem>>
    %dma_wait3A_851 = tpu.memref_slice %arg2[%add3A_80, %multiple_of3A_78] : memref<1024x100000xf32, #tpu.memory_space<hbm>> -> memref<8x128xf32, #tpu.memory_space<hbm>>
    %dma_wait3A_852 = arith.constant 24 : i32
    %dma_wait3A_853 = arith.constant 0 : i32
    %dma_wait3A_854 = tpu.memref_slice %arg8[%dma_wait3A_852, %dma_wait3A_853] : memref<256x128xf32, #tpu.memory_space<vmem>> -> memref<8x128xf32, #tpu.memory_space<vmem>>
    %dma_wait3A_855 = tpu.memref_slice %arg2[%add3A_80, %multiple_of3A_78] : memref<1024x100000xf32, #tpu.memory_space<hbm>> -> memref<8x128xf32, #tpu.memory_space<hbm>>
    tpu.wait_dma2 semaphore(%arg12 : memref<!tpu.dma_semaphore, #tpu.memory_space<semaphore_mem>>) src(%dma_wait3A_855 : memref<8x128xf32, #tpu.memory_space<hbm>>) dst(%dma_wait3A_854 : memref<8x128xf32, #tpu.memory_space<vmem>>)
    %dma_wait3A_856 = arith.constant 24 : i32
    %dma_wait3A_857 = arith.constant 0 : i32
    %dma_wait3A_858 = tpu.memref_slice %arg9[%dma_wait3A_856, %dma_wait3A_857] : memref<256x128xf32, #tpu.memory_space<vmem>> -> memref<8x128xf32, #tpu.memory_space<vmem>>
    %dma_wait3A_859 = tpu.memref_slice %arg3[%add3A_90, %multiple_of3A_78] : memref<1024x100000xf32, #tpu.memory_space<hbm>> -> memref<8x128xf32, #tpu.memory_space<hbm>>
    %dma_wait3A_860 = arith.constant 24 : i32
    %dma_wait3A_861 = arith.constant 0 : i32
    %dma_wait3A_862 = tpu.memref_slice %arg9[%dma_wait3A_860, %dma_wait3A_861] : memref<256x128xf32, #tpu.memory_space<vmem>> -> memref<8x128xf32, #tpu.memory_space<vmem>>
    %dma_wait3A_863 = tpu.memref_slice %arg3[%add3A_90, %multiple_of3A_78] : memref<1024x100000xf32, #tpu.memory_space<hbm>> -> memref<8x128xf32, #tpu.memory_space<hbm>>
    tpu.wait_dma2 semaphore(%arg12 : memref<!tpu.dma_semaphore, #tpu.memory_space<semaphore_mem>>) src(%dma_wait3A_863 : memref<8x128xf32, #tpu.memory_space<hbm>>) dst(%dma_wait3A_862 : memref<8x128xf32, #tpu.memory_space<vmem>>)
    %dma_wait3A_864 = arith.constant 32 : i32
    %dma_wait3A_865 = arith.constant 0 : i32
    %dma_wait3A_866 = tpu.memref_slice %arg8[%dma_wait3A_864, %dma_wait3A_865] : memref<256x128xf32, #tpu.memory_space<vmem>> -> memref<8x128xf32, #tpu.memory_space<vmem>>
    %dma_wait3A_867 = tpu.memref_slice %arg2[%add3A_105, %multiple_of3A_103] : memref<1024x100000xf32, #tpu.memory_space<hbm>> -> memref<8x128xf32, #tpu.memory_space<hbm>>
    %dma_wait3A_868 = arith.constant 32 : i32
    %dma_wait3A_869 = arith.constant 0 : i32
    %dma_wait3A_870 = tpu.memref_slice %arg8[%dma_wait3A_868, %dma_wait3A_869] : memref<256x128xf32, #tpu.memory_space<vmem>> -> memref<8x128xf32, #tpu.memory_space<vmem>>
    %dma_wait3A_871 = tpu.memref_slice %arg2[%add3A_105, %multiple_of3A_103] : memref<1024x100000xf32, #tpu.memory_space<hbm>> -> memref<8x128xf32, #tpu.memory_space<hbm>>
    tpu.wait_dma2 semaphore(%arg12 : memref<!tpu.dma_semaphore, #tpu.memory_space<semaphore_mem>>) src(%dma_wait3A_871 : memref<8x128xf32, #tpu.memory_space<hbm>>) dst(%dma_wait3A_870 : memref<8x128xf32, #tpu.memory_space<vmem>>)
    %dma_wait3A_872 = arith.constant 32 : i32
    %dma_wait3A_873 = arith.constant 0 : i32
    %dma_wait3A_874 = tpu.memref_slice %arg9[%dma_wait3A_872, %dma_wait3A_873] : memref<256x128xf32, #tpu.memory_space<vmem>> -> memref<8x128xf32, #tpu.memory_space<vmem>>
    %dma_wait3A_875 = tpu.memref_slice %arg3[%add3A_115, %multiple_of3A_103] : memref<1024x100000xf32, #tpu.memory_space<hbm>> -> memref<8x128xf32, #tpu.memory_space<hbm>>
    %dma_wait3A_876 = arith.constant 32 : i32
    %dma_wait3A_877 = arith.constant 0 : i32
    %dma_wait3A_878 = tpu.memref_slice %arg9[%dma_wait3A_876, %dma_wait3A_877] : memref<256x128xf32, #tpu.memory_space<vmem>> -> memref<8x128xf32, #tpu.memory_space<vmem>>
    %dma_wait3A_879 = tpu.memref_slice %arg3[%add3A_115, %multiple_of3A_103] : memref<1024x100000xf32, #tpu.memory_space<hbm>> -> memref<8x128xf32, #tpu.memory_space<hbm>>
    tpu.wait_dma2 semaphore(%arg12 : memref<!tpu.dma_semaphore, #tpu.memory_space<semaphore_mem>>) src(%dma_wait3A_879 : memref<8x128xf32, #tpu.memory_space<hbm>>) dst(%dma_wait3A_878 : memref<8x128xf32, #tpu.memory_space<vmem>>)
    %dma_wait3A_880 = arith.constant 40 : i32
    %dma_wait3A_881 = arith.constant 0 : i32
    %dma_wait3A_882 = tpu.memref_slice %arg8[%dma_wait3A_880, %dma_wait3A_881] : memref<256x128xf32, #tpu.memory_space<vmem>> -> memref<8x128xf32, #tpu.memory_space<vmem>>
    %dma_wait3A_883 = tpu.memref_slice %arg2[%add3A_130, %multiple_of3A_128] : memref<1024x100000xf32, #tpu.memory_space<hbm>> -> memref<8x128xf32, #tpu.memory_space<hbm>>
    %dma_wait3A_884 = arith.constant 40 : i32
    %dma_wait3A_885 = arith.constant 0 : i32
    %dma_wait3A_886 = tpu.memref_slice %arg8[%dma_wait3A_884, %dma_wait3A_885] : memref<256x128xf32, #tpu.memory_space<vmem>> -> memref<8x128xf32, #tpu.memory_space<vmem>>
    %dma_wait3A_887 = tpu.memref_slice %arg2[%add3A_130, %multiple_of3A_128] : memref<1024x100000xf32, #tpu.memory_space<hbm>> -> memref<8x128xf32, #tpu.memory_space<hbm>>
    tpu.wait_dma2 semaphore(%arg12 : memref<!tpu.dma_semaphore, #tpu.memory_space<semaphore_mem>>) src(%dma_wait3A_887 : memref<8x128xf32, #tpu.memory_space<hbm>>) dst(%dma_wait3A_886 : memref<8x128xf32, #tpu.memory_space<vmem>>)
    %dma_wait3A_888 = arith.constant 40 : i32
    %dma_wait3A_889 = arith.constant 0 : i32
    %dma_wait3A_890 = tpu.memref_slice %arg9[%dma_wait3A_888, %dma_wait3A_889] : memref<256x128xf32, #tpu.memory_space<vmem>> -> memref<8x128xf32, #tpu.memory_space<vmem>>
    %dma_wait3A_891 = tpu.memref_slice %arg3[%add3A_140, %multiple_of3A_128] : memref<1024x100000xf32, #tpu.memory_space<hbm>> -> memref<8x128xf32, #tpu.memory_space<hbm>>
    %dma_wait3A_892 = arith.constant 40 : i32
    %dma_wait3A_893 = arith.constant 0 : i32
    %dma_wait3A_894 = tpu.memref_slice %arg9[%dma_wait3A_892, %dma_wait3A_893] : memref<256x128xf32, #tpu.memory_space<vmem>> -> memref<8x128xf32, #tpu.memory_space<vmem>>
    %dma_wait3A_895 = tpu.memref_slice %arg3[%add3A_140, %multiple_of3A_128] : memref<1024x100000xf32, #tpu.memory_space<hbm>> -> memref<8x128xf32, #tpu.memory_space<hbm>>
    tpu.wait_dma2 semaphore(%arg12 : memref<!tpu.dma_semaphore, #tpu.memory_space<semaphore_mem>>) src(%dma_wait3A_895 : memref<8x128xf32, #tpu.memory_space<hbm>>) dst(%dma_wait3A_894 : memref<8x128xf32, #tpu.memory_space<vmem>>)
    %dma_wait3A_896 = arith.constant 48 : i32
    %dma_wait3A_897 = arith.constant 0 : i32
    %dma_wait3A_898 = tpu.memref_slice %arg8[%dma_wait3A_896, %dma_wait3A_897] : memref<256x128xf32, #tpu.memory_space<vmem>> -> memref<8x128xf32, #tpu.memory_space<vmem>>
    %dma_wait3A_899 = tpu.memref_slice %arg2[%add3A_155, %multiple_of3A_153] : memref<1024x100000xf32, #tpu.memory_space<hbm>> -> memref<8x128xf32, #tpu.memory_space<hbm>>
    %dma_wait3A_900 = arith.constant 48 : i32
    %dma_wait3A_901 = arith.constant 0 : i32
    %dma_wait3A_902 = tpu.memref_slice %arg8[%dma_wait3A_900, %dma_wait3A_901] : memref<256x128xf32, #tpu.memory_space<vmem>> -> memref<8x128xf32, #tpu.memory_space<vmem>>
    %dma_wait3A_903 = tpu.memref_slice %arg2[%add3A_155, %multiple_of3A_153] : memref<1024x100000xf32, #tpu.memory_space<hbm>> -> memref<8x128xf32, #tpu.memory_space<hbm>>
    tpu.wait_dma2 semaphore(%arg12 : memref<!tpu.dma_semaphore, #tpu.memory_space<semaphore_mem>>) src(%dma_wait3A_903 : memref<8x128xf32, #tpu.memory_space<hbm>>) dst(%dma_wait3A_902 : memref<8x128xf32, #tpu.memory_space<vmem>>)
    %dma_wait3A_904 = arith.constant 48 : i32
    %dma_wait3A_905 = arith.constant 0 : i32
    %dma_wait3A_906 = tpu.memref_slice %arg9[%dma_wait3A_904, %dma_wait3A_905] : memref<256x128xf32, #tpu.memory_space<vmem>> -> memref<8x128xf32, #tpu.memory_space<vmem>>
    %dma_wait3A_907 = tpu.memref_slice %arg3[%add3A_165, %multiple_of3A_153] : memref<1024x100000xf32, #tpu.memory_space<hbm>> -> memref<8x128xf32, #tpu.memory_space<hbm>>
    %dma_wait3A_908 = arith.constant 48 : i32
    %dma_wait3A_909 = arith.constant 0 : i32
    %dma_wait3A_910 = tpu.memref_slice %arg9[%dma_wait3A_908, %dma_wait3A_909] : memref<256x128xf32, #tpu.memory_space<vmem>> -> memref<8x128xf32, #tpu.memory_space<vmem>>
    %dma_wait3A_911 = tpu.memref_slice %arg3[%add3A_165, %multiple_of3A_153] : memref<1024x100000xf32, #tpu.memory_space<hbm>> -> memref<8x128xf32, #tpu.memory_space<hbm>>
    tpu.wait_dma2 semaphore(%arg12 : memref<!tpu.dma_semaphore, #tpu.memory_space<semaphore_mem>>) src(%dma_wait3A_911 : memref<8x128xf32, #tpu.memory_space<hbm>>) dst(%dma_wait3A_910 : memref<8x128xf32, #tpu.memory_space<vmem>>)
    %dma_wait3A_912 = arith.constant 56 : i32
    %dma_wait3A_913 = arith.constant 0 : i32
    %dma_wait3A_914 = tpu.memref_slice %arg8[%dma_wait3A_912, %dma_wait3A_913] : memref<256x128xf32, #tpu.memory_space<vmem>> -> memref<8x128xf32, #tpu.memory_space<vmem>>
    %dma_wait3A_915 = tpu.memref_slice %arg2[%add3A_180, %multiple_of3A_178] : memref<1024x100000xf32, #tpu.memory_space<hbm>> -> memref<8x128xf32, #tpu.memory_space<hbm>>
    %dma_wait3A_916 = arith.constant 56 : i32
    %dma_wait3A_917 = arith.constant 0 : i32
    %dma_wait3A_918 = tpu.memref_slice %arg8[%dma_wait3A_916, %dma_wait3A_917] : memref<256x128xf32, #tpu.memory_space<vmem>> -> memref<8x128xf32, #tpu.memory_space<vmem>>
    %dma_wait3A_919 = tpu.memref_slice %arg2[%add3A_180, %multiple_of3A_178] : memref<1024x100000xf32, #tpu.memory_space<hbm>> -> memref<8x128xf32, #tpu.memory_space<hbm>>
    tpu.wait_dma2 semaphore(%arg12 : memref<!tpu.dma_semaphore, #tpu.memory_space<semaphore_mem>>) src(%dma_wait3A_919 : memref<8x128xf32, #tpu.memory_space<hbm>>) dst(%dma_wait3A_918 : memref<8x128xf32, #tpu.memory_space<vmem>>)
    %dma_wait3A_920 = arith.constant 56 : i32
    %dma_wait3A_921 = arith.constant 0 : i32
    %dma_wait3A_922 = tpu.memref_slice %arg9[%dma_wait3A_920, %dma_wait3A_921] : memref<256x128xf32, #tpu.memory_space<vmem>> -> memref<8x128xf32, #tpu.memory_space<vmem>>
    %dma_wait3A_923 = tpu.memref_slice %arg3[%add3A_190, %multiple_of3A_178] : memref<1024x100000xf32, #tpu.memory_space<hbm>> -> memref<8x128xf32, #tpu.memory_space<hbm>>
    %dma_wait3A_924 = arith.constant 56 : i32
    %dma_wait3A_925 = arith.constant 0 : i32
    %dma_wait3A_926 = tpu.memref_slice %arg9[%dma_wait3A_924, %dma_wait3A_925] : memref<256x128xf32, #tpu.memory_space<vmem>> -> memref<8x128xf32, #tpu.memory_space<vmem>>
    %dma_wait3A_927 = tpu.memref_slice %arg3[%add3A_190, %multiple_of3A_178] : memref<1024x100000xf32, #tpu.memory_space<hbm>> -> memref<8x128xf32, #tpu.memory_space<hbm>>
    tpu.wait_dma2 semaphore(%arg12 : memref<!tpu.dma_semaphore, #tpu.memory_space<semaphore_mem>>) src(%dma_wait3A_927 : memref<8x128xf32, #tpu.memory_space<hbm>>) dst(%dma_wait3A_926 : memref<8x128xf32, #tpu.memory_space<vmem>>)
    %dma_wait3A_928 = arith.constant 64 : i32
    %dma_wait3A_929 = arith.constant 0 : i32
    %dma_wait3A_930 = tpu.memref_slice %arg8[%dma_wait3A_928, %dma_wait3A_929] : memref<256x128xf32, #tpu.memory_space<vmem>> -> memref<8x128xf32, #tpu.memory_space<vmem>>
    %dma_wait3A_931 = tpu.memref_slice %arg2[%add3A_205, %multiple_of3A_203] : memref<1024x100000xf32, #tpu.memory_space<hbm>> -> memref<8x128xf32, #tpu.memory_space<hbm>>
    %dma_wait3A_932 = arith.constant 64 : i32
    %dma_wait3A_933 = arith.constant 0 : i32
    %dma_wait3A_934 = tpu.memref_slice %arg8[%dma_wait3A_932, %dma_wait3A_933] : memref<256x128xf32, #tpu.memory_space<vmem>> -> memref<8x128xf32, #tpu.memory_space<vmem>>
    %dma_wait3A_935 = tpu.memref_slice %arg2[%add3A_205, %multiple_of3A_203] : memref<1024x100000xf32, #tpu.memory_space<hbm>> -> memref<8x128xf32, #tpu.memory_space<hbm>>
    tpu.wait_dma2 semaphore(%arg12 : memref<!tpu.dma_semaphore, #tpu.memory_space<semaphore_mem>>) src(%dma_wait3A_935 : memref<8x128xf32, #tpu.memory_space<hbm>>) dst(%dma_wait3A_934 : memref<8x128xf32, #tpu.memory_space<vmem>>)
    %dma_wait3A_936 = arith.constant 64 : i32
    %dma_wait3A_937 = arith.constant 0 : i32
    %dma_wait3A_938 = tpu.memref_slice %arg9[%dma_wait3A_936, %dma_wait3A_937] : memref<256x128xf32, #tpu.memory_space<vmem>> -> memref<8x128xf32, #tpu.memory_space<vmem>>
    %dma_wait3A_939 = tpu.memref_slice %arg3[%add3A_215, %multiple_of3A_203] : memref<1024x100000xf32, #tpu.memory_space<hbm>> -> memref<8x128xf32, #tpu.memory_space<hbm>>
    %dma_wait3A_940 = arith.constant 64 : i32
    %dma_wait3A_941 = arith.constant 0 : i32
    %dma_wait3A_942 = tpu.memref_slice %arg9[%dma_wait3A_940, %dma_wait3A_941] : memref<256x128xf32, #tpu.memory_space<vmem>> -> memref<8x128xf32, #tpu.memory_space<vmem>>
    %dma_wait3A_943 = tpu.memref_slice %arg3[%add3A_215, %multiple_of3A_203] : memref<1024x100000xf32, #tpu.memory_space<hbm>> -> memref<8x128xf32, #tpu.memory_space<hbm>>
    tpu.wait_dma2 semaphore(%arg12 : memref<!tpu.dma_semaphore, #tpu.memory_space<semaphore_mem>>) src(%dma_wait3A_943 : memref<8x128xf32, #tpu.memory_space<hbm>>) dst(%dma_wait3A_942 : memref<8x128xf32, #tpu.memory_space<vmem>>)
    %dma_wait3A_944 = arith.constant 72 : i32
    %dma_wait3A_945 = arith.constant 0 : i32
    %dma_wait3A_946 = tpu.memref_slice %arg8[%dma_wait3A_944, %dma_wait3A_945] : memref<256x128xf32, #tpu.memory_space<vmem>> -> memref<8x128xf32, #tpu.memory_space<vmem>>
    %dma_wait3A_947 = tpu.memref_slice %arg2[%add3A_230, %multiple_of3A_228] : memref<1024x100000xf32, #tpu.memory_space<hbm>> -> memref<8x128xf32, #tpu.memory_space<hbm>>
    %dma_wait3A_948 = arith.constant 72 : i32
    %dma_wait3A_949 = arith.constant 0 : i32
    %dma_wait3A_950 = tpu.memref_slice %arg8[%dma_wait3A_948, %dma_wait3A_949] : memref<256x128xf32, #tpu.memory_space<vmem>> -> memref<8x128xf32, #tpu.memory_space<vmem>>
    %dma_wait3A_951 = tpu.memref_slice %arg2[%add3A_230, %multiple_of3A_228] : memref<1024x100000xf32, #tpu.memory_space<hbm>> -> memref<8x128xf32, #tpu.memory_space<hbm>>
    tpu.wait_dma2 semaphore(%arg12 : memref<!tpu.dma_semaphore, #tpu.memory_space<semaphore_mem>>) src(%dma_wait3A_951 : memref<8x128xf32, #tpu.memory_space<hbm>>) dst(%dma_wait3A_950 : memref<8x128xf32, #tpu.memory_space<vmem>>)
    %dma_wait3A_952 = arith.constant 72 : i32
    %dma_wait3A_953 = arith.constant 0 : i32
    %dma_wait3A_954 = tpu.memref_slice %arg9[%dma_wait3A_952, %dma_wait3A_953] : memref<256x128xf32, #tpu.memory_space<vmem>> -> memref<8x128xf32, #tpu.memory_space<vmem>>
    %dma_wait3A_955 = tpu.memref_slice %arg3[%add3A_240, %multiple_of3A_228] : memref<1024x100000xf32, #tpu.memory_space<hbm>> -> memref<8x128xf32, #tpu.memory_space<hbm>>
    %dma_wait3A_956 = arith.constant 72 : i32
    %dma_wait3A_957 = arith.constant 0 : i32
    %dma_wait3A_958 = tpu.memref_slice %arg9[%dma_wait3A_956, %dma_wait3A_957] : memref<256x128xf32, #tpu.memory_space<vmem>> -> memref<8x128xf32, #tpu.memory_space<vmem>>
    %dma_wait3A_959 = tpu.memref_slice %arg3[%add3A_240, %multiple_of3A_228] : memref<1024x100000xf32, #tpu.memory_space<hbm>> -> memref<8x128xf32, #tpu.memory_space<hbm>>
    tpu.wait_dma2 semaphore(%arg12 : memref<!tpu.dma_semaphore, #tpu.memory_space<semaphore_mem>>) src(%dma_wait3A_959 : memref<8x128xf32, #tpu.memory_space<hbm>>) dst(%dma_wait3A_958 : memref<8x128xf32, #tpu.memory_space<vmem>>)
    %dma_wait3A_960 = arith.constant 80 : i32
    %dma_wait3A_961 = arith.constant 0 : i32
    %dma_wait3A_962 = tpu.memref_slice %arg8[%dma_wait3A_960, %dma_wait3A_961] : memref<256x128xf32, #tpu.memory_space<vmem>> -> memref<8x128xf32, #tpu.memory_space<vmem>>
    %dma_wait3A_963 = tpu.memref_slice %arg2[%add3A_255, %multiple_of3A_253] : memref<1024x100000xf32, #tpu.memory_space<hbm>> -> memref<8x128xf32, #tpu.memory_space<hbm>>
    %dma_wait3A_964 = arith.constant 80 : i32
    %dma_wait3A_965 = arith.constant 0 : i32
    %dma_wait3A_966 = tpu.memref_slice %arg8[%dma_wait3A_964, %dma_wait3A_965] : memref<256x128xf32, #tpu.memory_space<vmem>> -> memref<8x128xf32, #tpu.memory_space<vmem>>
    %dma_wait3A_967 = tpu.memref_slice %arg2[%add3A_255, %multiple_of3A_253] : memref<1024x100000xf32, #tpu.memory_space<hbm>> -> memref<8x128xf32, #tpu.memory_space<hbm>>
    tpu.wait_dma2 semaphore(%arg12 : memref<!tpu.dma_semaphore, #tpu.memory_space<semaphore_mem>>) src(%dma_wait3A_967 : memref<8x128xf32, #tpu.memory_space<hbm>>) dst(%dma_wait3A_966 : memref<8x128xf32, #tpu.memory_space<vmem>>)
    %dma_wait3A_968 = arith.constant 80 : i32
    %dma_wait3A_969 = arith.constant 0 : i32
    %dma_wait3A_970 = tpu.memref_slice %arg9[%dma_wait3A_968, %dma_wait3A_969] : memref<256x128xf32, #tpu.memory_space<vmem>> -> memref<8x128xf32, #tpu.memory_space<vmem>>
    %dma_wait3A_971 = tpu.memref_slice %arg3[%add3A_265, %multiple_of3A_253] : memref<1024x100000xf32, #tpu.memory_space<hbm>> -> memref<8x128xf32, #tpu.memory_space<hbm>>
    %dma_wait3A_972 = arith.constant 80 : i32
    %dma_wait3A_973 = arith.constant 0 : i32
    %dma_wait3A_974 = tpu.memref_slice %arg9[%dma_wait3A_972, %dma_wait3A_973] : memref<256x128xf32, #tpu.memory_space<vmem>> -> memref<8x128xf32, #tpu.memory_space<vmem>>
    %dma_wait3A_975 = tpu.memref_slice %arg3[%add3A_265, %multiple_of3A_253] : memref<1024x100000xf32, #tpu.memory_space<hbm>> -> memref<8x128xf32, #tpu.memory_space<hbm>>
    tpu.wait_dma2 semaphore(%arg12 : memref<!tpu.dma_semaphore, #tpu.memory_space<semaphore_mem>>) src(%dma_wait3A_975 : memref<8x128xf32, #tpu.memory_space<hbm>>) dst(%dma_wait3A_974 : memref<8x128xf32, #tpu.memory_space<vmem>>)
    %dma_wait3A_976 = arith.constant 88 : i32
    %dma_wait3A_977 = arith.constant 0 : i32
    %dma_wait3A_978 = tpu.memref_slice %arg8[%dma_wait3A_976, %dma_wait3A_977] : memref<256x128xf32, #tpu.memory_space<vmem>> -> memref<8x128xf32, #tpu.memory_space<vmem>>
    %dma_wait3A_979 = tpu.memref_slice %arg2[%add3A_280, %multiple_of3A_278] : memref<1024x100000xf32, #tpu.memory_space<hbm>> -> memref<8x128xf32, #tpu.memory_space<hbm>>
    %dma_wait3A_980 = arith.constant 88 : i32
    %dma_wait3A_981 = arith.constant 0 : i32
    %dma_wait3A_982 = tpu.memref_slice %arg8[%dma_wait3A_980, %dma_wait3A_981] : memref<256x128xf32, #tpu.memory_space<vmem>> -> memref<8x128xf32, #tpu.memory_space<vmem>>
    %dma_wait3A_983 = tpu.memref_slice %arg2[%add3A_280, %multiple_of3A_278] : memref<1024x100000xf32, #tpu.memory_space<hbm>> -> memref<8x128xf32, #tpu.memory_space<hbm>>
    tpu.wait_dma2 semaphore(%arg12 : memref<!tpu.dma_semaphore, #tpu.memory_space<semaphore_mem>>) src(%dma_wait3A_983 : memref<8x128xf32, #tpu.memory_space<hbm>>) dst(%dma_wait3A_982 : memref<8x128xf32, #tpu.memory_space<vmem>>)
    %dma_wait3A_984 = arith.constant 88 : i32
    %dma_wait3A_985 = arith.constant 0 : i32
    %dma_wait3A_986 = tpu.memref_slice %arg9[%dma_wait3A_984, %dma_wait3A_985] : memref<256x128xf32, #tpu.memory_space<vmem>> -> memref<8x128xf32, #tpu.memory_space<vmem>>
    %dma_wait3A_987 = tpu.memref_slice %arg3[%add3A_290, %multiple_of3A_278] : memref<1024x100000xf32, #tpu.memory_space<hbm>> -> memref<8x128xf32, #tpu.memory_space<hbm>>
    %dma_wait3A_988 = arith.constant 88 : i32
    %dma_wait3A_989 = arith.constant 0 : i32
    %dma_wait3A_990 = tpu.memref_slice %arg9[%dma_wait3A_988, %dma_wait3A_989] : memref<256x128xf32, #tpu.memory_space<vmem>> -> memref<8x128xf32, #tpu.memory_space<vmem>>
    %dma_wait3A_991 = tpu.memref_slice %arg3[%add3A_290, %multiple_of3A_278] : memref<1024x100000xf32, #tpu.memory_space<hbm>> -> memref<8x128xf32, #tpu.memory_space<hbm>>
    tpu.wait_dma2 semaphore(%arg12 : memref<!tpu.dma_semaphore, #tpu.memory_space<semaphore_mem>>) src(%dma_wait3A_991 : memref<8x128xf32, #tpu.memory_space<hbm>>) dst(%dma_wait3A_990 : memref<8x128xf32, #tpu.memory_space<vmem>>)
    %dma_wait3A_992 = arith.constant 96 : i32
    %dma_wait3A_993 = arith.constant 0 : i32
    %dma_wait3A_994 = tpu.memref_slice %arg8[%dma_wait3A_992, %dma_wait3A_993] : memref<256x128xf32, #tpu.memory_space<vmem>> -> memref<8x128xf32, #tpu.memory_space<vmem>>
    %dma_wait3A_995 = tpu.memref_slice %arg2[%add3A_305, %multiple_of3A_303] : memref<1024x100000xf32, #tpu.memory_space<hbm>> -> memref<8x128xf32, #tpu.memory_space<hbm>>
    %dma_wait3A_996 = arith.constant 96 : i32
    %dma_wait3A_997 = arith.constant 0 : i32
    %dma_wait3A_998 = tpu.memref_slice %arg8[%dma_wait3A_996, %dma_wait3A_997] : memref<256x128xf32, #tpu.memory_space<vmem>> -> memref<8x128xf32, #tpu.memory_space<vmem>>
    %dma_wait3A_999 = tpu.memref_slice %arg2[%add3A_305, %multiple_of3A_303] : memref<1024x100000xf32, #tpu.memory_space<hbm>> -> memref<8x128xf32, #tpu.memory_space<hbm>>
    tpu.wait_dma2 semaphore(%arg12 : memref<!tpu.dma_semaphore, #tpu.memory_space<semaphore_mem>>) src(%dma_wait3A_999 : memref<8x128xf32, #tpu.memory_space<hbm>>) dst(%dma_wait3A_998 : memref<8x128xf32, #tpu.memory_space<vmem>>)
    %dma_wait3A_1000 = arith.constant 96 : i32
    %dma_wait3A_1001 = arith.constant 0 : i32
    %dma_wait3A_1002 = tpu.memref_slice %arg9[%dma_wait3A_1000, %dma_wait3A_1001] : memref<256x128xf32, #tpu.memory_space<vmem>> -> memref<8x128xf32, #tpu.memory_space<vmem>>
    %dma_wait3A_1003 = tpu.memref_slice %arg3[%add3A_315, %multiple_of3A_303] : memref<1024x100000xf32, #tpu.memory_space<hbm>> -> memref<8x128xf32, #tpu.memory_space<hbm>>
    %dma_wait3A_1004 = arith.constant 96 : i32
    %dma_wait3A_1005 = arith.constant 0 : i32
    %dma_wait3A_1006 = tpu.memref_slice %arg9[%dma_wait3A_1004, %dma_wait3A_1005] : memref<256x128xf32, #tpu.memory_space<vmem>> -> memref<8x128xf32, #tpu.memory_space<vmem>>
    %dma_wait3A_1007 = tpu.memref_slice %arg3[%add3A_315, %multiple_of3A_303] : memref<1024x100000xf32, #tpu.memory_space<hbm>> -> memref<8x128xf32, #tpu.memory_space<hbm>>
    tpu.wait_dma2 semaphore(%arg12 : memref<!tpu.dma_semaphore, #tpu.memory_space<semaphore_mem>>) src(%dma_wait3A_1007 : memref<8x128xf32, #tpu.memory_space<hbm>>) dst(%dma_wait3A_1006 : memref<8x128xf32, #tpu.memory_space<vmem>>)
    %dma_wait3A_1008 = arith.constant 104 : i32
    %dma_wait3A_1009 = arith.constant 0 : i32
    %dma_wait3A_1010 = tpu.memref_slice %arg8[%dma_wait3A_1008, %dma_wait3A_1009] : memref<256x128xf32, #tpu.memory_space<vmem>> -> memref<8x128xf32, #tpu.memory_space<vmem>>
    %dma_wait3A_1011 = tpu.memref_slice %arg2[%add3A_330, %multiple_of3A_328] : memref<1024x100000xf32, #tpu.memory_space<hbm>> -> memref<8x128xf32, #tpu.memory_space<hbm>>
    %dma_wait3A_1012 = arith.constant 104 : i32
    %dma_wait3A_1013 = arith.constant 0 : i32
    %dma_wait3A_1014 = tpu.memref_slice %arg8[%dma_wait3A_1012, %dma_wait3A_1013] : memref<256x128xf32, #tpu.memory_space<vmem>> -> memref<8x128xf32, #tpu.memory_space<vmem>>
    %dma_wait3A_1015 = tpu.memref_slice %arg2[%add3A_330, %multiple_of3A_328] : memref<1024x100000xf32, #tpu.memory_space<hbm>> -> memref<8x128xf32, #tpu.memory_space<hbm>>
    tpu.wait_dma2 semaphore(%arg12 : memref<!tpu.dma_semaphore, #tpu.memory_space<semaphore_mem>>) src(%dma_wait3A_1015 : memref<8x128xf32, #tpu.memory_space<hbm>>) dst(%dma_wait3A_1014 : memref<8x128xf32, #tpu.memory_space<vmem>>)
    %dma_wait3A_1016 = arith.constant 104 : i32
    %dma_wait3A_1017 = arith.constant 0 : i32
    %dma_wait3A_1018 = tpu.memref_slice %arg9[%dma_wait3A_1016, %dma_wait3A_1017] : memref<256x128xf32, #tpu.memory_space<vmem>> -> memref<8x128xf32, #tpu.memory_space<vmem>>
    %dma_wait3A_1019 = tpu.memref_slice %arg3[%add3A_340, %multiple_of3A_328] : memref<1024x100000xf32, #tpu.memory_space<hbm>> -> memref<8x128xf32, #tpu.memory_space<hbm>>
    %dma_wait3A_1020 = arith.constant 104 : i32
    %dma_wait3A_1021 = arith.constant 0 : i32
    %dma_wait3A_1022 = tpu.memref_slice %arg9[%dma_wait3A_1020, %dma_wait3A_1021] : memref<256x128xf32, #tpu.memory_space<vmem>> -> memref<8x128xf32, #tpu.memory_space<vmem>>
    %dma_wait3A_1023 = tpu.memref_slice %arg3[%add3A_340, %multiple_of3A_328] : memref<1024x100000xf32, #tpu.memory_space<hbm>> -> memref<8x128xf32, #tpu.memory_space<hbm>>
    tpu.wait_dma2 semaphore(%arg12 : memref<!tpu.dma_semaphore, #tpu.memory_space<semaphore_mem>>) src(%dma_wait3A_1023 : memref<8x128xf32, #tpu.memory_space<hbm>>) dst(%dma_wait3A_1022 : memref<8x128xf32, #tpu.memory_space<vmem>>)
    %dma_wait3A_1024 = arith.constant 112 : i32
    %dma_wait3A_1025 = arith.constant 0 : i32
    %dma_wait3A_1026 = tpu.memref_slice %arg8[%dma_wait3A_1024, %dma_wait3A_1025] : memref<256x128xf32, #tpu.memory_space<vmem>> -> memref<8x128xf32, #tpu.memory_space<vmem>>
    %dma_wait3A_1027 = tpu.memref_slice %arg2[%add3A_355, %multiple_of3A_353] : memref<1024x100000xf32, #tpu.memory_space<hbm>> -> memref<8x128xf32, #tpu.memory_space<hbm>>
    %dma_wait3A_1028 = arith.constant 112 : i32
    %dma_wait3A_1029 = arith.constant 0 : i32
    %dma_wait3A_1030 = tpu.memref_slice %arg8[%dma_wait3A_1028, %dma_wait3A_1029] : memref<256x128xf32, #tpu.memory_space<vmem>> -> memref<8x128xf32, #tpu.memory_space<vmem>>
    %dma_wait3A_1031 = tpu.memref_slice %arg2[%add3A_355, %multiple_of3A_353] : memref<1024x100000xf32, #tpu.memory_space<hbm>> -> memref<8x128xf32, #tpu.memory_space<hbm>>
    tpu.wait_dma2 semaphore(%arg12 : memref<!tpu.dma_semaphore, #tpu.memory_space<semaphore_mem>>) src(%dma_wait3A_1031 : memref<8x128xf32, #tpu.memory_space<hbm>>) dst(%dma_wait3A_1030 : memref<8x128xf32, #tpu.memory_space<vmem>>)
    %dma_wait3A_1032 = arith.constant 112 : i32
    %dma_wait3A_1033 = arith.constant 0 : i32
    %dma_wait3A_1034 = tpu.memref_slice %arg9[%dma_wait3A_1032, %dma_wait3A_1033] : memref<256x128xf32, #tpu.memory_space<vmem>> -> memref<8x128xf32, #tpu.memory_space<vmem>>
    %dma_wait3A_1035 = tpu.memref_slice %arg3[%add3A_365, %multiple_of3A_353] : memref<1024x100000xf32, #tpu.memory_space<hbm>> -> memref<8x128xf32, #tpu.memory_space<hbm>>
    %dma_wait3A_1036 = arith.constant 112 : i32
    %dma_wait3A_1037 = arith.constant 0 : i32
    %dma_wait3A_1038 = tpu.memref_slice %arg9[%dma_wait3A_1036, %dma_wait3A_1037] : memref<256x128xf32, #tpu.memory_space<vmem>> -> memref<8x128xf32, #tpu.memory_space<vmem>>
    %dma_wait3A_1039 = tpu.memref_slice %arg3[%add3A_365, %multiple_of3A_353] : memref<1024x100000xf32, #tpu.memory_space<hbm>> -> memref<8x128xf32, #tpu.memory_space<hbm>>
    tpu.wait_dma2 semaphore(%arg12 : memref<!tpu.dma_semaphore, #tpu.memory_space<semaphore_mem>>) src(%dma_wait3A_1039 : memref<8x128xf32, #tpu.memory_space<hbm>>) dst(%dma_wait3A_1038 : memref<8x128xf32, #tpu.memory_space<vmem>>)
    %dma_wait3A_1040 = arith.constant 120 : i32
    %dma_wait3A_1041 = arith.constant 0 : i32
    %dma_wait3A_1042 = tpu.memref_slice %arg8[%dma_wait3A_1040, %dma_wait3A_1041] : memref<256x128xf32, #tpu.memory_space<vmem>> -> memref<8x128xf32, #tpu.memory_space<vmem>>
    %dma_wait3A_1043 = tpu.memref_slice %arg2[%add3A_380, %multiple_of3A_378] : memref<1024x100000xf32, #tpu.memory_space<hbm>> -> memref<8x128xf32, #tpu.memory_space<hbm>>
    %dma_wait3A_1044 = arith.constant 120 : i32
    %dma_wait3A_1045 = arith.constant 0 : i32
    %dma_wait3A_1046 = tpu.memref_slice %arg8[%dma_wait3A_1044, %dma_wait3A_1045] : memref<256x128xf32, #tpu.memory_space<vmem>> -> memref<8x128xf32, #tpu.memory_space<vmem>>
    %dma_wait3A_1047 = tpu.memref_slice %arg2[%add3A_380, %multiple_of3A_378] : memref<1024x100000xf32, #tpu.memory_space<hbm>> -> memref<8x128xf32, #tpu.memory_space<hbm>>
    tpu.wait_dma2 semaphore(%arg12 : memref<!tpu.dma_semaphore, #tpu.memory_space<semaphore_mem>>) src(%dma_wait3A_1047 : memref<8x128xf32, #tpu.memory_space<hbm>>) dst(%dma_wait3A_1046 : memref<8x128xf32, #tpu.memory_space<vmem>>)
    %dma_wait3A_1048 = arith.constant 120 : i32
    %dma_wait3A_1049 = arith.constant 0 : i32
    %dma_wait3A_1050 = tpu.memref_slice %arg9[%dma_wait3A_1048, %dma_wait3A_1049] : memref<256x128xf32, #tpu.memory_space<vmem>> -> memref<8x128xf32, #tpu.memory_space<vmem>>
    %dma_wait3A_1051 = tpu.memref_slice %arg3[%add3A_390, %multiple_of3A_378] : memref<1024x100000xf32, #tpu.memory_space<hbm>> -> memref<8x128xf32, #tpu.memory_space<hbm>>
    %dma_wait3A_1052 = arith.constant 120 : i32
    %dma_wait3A_1053 = arith.constant 0 : i32
    %dma_wait3A_1054 = tpu.memref_slice %arg9[%dma_wait3A_1052, %dma_wait3A_1053] : memref<256x128xf32, #tpu.memory_space<vmem>> -> memref<8x128xf32, #tpu.memory_space<vmem>>
    %dma_wait3A_1055 = tpu.memref_slice %arg3[%add3A_390, %multiple_of3A_378] : memref<1024x100000xf32, #tpu.memory_space<hbm>> -> memref<8x128xf32, #tpu.memory_space<hbm>>
    tpu.wait_dma2 semaphore(%arg12 : memref<!tpu.dma_semaphore, #tpu.memory_space<semaphore_mem>>) src(%dma_wait3A_1055 : memref<8x128xf32, #tpu.memory_space<hbm>>) dst(%dma_wait3A_1054 : memref<8x128xf32, #tpu.memory_space<vmem>>)
    %dma_wait3A_1056 = arith.constant 128 : i32
    %dma_wait3A_1057 = arith.constant 0 : i32
    %dma_wait3A_1058 = tpu.memref_slice %arg8[%dma_wait3A_1056, %dma_wait3A_1057] : memref<256x128xf32, #tpu.memory_space<vmem>> -> memref<8x128xf32, #tpu.memory_space<vmem>>
    %dma_wait3A_1059 = tpu.memref_slice %arg2[%add3A_407, %multiple_of3A_405] : memref<1024x100000xf32, #tpu.memory_space<hbm>> -> memref<8x128xf32, #tpu.memory_space<hbm>>
    %dma_wait3A_1060 = arith.constant 128 : i32
    %dma_wait3A_1061 = arith.constant 0 : i32
    %dma_wait3A_1062 = tpu.memref_slice %arg8[%dma_wait3A_1060, %dma_wait3A_1061] : memref<256x128xf32, #tpu.memory_space<vmem>> -> memref<8x128xf32, #tpu.memory_space<vmem>>
    %dma_wait3A_1063 = tpu.memref_slice %arg2[%add3A_407, %multiple_of3A_405] : memref<1024x100000xf32, #tpu.memory_space<hbm>> -> memref<8x128xf32, #tpu.memory_space<hbm>>
    tpu.wait_dma2 semaphore(%arg12 : memref<!tpu.dma_semaphore, #tpu.memory_space<semaphore_mem>>) src(%dma_wait3A_1063 : memref<8x128xf32, #tpu.memory_space<hbm>>) dst(%dma_wait3A_1062 : memref<8x128xf32, #tpu.memory_space<vmem>>)
    %dma_wait3A_1064 = arith.constant 128 : i32
    %dma_wait3A_1065 = arith.constant 0 : i32
    %dma_wait3A_1066 = tpu.memref_slice %arg9[%dma_wait3A_1064, %dma_wait3A_1065] : memref<256x128xf32, #tpu.memory_space<vmem>> -> memref<8x128xf32, #tpu.memory_space<vmem>>
    %dma_wait3A_1067 = tpu.memref_slice %arg3[%add3A_417, %multiple_of3A_405] : memref<1024x100000xf32, #tpu.memory_space<hbm>> -> memref<8x128xf32, #tpu.memory_space<hbm>>
    %dma_wait3A_1068 = arith.constant 128 : i32
    %dma_wait3A_1069 = arith.constant 0 : i32
    %dma_wait3A_1070 = tpu.memref_slice %arg9[%dma_wait3A_1068, %dma_wait3A_1069] : memref<256x128xf32, #tpu.memory_space<vmem>> -> memref<8x128xf32, #tpu.memory_space<vmem>>
    %dma_wait3A_1071 = tpu.memref_slice %arg3[%add3A_417, %multiple_of3A_405] : memref<1024x100000xf32, #tpu.memory_space<hbm>> -> memref<8x128xf32, #tpu.memory_space<hbm>>
    tpu.wait_dma2 semaphore(%arg12 : memref<!tpu.dma_semaphore, #tpu.memory_space<semaphore_mem>>) src(%dma_wait3A_1071 : memref<8x128xf32, #tpu.memory_space<hbm>>) dst(%dma_wait3A_1070 : memref<8x128xf32, #tpu.memory_space<vmem>>)
    %dma_wait3A_1072 = arith.constant 136 : i32
    %dma_wait3A_1073 = arith.constant 0 : i32
    %dma_wait3A_1074 = tpu.memref_slice %arg8[%dma_wait3A_1072, %dma_wait3A_1073] : memref<256x128xf32, #tpu.memory_space<vmem>> -> memref<8x128xf32, #tpu.memory_space<vmem>>
    %dma_wait3A_1075 = tpu.memref_slice %arg2[%add3A_432, %multiple_of3A_430] : memref<1024x100000xf32, #tpu.memory_space<hbm>> -> memref<8x128xf32, #tpu.memory_space<hbm>>
    %dma_wait3A_1076 = arith.constant 136 : i32
    %dma_wait3A_1077 = arith.constant 0 : i32
    %dma_wait3A_1078 = tpu.memref_slice %arg8[%dma_wait3A_1076, %dma_wait3A_1077] : memref<256x128xf32, #tpu.memory_space<vmem>> -> memref<8x128xf32, #tpu.memory_space<vmem>>
    %dma_wait3A_1079 = tpu.memref_slice %arg2[%add3A_432, %multiple_of3A_430] : memref<1024x100000xf32, #tpu.memory_space<hbm>> -> memref<8x128xf32, #tpu.memory_space<hbm>>
    tpu.wait_dma2 semaphore(%arg12 : memref<!tpu.dma_semaphore, #tpu.memory_space<semaphore_mem>>) src(%dma_wait3A_1079 : memref<8x128xf32, #tpu.memory_space<hbm>>) dst(%dma_wait3A_1078 : memref<8x128xf32, #tpu.memory_space<vmem>>)
    %dma_wait3A_1080 = arith.constant 136 : i32
    %dma_wait3A_1081 = arith.constant 0 : i32
    %dma_wait3A_1082 = tpu.memref_slice %arg9[%dma_wait3A_1080, %dma_wait3A_1081] : memref<256x128xf32, #tpu.memory_space<vmem>> -> memref<8x128xf32, #tpu.memory_space<vmem>>
    %dma_wait3A_1083 = tpu.memref_slice %arg3[%add3A_442, %multiple_of3A_430] : memref<1024x100000xf32, #tpu.memory_space<hbm>> -> memref<8x128xf32, #tpu.memory_space<hbm>>
    %dma_wait3A_1084 = arith.constant 136 : i32
    %dma_wait3A_1085 = arith.constant 0 : i32
    %dma_wait3A_1086 = tpu.memref_slice %arg9[%dma_wait3A_1084, %dma_wait3A_1085] : memref<256x128xf32, #tpu.memory_space<vmem>> -> memref<8x128xf32, #tpu.memory_space<vmem>>
    %dma_wait3A_1087 = tpu.memref_slice %arg3[%add3A_442, %multiple_of3A_430] : memref<1024x100000xf32, #tpu.memory_space<hbm>> -> memref<8x128xf32, #tpu.memory_space<hbm>>
    tpu.wait_dma2 semaphore(%arg12 : memref<!tpu.dma_semaphore, #tpu.memory_space<semaphore_mem>>) src(%dma_wait3A_1087 : memref<8x128xf32, #tpu.memory_space<hbm>>) dst(%dma_wait3A_1086 : memref<8x128xf32, #tpu.memory_space<vmem>>)
    %dma_wait3A_1088 = arith.constant 144 : i32
    %dma_wait3A_1089 = arith.constant 0 : i32
    %dma_wait3A_1090 = tpu.memref_slice %arg8[%dma_wait3A_1088, %dma_wait3A_1089] : memref<256x128xf32, #tpu.memory_space<vmem>> -> memref<8x128xf32, #tpu.memory_space<vmem>>
    %dma_wait3A_1091 = tpu.memref_slice %arg2[%add3A_457, %multiple_of3A_455] : memref<1024x100000xf32, #tpu.memory_space<hbm>> -> memref<8x128xf32, #tpu.memory_space<hbm>>
    %dma_wait3A_1092 = arith.constant 144 : i32
    %dma_wait3A_1093 = arith.constant 0 : i32
    %dma_wait3A_1094 = tpu.memref_slice %arg8[%dma_wait3A_1092, %dma_wait3A_1093] : memref<256x128xf32, #tpu.memory_space<vmem>> -> memref<8x128xf32, #tpu.memory_space<vmem>>
    %dma_wait3A_1095 = tpu.memref_slice %arg2[%add3A_457, %multiple_of3A_455] : memref<1024x100000xf32, #tpu.memory_space<hbm>> -> memref<8x128xf32, #tpu.memory_space<hbm>>
    tpu.wait_dma2 semaphore(%arg12 : memref<!tpu.dma_semaphore, #tpu.memory_space<semaphore_mem>>) src(%dma_wait3A_1095 : memref<8x128xf32, #tpu.memory_space<hbm>>) dst(%dma_wait3A_1094 : memref<8x128xf32, #tpu.memory_space<vmem>>)
    %dma_wait3A_1096 = arith.constant 144 : i32
    %dma_wait3A_1097 = arith.constant 0 : i32
    %dma_wait3A_1098 = tpu.memref_slice %arg9[%dma_wait3A_1096, %dma_wait3A_1097] : memref<256x128xf32, #tpu.memory_space<vmem>> -> memref<8x128xf32, #tpu.memory_space<vmem>>
    %dma_wait3A_1099 = tpu.memref_slice %arg3[%add3A_467, %multiple_of3A_455] : memref<1024x100000xf32, #tpu.memory_space<hbm>> -> memref<8x128xf32, #tpu.memory_space<hbm>>
    %dma_wait3A_1100 = arith.constant 144 : i32
    %dma_wait3A_1101 = arith.constant 0 : i32
    %dma_wait3A_1102 = tpu.memref_slice %arg9[%dma_wait3A_1100, %dma_wait3A_1101] : memref<256x128xf32, #tpu.memory_space<vmem>> -> memref<8x128xf32, #tpu.memory_space<vmem>>
    %dma_wait3A_1103 = tpu.memref_slice %arg3[%add3A_467, %multiple_of3A_455] : memref<1024x100000xf32, #tpu.memory_space<hbm>> -> memref<8x128xf32, #tpu.memory_space<hbm>>
    tpu.wait_dma2 semaphore(%arg12 : memref<!tpu.dma_semaphore, #tpu.memory_space<semaphore_mem>>) src(%dma_wait3A_1103 : memref<8x128xf32, #tpu.memory_space<hbm>>) dst(%dma_wait3A_1102 : memref<8x128xf32, #tpu.memory_space<vmem>>)
    %dma_wait3A_1104 = arith.constant 152 : i32
    %dma_wait3A_1105 = arith.constant 0 : i32
    %dma_wait3A_1106 = tpu.memref_slice %arg8[%dma_wait3A_1104, %dma_wait3A_1105] : memref<256x128xf32, #tpu.memory_space<vmem>> -> memref<8x128xf32, #tpu.memory_space<vmem>>
    %dma_wait3A_1107 = tpu.memref_slice %arg2[%add3A_482, %multiple_of3A_480] : memref<1024x100000xf32, #tpu.memory_space<hbm>> -> memref<8x128xf32, #tpu.memory_space<hbm>>
    %dma_wait3A_1108 = arith.constant 152 : i32
    %dma_wait3A_1109 = arith.constant 0 : i32
    %dma_wait3A_1110 = tpu.memref_slice %arg8[%dma_wait3A_1108, %dma_wait3A_1109] : memref<256x128xf32, #tpu.memory_space<vmem>> -> memref<8x128xf32, #tpu.memory_space<vmem>>
    %dma_wait3A_1111 = tpu.memref_slice %arg2[%add3A_482, %multiple_of3A_480] : memref<1024x100000xf32, #tpu.memory_space<hbm>> -> memref<8x128xf32, #tpu.memory_space<hbm>>
    tpu.wait_dma2 semaphore(%arg12 : memref<!tpu.dma_semaphore, #tpu.memory_space<semaphore_mem>>) src(%dma_wait3A_1111 : memref<8x128xf32, #tpu.memory_space<hbm>>) dst(%dma_wait3A_1110 : memref<8x128xf32, #tpu.memory_space<vmem>>)
    %dma_wait3A_1112 = arith.constant 152 : i32
    %dma_wait3A_1113 = arith.constant 0 : i32
    %dma_wait3A_1114 = tpu.memref_slice %arg9[%dma_wait3A_1112, %dma_wait3A_1113] : memref<256x128xf32, #tpu.memory_space<vmem>> -> memref<8x128xf32, #tpu.memory_space<vmem>>
    %dma_wait3A_1115 = tpu.memref_slice %arg3[%add3A_492, %multiple_of3A_480] : memref<1024x100000xf32, #tpu.memory_space<hbm>> -> memref<8x128xf32, #tpu.memory_space<hbm>>
    %dma_wait3A_1116 = arith.constant 152 : i32
    %dma_wait3A_1117 = arith.constant 0 : i32
    %dma_wait3A_1118 = tpu.memref_slice %arg9[%dma_wait3A_1116, %dma_wait3A_1117] : memref<256x128xf32, #tpu.memory_space<vmem>> -> memref<8x128xf32, #tpu.memory_space<vmem>>
    %dma_wait3A_1119 = tpu.memref_slice %arg3[%add3A_492, %multiple_of3A_480] : memref<1024x100000xf32, #tpu.memory_space<hbm>> -> memref<8x128xf32, #tpu.memory_space<hbm>>
    tpu.wait_dma2 semaphore(%arg12 : memref<!tpu.dma_semaphore, #tpu.memory_space<semaphore_mem>>) src(%dma_wait3A_1119 : memref<8x128xf32, #tpu.memory_space<hbm>>) dst(%dma_wait3A_1118 : memref<8x128xf32, #tpu.memory_space<vmem>>)
    %dma_wait3A_1120 = arith.constant 160 : i32
    %dma_wait3A_1121 = arith.constant 0 : i32
    %dma_wait3A_1122 = tpu.memref_slice %arg8[%dma_wait3A_1120, %dma_wait3A_1121] : memref<256x128xf32, #tpu.memory_space<vmem>> -> memref<8x128xf32, #tpu.memory_space<vmem>>
    %dma_wait3A_1123 = tpu.memref_slice %arg2[%add3A_507, %multiple_of3A_505] : memref<1024x100000xf32, #tpu.memory_space<hbm>> -> memref<8x128xf32, #tpu.memory_space<hbm>>
    %dma_wait3A_1124 = arith.constant 160 : i32
    %dma_wait3A_1125 = arith.constant 0 : i32
    %dma_wait3A_1126 = tpu.memref_slice %arg8[%dma_wait3A_1124, %dma_wait3A_1125] : memref<256x128xf32, #tpu.memory_space<vmem>> -> memref<8x128xf32, #tpu.memory_space<vmem>>
    %dma_wait3A_1127 = tpu.memref_slice %arg2[%add3A_507, %multiple_of3A_505] : memref<1024x100000xf32, #tpu.memory_space<hbm>> -> memref<8x128xf32, #tpu.memory_space<hbm>>
    tpu.wait_dma2 semaphore(%arg12 : memref<!tpu.dma_semaphore, #tpu.memory_space<semaphore_mem>>) src(%dma_wait3A_1127 : memref<8x128xf32, #tpu.memory_space<hbm>>) dst(%dma_wait3A_1126 : memref<8x128xf32, #tpu.memory_space<vmem>>)
    %dma_wait3A_1128 = arith.constant 160 : i32
    %dma_wait3A_1129 = arith.constant 0 : i32
    %dma_wait3A_1130 = tpu.memref_slice %arg9[%dma_wait3A_1128, %dma_wait3A_1129] : memref<256x128xf32, #tpu.memory_space<vmem>> -> memref<8x128xf32, #tpu.memory_space<vmem>>
    %dma_wait3A_1131 = tpu.memref_slice %arg3[%add3A_517, %multiple_of3A_505] : memref<1024x100000xf32, #tpu.memory_space<hbm>> -> memref<8x128xf32, #tpu.memory_space<hbm>>
    %dma_wait3A_1132 = arith.constant 160 : i32
    %dma_wait3A_1133 = arith.constant 0 : i32
    %dma_wait3A_1134 = tpu.memref_slice %arg9[%dma_wait3A_1132, %dma_wait3A_1133] : memref<256x128xf32, #tpu.memory_space<vmem>> -> memref<8x128xf32, #tpu.memory_space<vmem>>
    %dma_wait3A_1135 = tpu.memref_slice %arg3[%add3A_517, %multiple_of3A_505] : memref<1024x100000xf32, #tpu.memory_space<hbm>> -> memref<8x128xf32, #tpu.memory_space<hbm>>
    tpu.wait_dma2 semaphore(%arg12 : memref<!tpu.dma_semaphore, #tpu.memory_space<semaphore_mem>>) src(%dma_wait3A_1135 : memref<8x128xf32, #tpu.memory_space<hbm>>) dst(%dma_wait3A_1134 : memref<8x128xf32, #tpu.memory_space<vmem>>)
    %dma_wait3A_1136 = arith.constant 168 : i32
    %dma_wait3A_1137 = arith.constant 0 : i32
    %dma_wait3A_1138 = tpu.memref_slice %arg8[%dma_wait3A_1136, %dma_wait3A_1137] : memref<256x128xf32, #tpu.memory_space<vmem>> -> memref<8x128xf32, #tpu.memory_space<vmem>>
    %dma_wait3A_1139 = tpu.memref_slice %arg2[%add3A_532, %multiple_of3A_530] : memref<1024x100000xf32, #tpu.memory_space<hbm>> -> memref<8x128xf32, #tpu.memory_space<hbm>>
    %dma_wait3A_1140 = arith.constant 168 : i32
    %dma_wait3A_1141 = arith.constant 0 : i32
    %dma_wait3A_1142 = tpu.memref_slice %arg8[%dma_wait3A_1140, %dma_wait3A_1141] : memref<256x128xf32, #tpu.memory_space<vmem>> -> memref<8x128xf32, #tpu.memory_space<vmem>>
    %dma_wait3A_1143 = tpu.memref_slice %arg2[%add3A_532, %multiple_of3A_530] : memref<1024x100000xf32, #tpu.memory_space<hbm>> -> memref<8x128xf32, #tpu.memory_space<hbm>>
    tpu.wait_dma2 semaphore(%arg12 : memref<!tpu.dma_semaphore, #tpu.memory_space<semaphore_mem>>) src(%dma_wait3A_1143 : memref<8x128xf32, #tpu.memory_space<hbm>>) dst(%dma_wait3A_1142 : memref<8x128xf32, #tpu.memory_space<vmem>>)
    %dma_wait3A_1144 = arith.constant 168 : i32
    %dma_wait3A_1145 = arith.constant 0 : i32
    %dma_wait3A_1146 = tpu.memref_slice %arg9[%dma_wait3A_1144, %dma_wait3A_1145] : memref<256x128xf32, #tpu.memory_space<vmem>> -> memref<8x128xf32, #tpu.memory_space<vmem>>
    %dma_wait3A_1147 = tpu.memref_slice %arg3[%add3A_542, %multiple_of3A_530] : memref<1024x100000xf32, #tpu.memory_space<hbm>> -> memref<8x128xf32, #tpu.memory_space<hbm>>
    %dma_wait3A_1148 = arith.constant 168 : i32
    %dma_wait3A_1149 = arith.constant 0 : i32
    %dma_wait3A_1150 = tpu.memref_slice %arg9[%dma_wait3A_1148, %dma_wait3A_1149] : memref<256x128xf32, #tpu.memory_space<vmem>> -> memref<8x128xf32, #tpu.memory_space<vmem>>
    %dma_wait3A_1151 = tpu.memref_slice %arg3[%add3A_542, %multiple_of3A_530] : memref<1024x100000xf32, #tpu.memory_space<hbm>> -> memref<8x128xf32, #tpu.memory_space<hbm>>
    tpu.wait_dma2 semaphore(%arg12 : memref<!tpu.dma_semaphore, #tpu.memory_space<semaphore_mem>>) src(%dma_wait3A_1151 : memref<8x128xf32, #tpu.memory_space<hbm>>) dst(%dma_wait3A_1150 : memref<8x128xf32, #tpu.memory_space<vmem>>)
    %dma_wait3A_1152 = arith.constant 176 : i32
    %dma_wait3A_1153 = arith.constant 0 : i32
    %dma_wait3A_1154 = tpu.memref_slice %arg8[%dma_wait3A_1152, %dma_wait3A_1153] : memref<256x128xf32, #tpu.memory_space<vmem>> -> memref<8x128xf32, #tpu.memory_space<vmem>>
    %dma_wait3A_1155 = tpu.memref_slice %arg2[%add3A_557, %multiple_of3A_555] : memref<1024x100000xf32, #tpu.memory_space<hbm>> -> memref<8x128xf32, #tpu.memory_space<hbm>>
    %dma_wait3A_1156 = arith.constant 176 : i32
    %dma_wait3A_1157 = arith.constant 0 : i32
    %dma_wait3A_1158 = tpu.memref_slice %arg8[%dma_wait3A_1156, %dma_wait3A_1157] : memref<256x128xf32, #tpu.memory_space<vmem>> -> memref<8x128xf32, #tpu.memory_space<vmem>>
    %dma_wait3A_1159 = tpu.memref_slice %arg2[%add3A_557, %multiple_of3A_555] : memref<1024x100000xf32, #tpu.memory_space<hbm>> -> memref<8x128xf32, #tpu.memory_space<hbm>>
    tpu.wait_dma2 semaphore(%arg12 : memref<!tpu.dma_semaphore, #tpu.memory_space<semaphore_mem>>) src(%dma_wait3A_1159 : memref<8x128xf32, #tpu.memory_space<hbm>>) dst(%dma_wait3A_1158 : memref<8x128xf32, #tpu.memory_space<vmem>>)
    %dma_wait3A_1160 = arith.constant 176 : i32
    %dma_wait3A_1161 = arith.constant 0 : i32
    %dma_wait3A_1162 = tpu.memref_slice %arg9[%dma_wait3A_1160, %dma_wait3A_1161] : memref<256x128xf32, #tpu.memory_space<vmem>> -> memref<8x128xf32, #tpu.memory_space<vmem>>
    %dma_wait3A_1163 = tpu.memref_slice %arg3[%add3A_567, %multiple_of3A_555] : memref<1024x100000xf32, #tpu.memory_space<hbm>> -> memref<8x128xf32, #tpu.memory_space<hbm>>
    %dma_wait3A_1164 = arith.constant 176 : i32
    %dma_wait3A_1165 = arith.constant 0 : i32
    %dma_wait3A_1166 = tpu.memref_slice %arg9[%dma_wait3A_1164, %dma_wait3A_1165] : memref<256x128xf32, #tpu.memory_space<vmem>> -> memref<8x128xf32, #tpu.memory_space<vmem>>
    %dma_wait3A_1167 = tpu.memref_slice %arg3[%add3A_567, %multiple_of3A_555] : memref<1024x100000xf32, #tpu.memory_space<hbm>> -> memref<8x128xf32, #tpu.memory_space<hbm>>
    tpu.wait_dma2 semaphore(%arg12 : memref<!tpu.dma_semaphore, #tpu.memory_space<semaphore_mem>>) src(%dma_wait3A_1167 : memref<8x128xf32, #tpu.memory_space<hbm>>) dst(%dma_wait3A_1166 : memref<8x128xf32, #tpu.memory_space<vmem>>)
    %dma_wait3A_1168 = arith.constant 184 : i32
    %dma_wait3A_1169 = arith.constant 0 : i32
    %dma_wait3A_1170 = tpu.memref_slice %arg8[%dma_wait3A_1168, %dma_wait3A_1169] : memref<256x128xf32, #tpu.memory_space<vmem>> -> memref<8x128xf32, #tpu.memory_space<vmem>>
    %dma_wait3A_1171 = tpu.memref_slice %arg2[%add3A_582, %multiple_of3A_580] : memref<1024x100000xf32, #tpu.memory_space<hbm>> -> memref<8x128xf32, #tpu.memory_space<hbm>>
    %dma_wait3A_1172 = arith.constant 184 : i32
    %dma_wait3A_1173 = arith.constant 0 : i32
    %dma_wait3A_1174 = tpu.memref_slice %arg8[%dma_wait3A_1172, %dma_wait3A_1173] : memref<256x128xf32, #tpu.memory_space<vmem>> -> memref<8x128xf32, #tpu.memory_space<vmem>>
    %dma_wait3A_1175 = tpu.memref_slice %arg2[%add3A_582, %multiple_of3A_580] : memref<1024x100000xf32, #tpu.memory_space<hbm>> -> memref<8x128xf32, #tpu.memory_space<hbm>>
    tpu.wait_dma2 semaphore(%arg12 : memref<!tpu.dma_semaphore, #tpu.memory_space<semaphore_mem>>) src(%dma_wait3A_1175 : memref<8x128xf32, #tpu.memory_space<hbm>>) dst(%dma_wait3A_1174 : memref<8x128xf32, #tpu.memory_space<vmem>>)
    %dma_wait3A_1176 = arith.constant 184 : i32
    %dma_wait3A_1177 = arith.constant 0 : i32
    %dma_wait3A_1178 = tpu.memref_slice %arg9[%dma_wait3A_1176, %dma_wait3A_1177] : memref<256x128xf32, #tpu.memory_space<vmem>> -> memref<8x128xf32, #tpu.memory_space<vmem>>
    %dma_wait3A_1179 = tpu.memref_slice %arg3[%add3A_592, %multiple_of3A_580] : memref<1024x100000xf32, #tpu.memory_space<hbm>> -> memref<8x128xf32, #tpu.memory_space<hbm>>
    %dma_wait3A_1180 = arith.constant 184 : i32
    %dma_wait3A_1181 = arith.constant 0 : i32
    %dma_wait3A_1182 = tpu.memref_slice %arg9[%dma_wait3A_1180, %dma_wait3A_1181] : memref<256x128xf32, #tpu.memory_space<vmem>> -> memref<8x128xf32, #tpu.memory_space<vmem>>
    %dma_wait3A_1183 = tpu.memref_slice %arg3[%add3A_592, %multiple_of3A_580] : memref<1024x100000xf32, #tpu.memory_space<hbm>> -> memref<8x128xf32, #tpu.memory_space<hbm>>
    tpu.wait_dma2 semaphore(%arg12 : memref<!tpu.dma_semaphore, #tpu.memory_space<semaphore_mem>>) src(%dma_wait3A_1183 : memref<8x128xf32, #tpu.memory_space<hbm>>) dst(%dma_wait3A_1182 : memref<8x128xf32, #tpu.memory_space<vmem>>)
    %dma_wait3A_1184 = arith.constant 192 : i32
    %dma_wait3A_1185 = arith.constant 0 : i32
    %dma_wait3A_1186 = tpu.memref_slice %arg8[%dma_wait3A_1184, %dma_wait3A_1185] : memref<256x128xf32, #tpu.memory_space<vmem>> -> memref<8x128xf32, #tpu.memory_space<vmem>>
    %dma_wait3A_1187 = tpu.memref_slice %arg2[%add3A_607, %multiple_of3A_605] : memref<1024x100000xf32, #tpu.memory_space<hbm>> -> memref<8x128xf32, #tpu.memory_space<hbm>>
    %dma_wait3A_1188 = arith.constant 192 : i32
    %dma_wait3A_1189 = arith.constant 0 : i32
    %dma_wait3A_1190 = tpu.memref_slice %arg8[%dma_wait3A_1188, %dma_wait3A_1189] : memref<256x128xf32, #tpu.memory_space<vmem>> -> memref<8x128xf32, #tpu.memory_space<vmem>>
    %dma_wait3A_1191 = tpu.memref_slice %arg2[%add3A_607, %multiple_of3A_605] : memref<1024x100000xf32, #tpu.memory_space<hbm>> -> memref<8x128xf32, #tpu.memory_space<hbm>>
    tpu.wait_dma2 semaphore(%arg12 : memref<!tpu.dma_semaphore, #tpu.memory_space<semaphore_mem>>) src(%dma_wait3A_1191 : memref<8x128xf32, #tpu.memory_space<hbm>>) dst(%dma_wait3A_1190 : memref<8x128xf32, #tpu.memory_space<vmem>>)
    %dma_wait3A_1192 = arith.constant 192 : i32
    %dma_wait3A_1193 = arith.constant 0 : i32
    %dma_wait3A_1194 = tpu.memref_slice %arg9[%dma_wait3A_1192, %dma_wait3A_1193] : memref<256x128xf32, #tpu.memory_space<vmem>> -> memref<8x128xf32, #tpu.memory_space<vmem>>
    %dma_wait3A_1195 = tpu.memref_slice %arg3[%add3A_617, %multiple_of3A_605] : memref<1024x100000xf32, #tpu.memory_space<hbm>> -> memref<8x128xf32, #tpu.memory_space<hbm>>
    %dma_wait3A_1196 = arith.constant 192 : i32
    %dma_wait3A_1197 = arith.constant 0 : i32
    %dma_wait3A_1198 = tpu.memref_slice %arg9[%dma_wait3A_1196, %dma_wait3A_1197] : memref<256x128xf32, #tpu.memory_space<vmem>> -> memref<8x128xf32, #tpu.memory_space<vmem>>
    %dma_wait3A_1199 = tpu.memref_slice %arg3[%add3A_617, %multiple_of3A_605] : memref<1024x100000xf32, #tpu.memory_space<hbm>> -> memref<8x128xf32, #tpu.memory_space<hbm>>
    tpu.wait_dma2 semaphore(%arg12 : memref<!tpu.dma_semaphore, #tpu.memory_space<semaphore_mem>>) src(%dma_wait3A_1199 : memref<8x128xf32, #tpu.memory_space<hbm>>) dst(%dma_wait3A_1198 : memref<8x128xf32, #tpu.memory_space<vmem>>)
    %dma_wait3A_1200 = arith.constant 200 : i32
    %dma_wait3A_1201 = arith.constant 0 : i32
    %dma_wait3A_1202 = tpu.memref_slice %arg8[%dma_wait3A_1200, %dma_wait3A_1201] : memref<256x128xf32, #tpu.memory_space<vmem>> -> memref<8x128xf32, #tpu.memory_space<vmem>>
    %dma_wait3A_1203 = tpu.memref_slice %arg2[%add3A_632, %multiple_of3A_630] : memref<1024x100000xf32, #tpu.memory_space<hbm>> -> memref<8x128xf32, #tpu.memory_space<hbm>>
    %dma_wait3A_1204 = arith.constant 200 : i32
    %dma_wait3A_1205 = arith.constant 0 : i32
    %dma_wait3A_1206 = tpu.memref_slice %arg8[%dma_wait3A_1204, %dma_wait3A_1205] : memref<256x128xf32, #tpu.memory_space<vmem>> -> memref<8x128xf32, #tpu.memory_space<vmem>>
    %dma_wait3A_1207 = tpu.memref_slice %arg2[%add3A_632, %multiple_of3A_630] : memref<1024x100000xf32, #tpu.memory_space<hbm>> -> memref<8x128xf32, #tpu.memory_space<hbm>>
    tpu.wait_dma2 semaphore(%arg12 : memref<!tpu.dma_semaphore, #tpu.memory_space<semaphore_mem>>) src(%dma_wait3A_1207 : memref<8x128xf32, #tpu.memory_space<hbm>>) dst(%dma_wait3A_1206 : memref<8x128xf32, #tpu.memory_space<vmem>>)
    %dma_wait3A_1208 = arith.constant 200 : i32
    %dma_wait3A_1209 = arith.constant 0 : i32
    %dma_wait3A_1210 = tpu.memref_slice %arg9[%dma_wait3A_1208, %dma_wait3A_1209] : memref<256x128xf32, #tpu.memory_space<vmem>> -> memref<8x128xf32, #tpu.memory_space<vmem>>
    %dma_wait3A_1211 = tpu.memref_slice %arg3[%add3A_642, %multiple_of3A_630] : memref<1024x100000xf32, #tpu.memory_space<hbm>> -> memref<8x128xf32, #tpu.memory_space<hbm>>
    %dma_wait3A_1212 = arith.constant 200 : i32
    %dma_wait3A_1213 = arith.constant 0 : i32
    %dma_wait3A_1214 = tpu.memref_slice %arg9[%dma_wait3A_1212, %dma_wait3A_1213] : memref<256x128xf32, #tpu.memory_space<vmem>> -> memref<8x128xf32, #tpu.memory_space<vmem>>
    %dma_wait3A_1215 = tpu.memref_slice %arg3[%add3A_642, %multiple_of3A_630] : memref<1024x100000xf32, #tpu.memory_space<hbm>> -> memref<8x128xf32, #tpu.memory_space<hbm>>
    tpu.wait_dma2 semaphore(%arg12 : memref<!tpu.dma_semaphore, #tpu.memory_space<semaphore_mem>>) src(%dma_wait3A_1215 : memref<8x128xf32, #tpu.memory_space<hbm>>) dst(%dma_wait3A_1214 : memref<8x128xf32, #tpu.memory_space<vmem>>)
    %dma_wait3A_1216 = arith.constant 208 : i32
    %dma_wait3A_1217 = arith.constant 0 : i32
    %dma_wait3A_1218 = tpu.memref_slice %arg8[%dma_wait3A_1216, %dma_wait3A_1217] : memref<256x128xf32, #tpu.memory_space<vmem>> -> memref<8x128xf32, #tpu.memory_space<vmem>>
    %dma_wait3A_1219 = tpu.memref_slice %arg2[%add3A_657, %multiple_of3A_655] : memref<1024x100000xf32, #tpu.memory_space<hbm>> -> memref<8x128xf32, #tpu.memory_space<hbm>>
    %dma_wait3A_1220 = arith.constant 208 : i32
    %dma_wait3A_1221 = arith.constant 0 : i32
    %dma_wait3A_1222 = tpu.memref_slice %arg8[%dma_wait3A_1220, %dma_wait3A_1221] : memref<256x128xf32, #tpu.memory_space<vmem>> -> memref<8x128xf32, #tpu.memory_space<vmem>>
    %dma_wait3A_1223 = tpu.memref_slice %arg2[%add3A_657, %multiple_of3A_655] : memref<1024x100000xf32, #tpu.memory_space<hbm>> -> memref<8x128xf32, #tpu.memory_space<hbm>>
    tpu.wait_dma2 semaphore(%arg12 : memref<!tpu.dma_semaphore, #tpu.memory_space<semaphore_mem>>) src(%dma_wait3A_1223 : memref<8x128xf32, #tpu.memory_space<hbm>>) dst(%dma_wait3A_1222 : memref<8x128xf32, #tpu.memory_space<vmem>>)
    %dma_wait3A_1224 = arith.constant 208 : i32
    %dma_wait3A_1225 = arith.constant 0 : i32
    %dma_wait3A_1226 = tpu.memref_slice %arg9[%dma_wait3A_1224, %dma_wait3A_1225] : memref<256x128xf32, #tpu.memory_space<vmem>> -> memref<8x128xf32, #tpu.memory_space<vmem>>
    %dma_wait3A_1227 = tpu.memref_slice %arg3[%add3A_667, %multiple_of3A_655] : memref<1024x100000xf32, #tpu.memory_space<hbm>> -> memref<8x128xf32, #tpu.memory_space<hbm>>
    %dma_wait3A_1228 = arith.constant 208 : i32
    %dma_wait3A_1229 = arith.constant 0 : i32
    %dma_wait3A_1230 = tpu.memref_slice %arg9[%dma_wait3A_1228, %dma_wait3A_1229] : memref<256x128xf32, #tpu.memory_space<vmem>> -> memref<8x128xf32, #tpu.memory_space<vmem>>
    %dma_wait3A_1231 = tpu.memref_slice %arg3[%add3A_667, %multiple_of3A_655] : memref<1024x100000xf32, #tpu.memory_space<hbm>> -> memref<8x128xf32, #tpu.memory_space<hbm>>
    tpu.wait_dma2 semaphore(%arg12 : memref<!tpu.dma_semaphore, #tpu.memory_space<semaphore_mem>>) src(%dma_wait3A_1231 : memref<8x128xf32, #tpu.memory_space<hbm>>) dst(%dma_wait3A_1230 : memref<8x128xf32, #tpu.memory_space<vmem>>)
    %dma_wait3A_1232 = arith.constant 216 : i32
    %dma_wait3A_1233 = arith.constant 0 : i32
    %dma_wait3A_1234 = tpu.memref_slice %arg8[%dma_wait3A_1232, %dma_wait3A_1233] : memref<256x128xf32, #tpu.memory_space<vmem>> -> memref<8x128xf32, #tpu.memory_space<vmem>>
    %dma_wait3A_1235 = tpu.memref_slice %arg2[%add3A_682, %multiple_of3A_680] : memref<1024x100000xf32, #tpu.memory_space<hbm>> -> memref<8x128xf32, #tpu.memory_space<hbm>>
    %dma_wait3A_1236 = arith.constant 216 : i32
    %dma_wait3A_1237 = arith.constant 0 : i32
    %dma_wait3A_1238 = tpu.memref_slice %arg8[%dma_wait3A_1236, %dma_wait3A_1237] : memref<256x128xf32, #tpu.memory_space<vmem>> -> memref<8x128xf32, #tpu.memory_space<vmem>>
    %dma_wait3A_1239 = tpu.memref_slice %arg2[%add3A_682, %multiple_of3A_680] : memref<1024x100000xf32, #tpu.memory_space<hbm>> -> memref<8x128xf32, #tpu.memory_space<hbm>>
    tpu.wait_dma2 semaphore(%arg12 : memref<!tpu.dma_semaphore, #tpu.memory_space<semaphore_mem>>) src(%dma_wait3A_1239 : memref<8x128xf32, #tpu.memory_space<hbm>>) dst(%dma_wait3A_1238 : memref<8x128xf32, #tpu.memory_space<vmem>>)
    %dma_wait3A_1240 = arith.constant 216 : i32
    %dma_wait3A_1241 = arith.constant 0 : i32
    %dma_wait3A_1242 = tpu.memref_slice %arg9[%dma_wait3A_1240, %dma_wait3A_1241] : memref<256x128xf32, #tpu.memory_space<vmem>> -> memref<8x128xf32, #tpu.memory_space<vmem>>
    %dma_wait3A_1243 = tpu.memref_slice %arg3[%add3A_692, %multiple_of3A_680] : memref<1024x100000xf32, #tpu.memory_space<hbm>> -> memref<8x128xf32, #tpu.memory_space<hbm>>
    %dma_wait3A_1244 = arith.constant 216 : i32
    %dma_wait3A_1245 = arith.constant 0 : i32
    %dma_wait3A_1246 = tpu.memref_slice %arg9[%dma_wait3A_1244, %dma_wait3A_1245] : memref<256x128xf32, #tpu.memory_space<vmem>> -> memref<8x128xf32, #tpu.memory_space<vmem>>
    %dma_wait3A_1247 = tpu.memref_slice %arg3[%add3A_692, %multiple_of3A_680] : memref<1024x100000xf32, #tpu.memory_space<hbm>> -> memref<8x128xf32, #tpu.memory_space<hbm>>
    tpu.wait_dma2 semaphore(%arg12 : memref<!tpu.dma_semaphore, #tpu.memory_space<semaphore_mem>>) src(%dma_wait3A_1247 : memref<8x128xf32, #tpu.memory_space<hbm>>) dst(%dma_wait3A_1246 : memref<8x128xf32, #tpu.memory_space<vmem>>)
    %dma_wait3A_1248 = arith.constant 224 : i32
    %dma_wait3A_1249 = arith.constant 0 : i32
    %dma_wait3A_1250 = tpu.memref_slice %arg8[%dma_wait3A_1248, %dma_wait3A_1249] : memref<256x128xf32, #tpu.memory_space<vmem>> -> memref<8x128xf32, #tpu.memory_space<vmem>>
    %dma_wait3A_1251 = tpu.memref_slice %arg2[%add3A_707, %multiple_of3A_705] : memref<1024x100000xf32, #tpu.memory_space<hbm>> -> memref<8x128xf32, #tpu.memory_space<hbm>>
    %dma_wait3A_1252 = arith.constant 224 : i32
    %dma_wait3A_1253 = arith.constant 0 : i32
    %dma_wait3A_1254 = tpu.memref_slice %arg8[%dma_wait3A_1252, %dma_wait3A_1253] : memref<256x128xf32, #tpu.memory_space<vmem>> -> memref<8x128xf32, #tpu.memory_space<vmem>>
    %dma_wait3A_1255 = tpu.memref_slice %arg2[%add3A_707, %multiple_of3A_705] : memref<1024x100000xf32, #tpu.memory_space<hbm>> -> memref<8x128xf32, #tpu.memory_space<hbm>>
    tpu.wait_dma2 semaphore(%arg12 : memref<!tpu.dma_semaphore, #tpu.memory_space<semaphore_mem>>) src(%dma_wait3A_1255 : memref<8x128xf32, #tpu.memory_space<hbm>>) dst(%dma_wait3A_1254 : memref<8x128xf32, #tpu.memory_space<vmem>>)
    %dma_wait3A_1256 = arith.constant 224 : i32
    %dma_wait3A_1257 = arith.constant 0 : i32
    %dma_wait3A_1258 = tpu.memref_slice %arg9[%dma_wait3A_1256, %dma_wait3A_1257] : memref<256x128xf32, #tpu.memory_space<vmem>> -> memref<8x128xf32, #tpu.memory_space<vmem>>
    %dma_wait3A_1259 = tpu.memref_slice %arg3[%add3A_717, %multiple_of3A_705] : memref<1024x100000xf32, #tpu.memory_space<hbm>> -> memref<8x128xf32, #tpu.memory_space<hbm>>
    %dma_wait3A_1260 = arith.constant 224 : i32
    %dma_wait3A_1261 = arith.constant 0 : i32
    %dma_wait3A_1262 = tpu.memref_slice %arg9[%dma_wait3A_1260, %dma_wait3A_1261] : memref<256x128xf32, #tpu.memory_space<vmem>> -> memref<8x128xf32, #tpu.memory_space<vmem>>
    %dma_wait3A_1263 = tpu.memref_slice %arg3[%add3A_717, %multiple_of3A_705] : memref<1024x100000xf32, #tpu.memory_space<hbm>> -> memref<8x128xf32, #tpu.memory_space<hbm>>
    tpu.wait_dma2 semaphore(%arg12 : memref<!tpu.dma_semaphore, #tpu.memory_space<semaphore_mem>>) src(%dma_wait3A_1263 : memref<8x128xf32, #tpu.memory_space<hbm>>) dst(%dma_wait3A_1262 : memref<8x128xf32, #tpu.memory_space<vmem>>)
    %dma_wait3A_1264 = arith.constant 232 : i32
    %dma_wait3A_1265 = arith.constant 0 : i32
    %dma_wait3A_1266 = tpu.memref_slice %arg8[%dma_wait3A_1264, %dma_wait3A_1265] : memref<256x128xf32, #tpu.memory_space<vmem>> -> memref<8x128xf32, #tpu.memory_space<vmem>>
    %dma_wait3A_1267 = tpu.memref_slice %arg2[%add3A_732, %multiple_of3A_730] : memref<1024x100000xf32, #tpu.memory_space<hbm>> -> memref<8x128xf32, #tpu.memory_space<hbm>>
    %dma_wait3A_1268 = arith.constant 232 : i32
    %dma_wait3A_1269 = arith.constant 0 : i32
    %dma_wait3A_1270 = tpu.memref_slice %arg8[%dma_wait3A_1268, %dma_wait3A_1269] : memref<256x128xf32, #tpu.memory_space<vmem>> -> memref<8x128xf32, #tpu.memory_space<vmem>>
    %dma_wait3A_1271 = tpu.memref_slice %arg2[%add3A_732, %multiple_of3A_730] : memref<1024x100000xf32, #tpu.memory_space<hbm>> -> memref<8x128xf32, #tpu.memory_space<hbm>>
    tpu.wait_dma2 semaphore(%arg12 : memref<!tpu.dma_semaphore, #tpu.memory_space<semaphore_mem>>) src(%dma_wait3A_1271 : memref<8x128xf32, #tpu.memory_space<hbm>>) dst(%dma_wait3A_1270 : memref<8x128xf32, #tpu.memory_space<vmem>>)
    %dma_wait3A_1272 = arith.constant 232 : i32
    %dma_wait3A_1273 = arith.constant 0 : i32
    %dma_wait3A_1274 = tpu.memref_slice %arg9[%dma_wait3A_1272, %dma_wait3A_1273] : memref<256x128xf32, #tpu.memory_space<vmem>> -> memref<8x128xf32, #tpu.memory_space<vmem>>
    %dma_wait3A_1275 = tpu.memref_slice %arg3[%add3A_742, %multiple_of3A_730] : memref<1024x100000xf32, #tpu.memory_space<hbm>> -> memref<8x128xf32, #tpu.memory_space<hbm>>
    %dma_wait3A_1276 = arith.constant 232 : i32
    %dma_wait3A_1277 = arith.constant 0 : i32
    %dma_wait3A_1278 = tpu.memref_slice %arg9[%dma_wait3A_1276, %dma_wait3A_1277] : memref<256x128xf32, #tpu.memory_space<vmem>> -> memref<8x128xf32, #tpu.memory_space<vmem>>
    %dma_wait3A_1279 = tpu.memref_slice %arg3[%add3A_742, %multiple_of3A_730] : memref<1024x100000xf32, #tpu.memory_space<hbm>> -> memref<8x128xf32, #tpu.memory_space<hbm>>
    tpu.wait_dma2 semaphore(%arg12 : memref<!tpu.dma_semaphore, #tpu.memory_space<semaphore_mem>>) src(%dma_wait3A_1279 : memref<8x128xf32, #tpu.memory_space<hbm>>) dst(%dma_wait3A_1278 : memref<8x128xf32, #tpu.memory_space<vmem>>)
    %dma_wait3A_1280 = arith.constant 240 : i32
    %dma_wait3A_1281 = arith.constant 0 : i32
    %dma_wait3A_1282 = tpu.memref_slice %arg8[%dma_wait3A_1280, %dma_wait3A_1281] : memref<256x128xf32, #tpu.memory_space<vmem>> -> memref<8x128xf32, #tpu.memory_space<vmem>>
    %dma_wait3A_1283 = tpu.memref_slice %arg2[%add3A_757, %multiple_of3A_755] : memref<1024x100000xf32, #tpu.memory_space<hbm>> -> memref<8x128xf32, #tpu.memory_space<hbm>>
    %dma_wait3A_1284 = arith.constant 240 : i32
    %dma_wait3A_1285 = arith.constant 0 : i32
    %dma_wait3A_1286 = tpu.memref_slice %arg8[%dma_wait3A_1284, %dma_wait3A_1285] : memref<256x128xf32, #tpu.memory_space<vmem>> -> memref<8x128xf32, #tpu.memory_space<vmem>>
    %dma_wait3A_1287 = tpu.memref_slice %arg2[%add3A_757, %multiple_of3A_755] : memref<1024x100000xf32, #tpu.memory_space<hbm>> -> memref<8x128xf32, #tpu.memory_space<hbm>>
    tpu.wait_dma2 semaphore(%arg12 : memref<!tpu.dma_semaphore, #tpu.memory_space<semaphore_mem>>) src(%dma_wait3A_1287 : memref<8x128xf32, #tpu.memory_space<hbm>>) dst(%dma_wait3A_1286 : memref<8x128xf32, #tpu.memory_space<vmem>>)
    %dma_wait3A_1288 = arith.constant 240 : i32
    %dma_wait3A_1289 = arith.constant 0 : i32
    %dma_wait3A_1290 = tpu.memref_slice %arg9[%dma_wait3A_1288, %dma_wait3A_1289] : memref<256x128xf32, #tpu.memory_space<vmem>> -> memref<8x128xf32, #tpu.memory_space<vmem>>
    %dma_wait3A_1291 = tpu.memref_slice %arg3[%add3A_767, %multiple_of3A_755] : memref<1024x100000xf32, #tpu.memory_space<hbm>> -> memref<8x128xf32, #tpu.memory_space<hbm>>
    %dma_wait3A_1292 = arith.constant 240 : i32
    %dma_wait3A_1293 = arith.constant 0 : i32
    %dma_wait3A_1294 = tpu.memref_slice %arg9[%dma_wait3A_1292, %dma_wait3A_1293] : memref<256x128xf32, #tpu.memory_space<vmem>> -> memref<8x128xf32, #tpu.memory_space<vmem>>
    %dma_wait3A_1295 = tpu.memref_slice %arg3[%add3A_767, %multiple_of3A_755] : memref<1024x100000xf32, #tpu.memory_space<hbm>> -> memref<8x128xf32, #tpu.memory_space<hbm>>
    tpu.wait_dma2 semaphore(%arg12 : memref<!tpu.dma_semaphore, #tpu.memory_space<semaphore_mem>>) src(%dma_wait3A_1295 : memref<8x128xf32, #tpu.memory_space<hbm>>) dst(%dma_wait3A_1294 : memref<8x128xf32, #tpu.memory_space<vmem>>)
    %dma_wait3A_1296 = arith.constant 248 : i32
    %dma_wait3A_1297 = arith.constant 0 : i32
    %dma_wait3A_1298 = tpu.memref_slice %arg8[%dma_wait3A_1296, %dma_wait3A_1297] : memref<256x128xf32, #tpu.memory_space<vmem>> -> memref<8x128xf32, #tpu.memory_space<vmem>>
    %dma_wait3A_1299 = tpu.memref_slice %arg2[%add3A_782, %multiple_of3A_780] : memref<1024x100000xf32, #tpu.memory_space<hbm>> -> memref<8x128xf32, #tpu.memory_space<hbm>>
    %dma_wait3A_1300 = arith.constant 248 : i32
    %dma_wait3A_1301 = arith.constant 0 : i32
    %dma_wait3A_1302 = tpu.memref_slice %arg8[%dma_wait3A_1300, %dma_wait3A_1301] : memref<256x128xf32, #tpu.memory_space<vmem>> -> memref<8x128xf32, #tpu.memory_space<vmem>>
    %dma_wait3A_1303 = tpu.memref_slice %arg2[%add3A_782, %multiple_of3A_780] : memref<1024x100000xf32, #tpu.memory_space<hbm>> -> memref<8x128xf32, #tpu.memory_space<hbm>>
    tpu.wait_dma2 semaphore(%arg12 : memref<!tpu.dma_semaphore, #tpu.memory_space<semaphore_mem>>) src(%dma_wait3A_1303 : memref<8x128xf32, #tpu.memory_space<hbm>>) dst(%dma_wait3A_1302 : memref<8x128xf32, #tpu.memory_space<vmem>>)
    %dma_wait3A_1304 = arith.constant 248 : i32
    %dma_wait3A_1305 = arith.constant 0 : i32
    %dma_wait3A_1306 = tpu.memref_slice %arg9[%dma_wait3A_1304, %dma_wait3A_1305] : memref<256x128xf32, #tpu.memory_space<vmem>> -> memref<8x128xf32, #tpu.memory_space<vmem>>
    %dma_wait3A_1307 = tpu.memref_slice %arg3[%add3A_792, %multiple_of3A_780] : memref<1024x100000xf32, #tpu.memory_space<hbm>> -> memref<8x128xf32, #tpu.memory_space<hbm>>
    %dma_wait3A_1308 = arith.constant 248 : i32
    %dma_wait3A_1309 = arith.constant 0 : i32
    %dma_wait3A_1310 = tpu.memref_slice %arg9[%dma_wait3A_1308, %dma_wait3A_1309] : memref<256x128xf32, #tpu.memory_space<vmem>> -> memref<8x128xf32, #tpu.memory_space<vmem>>
    %dma_wait3A_1311 = tpu.memref_slice %arg3[%add3A_792, %multiple_of3A_780] : memref<1024x100000xf32, #tpu.memory_space<hbm>> -> memref<8x128xf32, #tpu.memory_space<hbm>>
    tpu.wait_dma2 semaphore(%arg12 : memref<!tpu.dma_semaphore, #tpu.memory_space<semaphore_mem>>) src(%dma_wait3A_1311 : memref<8x128xf32, #tpu.memory_space<hbm>>) dst(%dma_wait3A_1310 : memref<8x128xf32, #tpu.memory_space<vmem>>)
    %get3A_1312 = arith.constant 0 : index
    %get3A_1313 = tpu.vector_load %arg7[%get3A_1312] {strides = array<i32>} : memref<32xi32, #tpu.memory_space<vmem>>, vector<16xi32>,
    %and3A_1314 = arith.constant 127 : i32
    %and3A_1315 = vector.broadcast %and3A_1314 : i32 to vector<16xi32>
    %and3A_1316 = arith.andi %get3A_1313, %and3A_1315 : vector<16xi32>
    %iota3A = tpu.iota {dimensions = array<i32: 0>} : vector<16xi32>
    %add3A_1317 = arith.constant 0 : i32
    %add3A_1318 = vector.broadcast %add3A_1317 : i32 to vector<16xi32>
    %add3A_1319 = arith.addi %add3A_1318, %iota3A : vector<16xi32>
    %mul3A_1320 = arith.constant 8 : i32
    %mul3A_1321 = vector.broadcast %mul3A_1320 : i32 to vector<16xi32>
    %mul3A_1322 = arith.muli %add3A_1319, %mul3A_1321 : vector<16xi32>
    %and3A_1323 = arith.constant 7 : i32
    %and3A_1324 = vector.broadcast %and3A_1323 : i32 to vector<16xi32>
    %and3A_1325 = arith.andi %add3A_1319, %and3A_1324 : vector<16xi32>
    %add3A_1326 = arith.addi %mul3A_1322, %and3A_1325 : vector<16xi32>
    %gather3A = tpu.vector_load_idx %arg8[%add3A_1326, %and3A_1316] : memref<256x128xf32, #tpu.memory_space<vmem>>[vector<16xi32>, vector<16xi32>], vector<16xf32>,
    %swap3A = arith.constant 0 : index
    %swap3A_1327 = tpu.vector_load %arg10[%swap3A] {strides = array<i32>} : memref<32xf32, #tpu.memory_space<vmem>>, vector<16xf32>,
    tpu.vector_store %arg10[%swap3A], %gather3A {strides = array<i32>} : memref<32xf32, #tpu.memory_space<vmem>>, vector<16xf32>,
    %gather3A_1328 = tpu.vector_load_idx %arg9[%add3A_1326, %and3A_1316] : memref<256x128xf32, #tpu.memory_space<vmem>>[vector<16xi32>, vector<16xi32>], vector<16xf32>,
    %swap3A_1329 = arith.constant 0 : index
    %swap3A_1330 = tpu.vector_load %arg11[%swap3A_1329] {strides = array<i32>} : memref<32xf32, #tpu.memory_space<vmem>>, vector<16xf32>,
    tpu.vector_store %arg11[%swap3A_1329], %gather3A_1328 {strides = array<i32>} : memref<32xf32, #tpu.memory_space<vmem>>, vector<16xf32>,
    %get3A_1331 = arith.constant 16 : index
    %get3A_1332 = tpu.vector_load %arg7[%get3A_1331] {strides = array<i32>} : memref<32xi32, #tpu.memory_space<vmem>>, vector<16xi32>,
    %and3A_1333 = arith.constant 127 : i32
    %and3A_1334 = vector.broadcast %and3A_1333 : i32 to vector<16xi32>
    %and3A_1335 = arith.andi %get3A_1332, %and3A_1334 : vector<16xi32>
    %iota3A_1336 = tpu.iota {dimensions = array<i32: 0>} : vector<16xi32>
    %add3A_1337 = arith.constant 16 : i32
    %add3A_1338 = vector.broadcast %add3A_1337 : i32 to vector<16xi32>
    %add3A_1339 = arith.addi %add3A_1338, %iota3A_1336 : vector<16xi32>
    %mul3A_1340 = arith.constant 8 : i32
    %mul3A_1341 = vector.broadcast %mul3A_1340 : i32 to vector<16xi32>
    %mul3A_1342 = arith.muli %add3A_1339, %mul3A_1341 : vector<16xi32>
    %and3A_1343 = arith.constant 7 : i32
    %and3A_1344 = vector.broadcast %and3A_1343 : i32 to vector<16xi32>
    %and3A_1345 = arith.andi %add3A_1339, %and3A_1344 : vector<16xi32>
    %add3A_1346 = arith.addi %mul3A_1342, %and3A_1345 : vector<16xi32>
    %gather3A_1347 = tpu.vector_load_idx %arg8[%add3A_1346, %and3A_1335] : memref<256x128xf32, #tpu.memory_space<vmem>>[vector<16xi32>, vector<16xi32>], vector<16xf32>,
    %swap3A_1348 = arith.constant 16 : index
    %swap3A_1349 = tpu.vector_load %arg10[%swap3A_1348] {strides = array<i32>} : memref<32xf32, #tpu.memory_space<vmem>>, vector<16xf32>,
    tpu.vector_store %arg10[%swap3A_1348], %gather3A_1347 {strides = array<i32>} : memref<32xf32, #tpu.memory_space<vmem>>, vector<16xf32>,
    %gather3A_1350 = tpu.vector_load_idx %arg9[%add3A_1346, %and3A_1335] : memref<256x128xf32, #tpu.memory_space<vmem>>[vector<16xi32>, vector<16xi32>], vector<16xf32>,
    %swap3A_1351 = arith.constant 16 : index
    %swap3A_1352 = tpu.vector_load %arg11[%swap3A_1351] {strides = array<i32>} : memref<32xf32, #tpu.memory_space<vmem>>, vector<16xf32>,
    tpu.vector_store %arg11[%swap3A_1351], %gather3A_1350 {strides = array<i32>} : memref<32xf32, #tpu.memory_space<vmem>>, vector<16xf32>,
    "tpu.region"() ({
      %run_scoped3A = tpu.sem_alloc : memref<!tpu.dma_semaphore, #tpu.memory_space<semaphore_mem>>
      %dma_start3A_1353 = tpu.memref_slice %arg5[%mul3A_2] : memref<1024xf32, #tpu.memory_space<hbm>> -> memref<32xf32, #tpu.memory_space<hbm>>
      %dma_start3A_1354 = tpu.memref_slice %arg5[%mul3A_2] : memref<1024xf32, #tpu.memory_space<hbm>> -> memref<32xf32, #tpu.memory_space<hbm>>
      tpu.enqueue_dma source(%arg10 : memref<32xf32, #tpu.memory_space<vmem>>) target(%dma_start3A_1354 : memref<32xf32, #tpu.memory_space<hbm>>) target_semaphore(%run_scoped3A : memref<!tpu.dma_semaphore, #tpu.memory_space<semaphore_mem>>)
      %dma_wait3A_1355 = tpu.memref_slice %arg5[%mul3A_2] : memref<1024xf32, #tpu.memory_space<hbm>> -> memref<32xf32, #tpu.memory_space<hbm>>
      %dma_wait3A_1356 = tpu.memref_slice %arg5[%mul3A_2] : memref<1024xf32, #tpu.memory_space<hbm>> -> memref<32xf32, #tpu.memory_space<hbm>>
      tpu.wait_dma2 semaphore(%run_scoped3A : memref<!tpu.dma_semaphore, #tpu.memory_space<semaphore_mem>>) src(%arg10 : memref<32xf32, #tpu.memory_space<vmem>>) dst(%dma_wait3A_1356 : memref<32xf32, #tpu.memory_space<hbm>>)
      tpu.yield
    }) : () -> ()
    "tpu.region"() ({
      %run_scoped3A = tpu.sem_alloc : memref<!tpu.dma_semaphore, #tpu.memory_space<semaphore_mem>>
      %dma_start3A_1353 = tpu.memref_slice %arg6[%mul3A_2] : memref<1024xf32, #tpu.memory_space<hbm>> -> memref<32xf32, #tpu.memory_space<hbm>>
      %dma_start3A_1354 = tpu.memref_slice %arg6[%mul3A_2] : memref<1024xf32, #tpu.memory_space<hbm>> -> memref<32xf32, #tpu.memory_space<hbm>>
      tpu.enqueue_dma source(%arg11 : memref<32xf32, #tpu.memory_space<vmem>>) target(%dma_start3A_1354 : memref<32xf32, #tpu.memory_space<hbm>>) target_semaphore(%run_scoped3A : memref<!tpu.dma_semaphore, #tpu.memory_space<semaphore_mem>>)
      %dma_wait3A_1355 = tpu.memref_slice %arg6[%mul3A_2] : memref<1024xf32, #tpu.memory_space<hbm>> -> memref<32xf32, #tpu.memory_space<hbm>>
      %dma_wait3A_1356 = tpu.memref_slice %arg6[%mul3A_2] : memref<1024xf32, #tpu.memory_space<hbm>> -> memref<32xf32, #tpu.memory_space<hbm>>
      tpu.wait_dma2 semaphore(%run_scoped3A : memref<!tpu.dma_semaphore, #tpu.memory_space<semaphore_mem>>) src(%arg11 : memref<32xf32, #tpu.memory_space<vmem>>) dst(%dma_wait3A_1356 : memref<32xf32, #tpu.memory_space<hbm>>)
      tpu.yield
    }) : () -> ()
    return
  }
}

module attributes {stable_mosaic.version = 14 : i64} {
  func.func @_tc_body(%arg0: i32, %arg1: memref<1024x2048xf32, #tpu.memory_space<vmem>>, %arg2: memref<1024x1xf32, #tpu.memory_space<vmem>>, %arg3: memref<1024x1xf32, #tpu.memory_space<vmem>>, %arg4: memref<1x1xf32, #tpu.memory_space<vmem>>, %arg5: memref<1024x1xf32, #tpu.memory_space<vmem>>, %arg6: memref<1024x1xf32, #tpu.memory_space<vmem>>) attributes {dimension_semantics = [#tpu.dimension_semantics<arbitrary>], iteration_bounds = array<i64: 49>, scalar_prefetch = 0 : i64, scratch_operands = 2 : i64, tpu.core_type = #tpu.core_type<tc>, window_params = [{transform_indices = @transform_0, window_bounds = array<i64: 1024, 2048>}, {pipeline_mode = #tpu.pipeline_mode<synchronous>, transform_indices = @transform_1, window_bounds = array<i64: 1024, 1>}, {pipeline_mode = #tpu.pipeline_mode<synchronous>, transform_indices = @transform_2, window_bounds = array<i64: 1024, 1>}, {pipeline_mode = #tpu.pipeline_mode<synchronous>, transform_indices = @transform_3, window_bounds = array<i64: 1, 1>}]} {
    %eq3A = arith.constant 0 : i32
    %eq3A_0 = arith.cmpi eq, %arg0, %eq3A : i32
    %convert_element_type3A = arith.extui %eq3A_0 : i1 to i32
    %cond3A = arith.constant 0 : i32
    %cond3A_1 = arith.cmpi ne, %convert_element_type3A, %cond3A : i32
    scf.if %cond3A_1 {
      %broadcast_in_dim3A = arith.constant 0xFF800000 : f32
      %broadcast_in_dim3A_11 = vector.broadcast %broadcast_in_dim3A : f32 to vector<1024x1xf32>
      %swap3A = arith.constant 0 : index
      %swap3A_12 = arith.constant 0 : index
      %swap3A_13 = vector.load %arg5[%swap3A, %swap3A_12] : memref<1024x1xf32, #tpu.memory_space<vmem>>, vector<1024x1xf32>
      tpu.vector_store %arg5[%swap3A, %swap3A_12], %broadcast_in_dim3A_11 {strides = array<i32>} : memref<1024x1xf32, #tpu.memory_space<vmem>>, vector<1024x1xf32>,
      %broadcast_in_dim3A_14 = arith.constant 0.000000e+00 : f32
      %broadcast_in_dim3A_15 = vector.broadcast %broadcast_in_dim3A_14 : f32 to vector<1024x1xf32>
      %swap3A_16 = arith.constant 0 : index
      %swap3A_17 = arith.constant 0 : index
      %swap3A_18 = vector.load %arg6[%swap3A_16, %swap3A_17] : memref<1024x1xf32, #tpu.memory_space<vmem>>, vector<1024x1xf32>
      tpu.vector_store %arg6[%swap3A_16, %swap3A_17], %broadcast_in_dim3A_15 {strides = array<i32>} : memref<1024x1xf32, #tpu.memory_space<vmem>>, vector<1024x1xf32>,
    } else {
    }
    %lt3A = arith.constant 48 : i32
    %lt3A_2 = arith.cmpi slt, %arg0, %lt3A : i32
    %convert_element_type3A_3 = arith.extui %lt3A_2 : i1 to i32
    %cond3A_4 = arith.constant 0 : i32
    %cond3A_5 = arith.cmpi ne, %convert_element_type3A_3, %cond3A_4 : i32
    scf.if %cond3A_5 {
      %get3A = arith.constant 0 : index
      %get3A_11 = arith.constant 0 : index
      %get3A_12 = vector.load %arg1[%get3A, %get3A_11] : memref<1024x2048xf32, #tpu.memory_space<vmem>>, vector<1024x2048xf32>
      %get3A_13 = arith.constant 0 : index
      %get3A_14 = arith.constant 0 : index
      %get3A_15 = vector.load %arg5[%get3A_13, %get3A_14] : memref<1024x1xf32, #tpu.memory_space<vmem>>, vector<1024x1xf32>
      %reduce_max3A = arith.constant dense<0xFF800000> : vector<1024xf32>
      %reduce_max3A_16 = vector.multi_reduction <maximumf>, %get3A_12, %reduce_max3A [1] : vector<1024x2048xf32> to vector<1024xf32>
      %broadcast_in_dim3A = vector.shape_cast %reduce_max3A_16 : vector<1024xf32> to vector<1024x1xf32>
      %max3A = arith.maximumf %get3A_15, %broadcast_in_dim3A : vector<1024x1xf32>
      %get3A_17 = arith.constant 0 : index
      %get3A_18 = arith.constant 0 : index
      %get3A_19 = vector.load %arg6[%get3A_17, %get3A_18] : memref<1024x1xf32, #tpu.memory_space<vmem>>, vector<1024x1xf32>
      %sub3A = arith.subf %get3A_15, %max3A : vector<1024x1xf32>
      %exp3A = math.exp %sub3A : vector<1024x1xf32>
      %mul3A = arith.mulf %get3A_19, %exp3A : vector<1024x1xf32>
      %sub3A_20 = vector.broadcast %max3A : vector<1024x1xf32> to vector<1024x2048xf32>
      %sub3A_21 = arith.subf %get3A_12, %sub3A_20 : vector<1024x2048xf32>
      %exp3A_22 = math.exp %sub3A_21 : vector<1024x2048xf32>
      %reduce_sum3A = arith.constant dense<0.000000e+00> : vector<1024xf32>
      %reduce_sum3A_23 = vector.multi_reduction <add>, %exp3A_22, %reduce_sum3A [1] : vector<1024x2048xf32> to vector<1024xf32>
      %broadcast_in_dim3A_24 = vector.shape_cast %reduce_sum3A_23 : vector<1024xf32> to vector<1024x1xf32>
      %add3A = arith.addf %mul3A, %broadcast_in_dim3A_24 : vector<1024x1xf32>
      %swap3A = arith.constant 0 : index
      %swap3A_25 = arith.constant 0 : index
      %swap3A_26 = vector.load %arg6[%swap3A, %swap3A_25] : memref<1024x1xf32, #tpu.memory_space<vmem>>, vector<1024x1xf32>
      tpu.vector_store %arg6[%swap3A, %swap3A_25], %add3A {strides = array<i32>} : memref<1024x1xf32, #tpu.memory_space<vmem>>, vector<1024x1xf32>,
      %swap3A_27 = arith.constant 0 : index
      %swap3A_28 = arith.constant 0 : index
      %swap3A_29 = vector.load %arg5[%swap3A_27, %swap3A_28] : memref<1024x1xf32, #tpu.memory_space<vmem>>, vector<1024x1xf32>
      tpu.vector_store %arg5[%swap3A_27, %swap3A_28], %max3A {strides = array<i32>} : memref<1024x1xf32, #tpu.memory_space<vmem>>, vector<1024x1xf32>,
    } else {
    }
    %eq3A_6 = arith.constant 48 : i32
    %eq3A_7 = arith.cmpi eq, %arg0, %eq3A_6 : i32
    %convert_element_type3A_8 = arith.extui %eq3A_7 : i1 to i32
    %cond3A_9 = arith.constant 0 : i32
    %cond3A_10 = arith.cmpi ne, %convert_element_type3A_8, %cond3A_9 : i32
    scf.if %cond3A_10 {
      %get3A = arith.constant 0 : index
      %get3A_11 = arith.constant 0 : index
      %get3A_12 = vector.load %arg1[%get3A, %get3A_11] : memref<1024x2048xf32, #tpu.memory_space<vmem>>, vector<1024x2048xf32>
      %iota3A = tpu.iota {dimensions = array<i32: 1>} : vector<1024x2048xi32>
      %mul3A = arith.constant 2048 : i32
      %mul3A_13 = arith.muli %arg0, %mul3A : i32
      %add3A = vector.broadcast %mul3A_13 : i32 to vector<1024x2048xi32>
      %add3A_14 = arith.addi %iota3A, %add3A : vector<1024x2048xi32>
      %lt3A_15 = arith.constant 100000 : i32
      %lt3A_16 = vector.broadcast %lt3A_15 : i32 to vector<1024x2048xi32>
      %lt3A_17 = arith.cmpi slt, %add3A_14, %lt3A_16 : vector<1024x2048xi32>
      %jit3A = arith.constant 0xFF800000 : f32
      %broadcast_in_dim3A = vector.broadcast %jit3A : f32 to vector<1024x2048xf32>
      %select_n3A = arith.select %lt3A_17, %get3A_12, %broadcast_in_dim3A : vector<1024x2048xi1>, vector<1024x2048xf32>
      %get3A_18 = arith.constant 0 : index
      %get3A_19 = arith.constant 0 : index
      %get3A_20 = vector.load %arg5[%get3A_18, %get3A_19] : memref<1024x1xf32, #tpu.memory_space<vmem>>, vector<1024x1xf32>
      %reduce_max3A = arith.constant dense<0xFF800000> : vector<1024xf32>
      %reduce_max3A_21 = vector.multi_reduction <maximumf>, %select_n3A, %reduce_max3A [1] : vector<1024x2048xf32> to vector<1024xf32>
      %broadcast_in_dim3A_22 = vector.shape_cast %reduce_max3A_21 : vector<1024xf32> to vector<1024x1xf32>
      %max3A = arith.maximumf %get3A_20, %broadcast_in_dim3A_22 : vector<1024x1xf32>
      %get3A_23 = arith.constant 0 : index
      %get3A_24 = arith.constant 0 : index
      %get3A_25 = vector.load %arg6[%get3A_23, %get3A_24] : memref<1024x1xf32, #tpu.memory_space<vmem>>, vector<1024x1xf32>
      %sub3A = arith.subf %get3A_20, %max3A : vector<1024x1xf32>
      %exp3A = math.exp %sub3A : vector<1024x1xf32>
      %mul3A_26 = arith.mulf %get3A_25, %exp3A : vector<1024x1xf32>
      %sub3A_27 = vector.broadcast %max3A : vector<1024x1xf32> to vector<1024x2048xf32>
      %sub3A_28 = arith.subf %select_n3A, %sub3A_27 : vector<1024x2048xf32>
      %exp3A_29 = math.exp %sub3A_28 : vector<1024x2048xf32>
      %reduce_sum3A = arith.constant dense<0.000000e+00> : vector<1024xf32>
      %reduce_sum3A_30 = vector.multi_reduction <add>, %exp3A_29, %reduce_sum3A [1] : vector<1024x2048xf32> to vector<1024xf32>
      %broadcast_in_dim3A_31 = vector.shape_cast %reduce_sum3A_30 : vector<1024xf32> to vector<1024x1xf32>
      %add3A_32 = arith.addf %mul3A_26, %broadcast_in_dim3A_31 : vector<1024x1xf32>
      %swap3A = arith.constant 0 : index
      %swap3A_33 = arith.constant 0 : index
      %swap3A_34 = vector.load %arg6[%swap3A, %swap3A_33] : memref<1024x1xf32, #tpu.memory_space<vmem>>, vector<1024x1xf32>
      tpu.vector_store %arg6[%swap3A, %swap3A_33], %add3A_32 {strides = array<i32>} : memref<1024x1xf32, #tpu.memory_space<vmem>>, vector<1024x1xf32>,
      %swap3A_35 = arith.constant 0 : index
      %swap3A_36 = arith.constant 0 : index
      %swap3A_37 = vector.load %arg5[%swap3A_35, %swap3A_36] : memref<1024x1xf32, #tpu.memory_space<vmem>>, vector<1024x1xf32>
      tpu.vector_store %arg5[%swap3A_35, %swap3A_36], %max3A {strides = array<i32>} : memref<1024x1xf32, #tpu.memory_space<vmem>>, vector<1024x1xf32>,
      %get3A_38 = arith.constant 0 : index
      %get3A_39 = arith.constant 0 : index
      %get3A_40 = vector.load %arg5[%get3A_38, %get3A_39] : memref<1024x1xf32, #tpu.memory_space<vmem>>, vector<1024x1xf32>
      %get3A_41 = arith.constant 0 : index
      %get3A_42 = arith.constant 0 : index
      %get3A_43 = vector.load %arg6[%get3A_41, %get3A_42] : memref<1024x1xf32, #tpu.memory_space<vmem>>, vector<1024x1xf32>
      %get3A_44 = arith.constant 0 : index
      %get3A_45 = arith.constant 0 : index
      %get3A_46 = vector.load %arg3[%get3A_44, %get3A_45] : memref<1024x1xf32, #tpu.memory_space<vmem>>, vector<1024x1xf32>
      %get3A_47 = arith.constant 0 : index
      %get3A_48 = arith.constant 0 : index
      %get3A_49 = vector.load %arg2[%get3A_47, %get3A_48] : memref<1024x1xf32, #tpu.memory_space<vmem>>, vector<1024x1xf32>
      %max3A_50 = arith.maximumf %get3A_40, %get3A_46 : vector<1024x1xf32>
      %sub3A_51 = arith.subf %get3A_40, %max3A_50 : vector<1024x1xf32>
      %exp3A_52 = math.exp %sub3A_51 : vector<1024x1xf32>
      %mul3A_53 = arith.mulf %get3A_43, %exp3A_52 : vector<1024x1xf32>
      %sub3A_54 = arith.subf %get3A_49, %max3A_50 : vector<1024x1xf32>
      %exp3A_55 = math.exp %sub3A_54 : vector<1024x1xf32>
      %sub3A_56 = arith.subf %mul3A_53, %exp3A_55 : vector<1024x1xf32>
      %sub3A_57 = arith.subf %get3A_46, %max3A_50 : vector<1024x1xf32>
      %exp3A_58 = math.exp %sub3A_57 : vector<1024x1xf32>
      %add3A_59 = arith.addf %sub3A_56, %exp3A_58 : vector<1024x1xf32>
      %log3A = math.log %add3A_59 : vector<1024x1xf32>
      %add3A_60 = arith.addf %max3A_50, %log3A : vector<1024x1xf32>
      %sub3A_61 = arith.subf %add3A_60, %get3A_46 : vector<1024x1xf32>
      %reduce_sum3A_62 = vector.shape_cast %sub3A_61 : vector<1024x1xf32> to vector<1x1024x1xf32>
      %reduce_sum3A_63 = arith.constant dense<0.000000e+00> : vector<1xf32>
      %reduce_sum3A_64 = vector.multi_reduction <add>, %reduce_sum3A_62, %reduce_sum3A_63 [1, 2] : vector<1x1024x1xf32> to vector<1xf32>
      %reduce_sum3A_65 = vector.shape_cast %reduce_sum3A_64 : vector<1xf32> to vector<1x1x1xf32>
      %reduce_sum3A_66 = vector.extract %reduce_sum3A_65[0, 0, 0] : f32 from vector<1x1x1xf32>
      %mul3A_67 = arith.constant 9.765625E-4 : f32
      %mul3A_68 = arith.mulf %reduce_sum3A_66, %mul3A_67 : f32
      %reshape3A = vector.broadcast %mul3A_68 : f32 to vector<1x1xf32>
      %swap3A_69 = arith.constant 0 : index
      %swap3A_70 = arith.constant 0 : index
      %swap3A_71 = vector.load %arg4[%swap3A_69, %swap3A_70] : memref<1x1xf32, #tpu.memory_space<vmem>>, vector<1x1xf32>
      tpu.vector_store %arg4[%swap3A_69, %swap3A_70], %reshape3A {strides = array<i32>} : memref<1x1xf32, #tpu.memory_space<vmem>>, vector<1x1xf32>,
    } else {
    }
    return
  }
  func.func @transform_0(%arg0: i32) -> (i32, i32) {
    %c0_i32 = arith.constant 0 : i32
    %c0_i32_0 = arith.constant 0 : i32
    return %c0_i32, %arg0 : i32, i32
  }
  func.func @transform_1(%arg0: i32) -> (i32, i32) {
    %c0_i32 = arith.constant 0 : i32
    %c0_i32_0 = arith.constant 0 : i32
    %c0_i32_1 = arith.constant 0 : i32
    return %c0_i32, %c0_i32_0 : i32, i32
  }
  func.func @transform_2(%arg0: i32) -> (i32, i32) {
    %c0_i32 = arith.constant 0 : i32
    %c0_i32_0 = arith.constant 0 : i32
    %c0_i32_1 = arith.constant 0 : i32
    return %c0_i32, %c0_i32_0 : i32, i32
  }
  func.func @transform_3(%arg0: i32) -> (i32, i32) {
    %c0_i32 = arith.constant 0 : i32
    %c0_i32_0 = arith.constant 0 : i32
    %c0_i32_1 = arith.constant 0 : i32
    return %c0_i32, %c0_i32_0 : i32, i32
  }
}

</mosaic_0001>

<sc_bundles>
// kernel: _impl.4.cloned.1.call-start
scs
__scs_entry_jumppad:
0x0: {  	(pc) =	sbr.rel $0x88, $3  }
0x1: {  	(tag) =	ssettag $0x0;
	lr =	simm.s32 $0x1  }
0x2: {  	[smem:$0x3F9E] =	sst lr;
	_ =	strace $0xD0000000  }
0x3: {  	_ = 	snop  }
0x4: {  	_ = 	snop  }
0x5: {  	_ = 	snop  }
0x6: {  	_ = 	snop  }
0x7: {  	_ = 	snop  }
__scs_overlays_trampoline_lowered:
0x8: {  	[smem:$0x3FAD] =	sst s0  }
0x9: {  	[smem:$0x3FAE] =	sst s1  }
0xa: {  	[smem:$0x3FAF] =	sst s2  }
0xb: {  	[smem:$0x3FB0] =	sst s3  }
0xc: {  	[smem:$0x3FB1] =	sst s4  }
0xd: {  	[smem:$0x3FB2] =	sst s5  }
0xe: {  	[smem:$0x3FB3] =	sst s6  }
0xf: {  	[smem:$0x3FB4] =	sst s7  }
0x10: {  	[smem:$0x3FB5] =	sst s8  }
0x11: {  	[smem:$0x3FB6] =	sst s9;
	s0 =	simm.s32 @!p0 $0x0  }
0x12: {  	s1 =	sld [smem:$0x3F9C];
	s0 =	simm.s32 @p0 $0x1  }
0x13: {  	[smem:$0x3FB7] =	sst s0;
	s0 =	simm.s32 @!p1 $0x0  }
0x14: {  	s2 =	sld [smem:$0x3F9B];
	s0 =	simm.s32 @p1 $0x1  }
0x15: {  	[smem:$0x3FB8] =	sst s0;
	s0 =	simm.s32 @!p2 $0x0  }
0x16: {  	s3 =	sld [smem:$0x3FDB];
	s0 =	simm.s32 @p2 $0x1  }
0x17: {  	s4 =	simm.s32 $0x1BF5;
	[smem:$0x3FBA] =	sst s0  }
0x18: {  	s0 =	sld [smem:$0x3F9D];
	_ =	swait.ge [sflag:s4], $0x0  }
0x19: {  	s7 =	sld [smem:$0x3F9E]  }
0x1a: {  	s8 =	sadd.s32 $0xFFFFE003, lr  }
0x1b: {  	s9 =	sadd.s32 $0xFFFFFEF7, lr;
	s5 =	simm.s32 $0xFFFFFFFF;
	p2 =	slt.u32 s8, $0xFFFFF086  }
0x1c: {  	p1 =	slt.u32 s9, $0xF7A;
	s5 =	simm.s32 @!p2 $0x0  }
0x1d: {  	s5 =	simm.s32 @p1 $0x1;
	p0 =	seq.s32 s7, s2  }
0x1e: {  	s7 =	smul.u32 @!p0 $0xF7A, s2;
	p2 =	seq.s32 @!p0 s5, $0x0  }
0x1f: {  	s9 =	smul.u32 $0xF7A, s1;
	s8 =	simm.s32 @!p0 $0x1BF5;
	p2 =	por !p2, p0  }
0x20: {  	[sflag:s8] =	ssyncset.s32 @!p0 $0xFFFFF086;
	s6 =	sadd.s32 @!p0 s3, s7;
	s7 =	simm.s32 @!p0 $0x108  }
0x21: {  	s3 =	sadd.s32 s3, s9;
	s6 =	sadd.s32 @!p0 $0x88, s6;
	s7 =	simm.s32 @p2 $0x1082  }
0x22: {  	[simem:s7], [sflag:s8] =	dma.local @!p0 [hbm:s6], $0xF7A  }
0x23: {  	s9 =	sor.u32 $0xD0000000, s2;
	s6 =	simm.s32 $0x108;
	_ =	swait.ge @!p0 [sflag:s8], $0x0  }
0x24: {  	s3 =	sadd.s32 $0x88, s3;
	s6 =	simm.s32 @!p1 $0x1082;
	[sflag:s4] =	ssyncset.s32 $0xFFFFF086  }
0x25: {  	[simem:s6], [sflag:s4] =	dma.local [hbm:s3], $0xF7A  }
0x26: {  	[smem:$0x3F9E] =	sst s1;
	(tag) =	ssettag s2;
	_ =	strace s9  }
0x27: {  	s1 =	sld [smem:$0x3FAE]  }
0x28: {  	s2 =	sld [smem:$0x3FAF]  }
0x29: {  	s4 =	sld [smem:$0x3FB1]  }
0x2a: {  	p0 =	seq.s32 s5, $0x0;
	s5 =	sld [smem:$0x3FB2]  }
0x2b: {  	s6 =	sld [smem:$0x3FB3]  }
0x2c: {  	s7 =	sld [smem:$0x3FB4]  }
0x2d: {  	s3 =	simm.s32 $0x108;
	s8 =	sld [smem:$0x3FB5]  }
0x2e: {  	s3 =	simm.s32 @!p0 $0x1082;
	s9 =	sld [smem:$0x3FB6]  }
0x2f: {  	lr =	sadd.s32 s0, s3;
	s0 =	sld [smem:$0x3FAD]  }
0x30: {  	s3 =	sld [smem:$0x3FB0]  }
0x31: {  	[smem:$0x3FB9] =	sst s10  }
0x32: {  	s10 =	sld [smem:$0x3FB7];
	_ =	sdelay $0x3  }
0x33: {  	p0 =	seq.s32 s10, $0x1;
	s10 =	sld [smem:$0x3FB9];
	_ =	sdelay $0x3  }
0x34: {  	[smem:$0x3FB9] =	sst s10  }
0x35: {  	s10 =	sld [smem:$0x3FB8];
	_ =	sdelay $0x3  }
0x36: {  	p1 =	seq.s32 s10, $0x1;
	s10 =	sld [smem:$0x3FB9];
	_ =	sdelay $0x3  }
0x37: {  	[smem:$0x3FB9] =	sst s10  }
0x38: {  	s10 =	sld [smem:$0x3FBA]  }
0x39: {  	_ = 	snop;
	(pc) =	sbr.ind lr, $3  }
0x3a: {  	_ = 	snop  }
0x3b: {  	_ = 	snop  }
0x3c: {  	p2 =	seq.s32 s10, $0x1;
	s10 =	sld [smem:$0x3FB9]  }
0x3d: {  	_ =	shalt  }
0x3e: {  	_ =	shalt  }
0x3f: {  	_ =	shalt  }
0x40: {  	_ =	shalt  }
0x41: {  	_ =	shalt  }
0x42: {  	_ =	shalt  }
0x43: {  	_ =	shalt  }
0x44: {  	_ =	shalt  }
0x45: {  	_ =	shalt  }
0x46: {  	_ =	shalt  }
0x47: {  	_ =	shalt  }
0x48: {  	_ =	shalt  }
0x49: {  	_ =	shalt  }
0x4a: {  	_ =	shalt  }
0x4b: {  	_ =	shalt  }
0x4c: {  	_ =	shalt  }
0x4d: {  	_ =	shalt  }
0x4e: {  	_ =	shalt  }
0x4f: {  	_ =	shalt  }
0x50: {  	_ =	shalt  }
0x51: {  	_ =	shalt  }
0x52: {  	_ =	shalt  }
0x53: {  	_ =	shalt  }
0x54: {  	_ =	shalt  }
0x55: {  	_ =	shalt  }
0x56: {  	_ =	shalt  }
0x57: {  	_ =	shalt  }
0x58: {  	_ =	shalt  }
0x59: {  	_ =	shalt  }
0x5a: {  	_ =	shalt  }
0x5b: {  	_ =	shalt  }
0x5c: {  	_ =	shalt  }
0x5d: {  	_ =	shalt  }
0x5e: {  	_ =	shalt  }
0x5f: {  	_ =	shalt  }
0x60: {  	_ =	shalt  }
0x61: {  	_ =	shalt  }
0x62: {  	_ =	shalt  }
0x63: {  	_ =	shalt  }
0x64: {  	_ =	shalt  }
0x65: {  	_ =	shalt  }
0x66: {  	_ =	shalt  }
0x67: {  	_ =	shalt  }
0x68: {  	_ =	shalt  }
0x69: {  	_ =	shalt  }
0x6a: {  	_ =	shalt  }
0x6b: {  	_ =	shalt  }
0x6c: {  	_ =	shalt  }
0x6d: {  	_ =	shalt  }
0x6e: {  	_ =	shalt  }
0x6f: {  	_ =	shalt  }
0x70: {  	_ =	shalt  }
0x71: {  	_ =	shalt  }
0x72: {  	_ =	shalt  }
0x73: {  	_ =	shalt  }
0x74: {  	_ =	shalt  }
0x75: {  	_ =	shalt  }
0x76: {  	_ =	shalt  }
0x77: {  	_ =	shalt  }
0x78: {  	_ =	shalt  }
0x79: {  	_ =	shalt  }
0x7a: {  	_ =	shalt  }
0x7b: {  	_ =	shalt  }
0x7c: {  	_ =	shalt  }
0x7d: {  	_ =	shalt  }
0x7e: {  	_ =	shalt  }
0x7f: {  	_ =	shalt  }
0x80: {  	_ =	shalt  }
0x81: {  	_ =	shalt  }
0x82: {  	_ =	shalt  }
0x83: {  	_ =	shalt  }
0x84: {  	_ =	shalt  }
0x85: {  	_ =	shalt  }
0x86: {  	_ =	shalt  }
0x87: {  	_ =	shalt  }
.Lfunc_end0:
.L_simem_size_0:
called_computation_lowered:
.L_overlay_start_0:
0x88: {  	s2 =	sld [smem:$0x3FD9]  }
0x89: {  	s3 =	sld [smem:$0x3FFE];
	_ =	sdelay $0x1  }
0x8a: {  	s1 =	srdreg.scid  }
0x8b: {  	s0 =	sand.u32 $0x1, s1  }
0x8c: {  	s17 =	sshll.u32 s0, $0xA;
	s2 =	sadd.s32 s3, s2  }
0x8d: {  	s2 =	sadd.s32 s2, s17  }
0x8e: {  	[smem:$0x3FC5] =	sst s2  }
0x8f: {  	_ = 	snop  }
0x90: {  	s2 =	sld [smem:$0x3FC7];
	(tm) =	ssettm $0x1  }
0x91: {  	s18 =	sld [smem:$0x3FFB];
	_ =	sdelay $0x3  }
0x92: {  	_ =	strace s18  }
0x93: {  	s3 =	sld [smem:$0x3FFC];
	_ =	sdelay $0x3  }
0x94: {  	_ =	strace s3  }
0x95: {  	s3 =	sld [smem:$0x3FFD];
	_ =	sdelay $0x3  }
0x96: {  	_ =	strace s3  }
0x97: {  	_ =	strace $0x8FFFFFFF  }
0x98: {  	s19 =	sld [smem:$0x3FDB];
	_ =	sdelay $0x1  }
0x99: {  	s4 =	simm.s32 $_scs_section_size  }
0x9a: {  	s5 =	simm.s32 $_size__tile_overlayer_lowered;
	s6 =	simm.s32 $_tile_overlayer_lowered  }
0x9b: {  	s22 =	simm.s32 $0x1BFF;
	s21 =	sshll.u32 s6, $0x1;
	s3 =	sadd.s32 s4, s19  }
0x9c: {  	s7 =	simm.s32 $0x0;
	s20 =	sshll.u32 s5, $0x1;
	s5 =	sadd.s32 s21, s3  }
0x9d: {  	[timem:s7], [sflag:s22] =	dma.local [hbm:s5], s20  }
0x9e: {  	_ =	swait.ge [sflag:s22], s20  }
0x9f: {  	s4 =	ssub.s32 $0x0, s20;
	[sflag:s22] =	ssyncset.done $0x0  }
0xa0: {  	[sflag:s22] =	ssyncadd.s32 s4;
	_ =	sdelay $0x1  }
0xa1: {  	s23 =	simm.s32 $0x1B8B  }
0xa2: {  	_ =	swait.ge [sflag:s23], $0x1  }
0xa3: {  	[sflag:s23] =	ssyncset.done $0x0  }
0xa4: {  	s25 =	simm.s32 $0x1B8E;
	s24 =	sld [smem:$0x3FFE];
	[sflag:s23] =	ssyncadd.s32 $0xFFFFFFFF  }
0xa5: {  	s26 =	simm.s32 $execute0_lowered;
	[smem:$0x3FD2] =	sst s25  }
0xa6: {  	s5 =	sshll.u32 s26, $0x1;
	_ =	strace $0x80000046;
	[dreg:$0x1] =	wrdreg $0xFFFFFFFF  }
0xa7: {  	s28 =	simm.s32 $_size_execute0_lowered;
	s3 =	sadd.s32 s3, s5;
	[dreg:$0x0] =	wrdreg $0x0  }
0xa8: {  	s5 =	sshll.u32 s28, $0x1;
	[dreg:$0x2] =	wrdreg s3  }
0xa9: {  	[dreg:$0x3] =	wrdreg s5  }
0xaa: {  	[dreg:$0x4] =	wrdreg $0xC0  }
0xab: {  	_ =	task [dreg:s7], $0x5FFFF  }
0xac: {  	[dreg:$0x1] =	wrdreg $0xFFFFFFFF  }
0xad: {  	[dreg:$0x0] =	wrdreg $0x60  }
0xae: {  	[dreg:$0x2] =	wrdreg s24  }
0xaf: {  	[dreg:$0x3] =	wrdreg s2  }
0xb0: {  	[dreg:$0x4] =	wrdreg $0x9  }
0xb1: {  	_ =	task.clear_ibuf [dreg:s7], $0x5FFFF;
	_ =	strace $0x90000046  }
0xb2: {  	s29 =	simm.s32 $0x9;
	_ =	strace $0x80000048  }
0xb3: {  	_ =	swait.ge [sflag:s29], $0x1  }
0xb4: {  	[sflag:s29] =	ssyncadd.s32 $0xFFFFFFFF  }
0xb5: {  	_ =	strace $0x90000048  }
0xb6: {  	_ =	sfence  }
0xb7: {  	s30 =	sld [smem:$0x0];
	_ =	sdelay $0x2  }
0xb8: {  	s31 =	sshll.u32 s1, $0xD;
	s1 =	sshrl.u32 s1, $0x2  }
0xb9: {  	s3 =	sand.u32 $0x4000, s31;
	s1 =	sadd.s32 s1, s30  }
0xba: {  	s0 =	sor.u32 s3, s0;
	s1 =	sshll.u32 s1, $0x11  }
0xbb: {  	s0 =	sor.u32 s1, s0  }
0xbc: {  	s0 =	sadd.s32 $0x8F2B, s0  }
0xbd: {  	[sflag:s0] =	ssyncadd.remote.s32 $0x1  }
0xbe: {  	_ =	sfence.sel $0xFFFF  }
0xbf: {  	[dreg:$0x0] =	wrdreg $0xFFFFFFFF;
	(pc) =	sbr.abs _section_cstart, $3  }
0xc0: {  	[dreg:$0x1] =	wrdreg $0xFFFFFFFF  }
0xc1: {  	_ =	task.clear_ibuf [dreg:s7], $0x2FFFF;
	_ =	strace $0x9FFFFFFF  }
0xc2: {  	(tm) =	ssettm $0x7FFFFFFF  }
0xc3: {  	_ =	shalt  }
tec
execute0_lowered:
.L_overlay_start_1:
0x0: {  	(tag) =	ssettag $0x1  }
0x1: {  	s4 =	rddreg [dreg:$0x0]  }
0x2: {  	s3 =	rddreg [dreg:$0x1];
	s2 =	srdreg.scid  }
0x3: {  	s0 =	rddreg [dreg:$0x2];
	s6 =	sand.u32 $0x1, s2;
	s2 =	simm.s32 $0x0  }
0x4: {  	s19 =	simm.s32 $0x480;
	[smem:$0x7FF] =	sst s2  }
0x5: {  	s20 =	simm.s32 $0x8480;
	_ =	strace $0x80000047;
	[dreg:$0x6] =	wrdreg s19  }
0x6: {  	s21 =	simm.s32 $0x880;
	[dreg:$0x7] =	wrdreg s20  }
0x7: {  	s22 =	simm.s32 $0x8880;
	[dreg:$0x8] =	wrdreg s21  }
0x8: {  	s23 =	simm.s32 $0xC80;
	[dreg:$0x9] =	wrdreg s22  }
0x9: {  	s24 =	simm.s32 $0x8C80;
	[dreg:$0xa] =	wrdreg s23  }
0xa: {  	s25 =	simm.s32 $0x1080;
	[dreg:$0xb] =	wrdreg s24  }
0xb: {  	s26 =	simm.s32 $0x9080;
	[dreg:$0xc] =	wrdreg s25  }
0xc: {  	s28 =	simm.s32 $0x1480;
	[dreg:$0xd] =	wrdreg s26  }
0xd: {  	s29 =	simm.s32 $0x9480;
	[dreg:$0xe] =	wrdreg s28  }
0xe: {  	s30 =	simm.s32 $0x1880;
	[dreg:$0xf] =	wrdreg s29  }
0xf: {  	s31 =	simm.s32 $0x9880;
	[dreg:$0x10] =	wrdreg s30  }
0x10: {  	s8 =	simm.s32 $0x9C80;
	[dreg:$0x11] =	wrdreg s31  }
0x11: {  	s9 =	simm.s32 $0x2080;
	[dreg:$0x13] =	wrdreg s8  }
0x12: {  	s10 =	simm.s32 $0xA080;
	[dreg:$0x14] =	wrdreg s9  }
0x13: {  	s11 =	simm.s32 $0x2480;
	[dreg:$0x15] =	wrdreg s10  }
0x14: {  	s12 =	simm.s32 $0xA480;
	[dreg:$0x16] =	wrdreg s11  }
0x15: {  	s13 =	simm.s32 $0x2880;
	[dreg:$0x17] =	wrdreg s12  }
0x16: {  	s14 =	simm.s32 $0xA880;
	[dreg:$0x18] =	wrdreg s13  }
0x17: {  	s15 =	simm.s32 $0x2C80;
	[dreg:$0x19] =	wrdreg s14  }
0x18: {  	s16 =	simm.s32 $0xAC80;
	[dreg:$0x1a] =	wrdreg s15  }
0x19: {  	[dreg:$0x1b] =	wrdreg s16;
	s19 =	simm.s32 $0x3480  }
0x1a: {  	s20 =	simm.s32 $0xB480;
	[dreg:$0x1e] =	wrdreg s19  }
0x1b: {  	s21 =	simm.s32 $0x3880;
	[dreg:$0x1f] =	wrdreg s20  }
0x1c: {  	s22 =	simm.s32 $0xB880;
	[smem:$0x7D8] =	sst s21  }
0x1d: {  	s23 =	simm.s32 $0x3C80;
	[smem:$0x7D9] =	sst s22  }
0x1e: {  	s24 =	simm.s32 $0xBC80;
	[smem:$0x7DA] =	sst s23  }
0x1f: {  	s25 =	simm.s32 $0x4080;
	[smem:$0x7DB] =	sst s24  }
0x20: {  	s26 =	simm.s32 $0xC080;
	[smem:$0x7DC] =	sst s25  }
0x21: {  	s28 =	simm.s32 $0x4480;
	[smem:$0x7DD] =	sst s26  }
0x22: {  	s29 =	simm.s32 $0xC480;
	[smem:$0x7DE] =	sst s28  }
0x23: {  	s30 =	simm.s32 $0x4880;
	[smem:$0x7DF] =	sst s29  }
0x24: {  	s31 =	simm.s32 $0xC880;
	[smem:$0x7E0] =	sst s30  }
0x25: {  	s8 =	simm.s32 $0xCC80;
	[smem:$0x7E1] =	sst s31  }
0x26: {  	s9 =	simm.s32 $0x5080;
	[smem:$0x7E3] =	sst s8  }
0x27: {  	s10 =	simm.s32 $0xD080;
	[smem:$0x7E4] =	sst s9  }
0x28: {  	s11 =	simm.s32 $0x5480;
	[smem:$0x7E5] =	sst s10  }
0x29: {  	s12 =	simm.s32 $0xD480;
	[smem:$0x7E6] =	sst s11  }
0x2a: {  	s1 =	stileid.u32;
	s13 =	simm.s32 $0x5880;
	[smem:$0x7E7] =	sst s12  }
0x2b: {  	s5 =	sshll.u32 s1, $0x3;
	s14 =	simm.s32 $0xD880;
	[smem:$0x7E8] =	sst s13  }
0x2c: {  	s7 =	sshll.u32 s6, $0x2;
	s15 =	simm.s32 $0x5C80;
	[smem:$0x7E9] =	sst s14  }
0x2d: {  	s5 =	sor.u32 s7, s5;
	s16 =	simm.s32 $0xDC80;
	[smem:$0x7EA] =	sst s15  }
0x2e: {  	s3 =	sadd.s32 s3, s5;
	[smem:$0x7EB] =	sst s16  }
0x2f: {  	s19 =	simm.s32 $0x6480;
	[dreg:$0x3] =	wrdreg s3  }
0x30: {  	s20 =	simm.s32 $0xE480;
	[smem:$0x7EE] =	sst s19  }
0x31: {  	s21 =	simm.s32 $0x6880;
	[smem:$0x7EF] =	sst s20  }
0x32: {  	s22 =	simm.s32 $0xE880;
	[smem:$0x7F0] =	sst s21  }
0x33: {  	s23 =	simm.s32 $0x6C80;
	[smem:$0x7F1] =	sst s22  }
0x34: {  	s24 =	simm.s32 $0xEC80;
	[smem:$0x7F2] =	sst s23  }
0x35: {  	s25 =	simm.s32 $0x7080;
	[smem:$0x7F3] =	sst s24  }
0x36: {  	s26 =	simm.s32 $0xF080;
	[smem:$0x7F4] =	sst s25  }
0x37: {  	v0 =	vimm.s32 $0x3F80;
	vm0 =	vcmask $0x300;
	s28 =	simm.s32 $0x7480;
	[smem:$0x7F5] =	sst s26  }
0x38: {  	v1 =	vimm.s32 $0x7F80;
	vm1 =	vcmask $0x704;
	vm15 =	vcmask $0xB08;
	s29 =	simm.s32 $0xF480;
	[smem:$0x7F6] =	sst s28  }
0x39: {  	vm4 =	vcmask $0xF0C;
	v0 =	vsel vm0, $0x0, v0;
	v1 =	vsel vm0, $0x4000, v1;
	s30 =	simm.s32 $0x7880;
	[smem:$0x7F7] =	sst s29  }
0x3a: {  	vm5 =	vcmask $0x1310;
	v0 =	vsel vm1, $0x480, v0;
	v1 =	vsel vm1, $0x4480, v1;
	s6 =	ssub.s32 $0x2, s6;
	s10 =	simm.s32 $0xF880;
	[smem:$0x7F8] =	sst s30  }
0x3b: {  	vm6 =	vcmask $0x1714;
	v0 =	vsel vm15, $0x900, v0;
	v1 =	vsel vm15, $0x4900, v1;
	s7 =	sadd.s32 s5, s4;
	s31 =	simm.s32 $0x7C80;
	[smem:$0x7F9] =	sst s10  }
0x3c: {  	vm7 =	vcmask $0x1B18;
	v0 =	vsel vm4, $0xD80, v0;
	v1 =	vsel vm4, $0x4D80, v1;
	s8 =	sshrl.u32 s6, $0x1;
	s11 =	simm.s32 $0xFC80;
	[smem:$0x7FA] =	sst s31  }
0x3d: {  	vm8 =	vcmask $0x1F1C;
	s5 =	smul.u32 $0xC3800, s5;
	s12 =	simm.s32 $0x10080;
	v0 =	vsel vm5, $0x1200, v0;
	v1 =	vsel vm5, $0x5200, v1;
	[smem:$0x7FB] =	sst s11  }
0x3e: {  	s14 =	simm.s32 $0x10100;
	s17 =	sadd.s32 $0x1870A00, s7;
	[smem:$0x7FC] =	sst s12;
	v0 =	vsel vm6, $0x1680, v0;
	v1 =	vsel vm6, $0x5680, v1  }
0x3f: {  	vm9 =	vcmask $0x2320;
	s13 =	simm.s32 $0x1;
	s18 =	sadd.s32 $0x1870800, s7;
	[smem:$0x7FD] =	sst s14;
	v0 =	vsel vm7, $0x1B00, v0;
	v1 =	vsel vm7, $0x5B00, v1  }
0x40: {  	vm10 =	vcmask $0x2724;
	s7 =	simm.s32 $0x1C80;
	s3 =	sadd.s32 $0x800, s4;
	[dreg:$0x4] =	wrdreg s17;
	v0 =	vsel vm8, $0x1F80, v0;
	v1 =	vsel vm8, $0x5F80, v1  }
0x41: {  	vm11 =	vcmask $0x2B28;
	s4 =	sadd.s32 $0xC38800, s4;
	s9 =	ssub.s32 s6, s8;
	[dreg:$0x5] =	wrdreg s18;
	v0 =	vsel vm9, $0x2000, v0;
	v1 =	vsel vm9, $0x6000, v1  }
0x42: {  	vm12 =	vcmask $0x2F2C;
	s10 =	simm.s32 $0x2;
	[dreg:$0x12] =	wrdreg s7;
	s17 =	simm.s32 $0x3080;
	v0 =	vsel vm10, $0x2480, v0;
	v1 =	vsel vm10, $0x6480, v1  }
0x43: {  	vm13 =	vcmask $0x3330;
	s11 =	simm.s32 $0x80;
	s18 =	simm.s32 $0xB080;
	[dreg:$0x1c] =	wrdreg s17;
	v0 =	vsel vm11, $0x2900, v0;
	v1 =	vsel vm11, $0x6900, v1  }
0x44: {  	vm14 =	vcmask $0x3734;
	s12 =	simm.s32 $0x8080;
	s7 =	simm.s32 $0x4C80;
	[dreg:$0x1d] =	wrdreg s18;
	v0 =	vsel vm12, $0x2D80, v0;
	v1 =	vsel vm12, $0x6D80, v1  }
0x45: {  	vm15 =	vcmask $0x3B38;
	s6 =	sadd.s32 $0xC3800, s5;
	[smem:$0x7E2] =	sst s7;
	s17 =	simm.s32 $0x6080;
	v0 =	vsel vm13, $0x3200, v0;
	v1 =	vsel vm13, $0x7200, v1  }
0x46: {  	s8 =	sadd.s32 $0x24A800, s5;
	s18 =	simm.s32 $0xE080;
	[smem:$0x7EC] =	sst s17;
	v0 =	vsel vm14, $0x3680, v0;
	v1 =	vsel vm14, $0x7680, v1  }
0x47: {  	s9 =	smax.u32 s9, $0x1;
	s7 =	sadd.s32 $0x187000, s5;
	[smem:$0x7ED] =	sst s18;
	v0 =	vsel vm15, $0x3B00, v0;
	v1 =	vsel vm15, $0x7B00, v1  }
.LBB2_1:
0x48: {  	s14 =	rddreg [dreg:$0x3]  }
0x49: {  	[tilespmem:s2], [sflag:$0x2] =	stream.linear.gather [hbm4b:s14+s2], $0x20, $0x38;
	[tilespmem:$0x10180] =	vst v63  }
0x4a: {  	_ =	swait.ge [sflag:s10], $0x20  }
0x4b: {  	[sflag:s10] =	ssyncset.done $0x0  }
0x4c: {  	[sflag:s10] =	ssyncadd.s32 $0xFFFFFFE0  }
0x4d: {  	v2 =	vld [tilespmem:$0x0];
	_ =	sdelay $0x4  }
0x4e: {  	v2 =	vshll.u32 v2, $0x3  }
0x4f: {  	(v2sf) =	vpush v2, $0x0;
	_ =	sdelay $0x5  }
0x50: {  	(v2sf) =	vpush v2, $0x1;
	_ =	sdelay $0x8  }
0x51: {  	s29 =	spop (v2sf);
	(v2sf) =	vpush v2, $0x2  }
0x52: {  	s14 =	sand.u32 $0x7FFFFC00, s29  }
0x53: {  	s14 =	sadd.s32 s5, s14  }
0x54: {  	s14 =	sshrl.u32 s14, $0x3  }
0x55: {  	s15 =	sadd.s32 s3, s14  }
0x56: {  	[tilespmem:s11], [sflag:$0x1] =	stream.linear.gather [hbm4b:s15+s2], $0x400, $0x38;
	[tilespmem:$0x10180] =	vst v63  }
0x57: {  	s30 =	spop (v2sf);
	(v2sf) =	vpush v2, $0x3;
	s14 =	sadd.s32 s4, s14  }
0x58: {  	[tilespmem:s12], [sflag:$0x1] =	stream.linear.gather [hbm4b:s14+s2], $0x400, $0x38;
	[tilespmem:$0x10180] =	vst v63  }
0x59: {  	s14 =	sand.u32 $0x7FFFFC00, s30  }
0x5a: {  	s14 =	sadd.s32 s5, s14  }
0x5b: {  	s14 =	sshrl.u32 s14, $0x3  }
0x5c: {  	s31 =	rddreg [dreg:$0x6];
	s16 =	sadd.s32 s3, s14  }
0x5d: {  	[tilespmem:s31], [sflag:$0x1] =	stream.linear.gather [hbm4b:s16+s2], $0x400, $0x38;
	[tilespmem:$0x10180] =	vst v63  }
0x5e: {  	s17 =	rddreg [dreg:$0x7];
	s14 =	sadd.s32 s4, s14  }
0x5f: {  	[tilespmem:s17], [sflag:$0x1] =	stream.linear.gather [hbm4b:s14+s2], $0x400, $0x38;
	[tilespmem:$0x10180] =	vst v63  }
0x60: {  	s15 =	spop (v2sf);
	(v2sf) =	vpush v2, $0x4  }
0x61: {  	s14 =	sand.u32 $0x7FFFFC00, s15  }
0x62: {  	s14 =	sadd.s32 s5, s14  }
0x63: {  	s14 =	sshrl.u32 s14, $0x3  }
0x64: {  	s16 =	rddreg [dreg:$0x8];
	s17 =	sadd.s32 s3, s14  }
0x65: {  	[tilespmem:s16], [sflag:$0x1] =	stream.linear.gather [hbm4b:s17+s2], $0x400, $0x38;
	[tilespmem:$0x10180] =	vst v63  }
0x66: {  	s18 =	rddreg [dreg:$0x9];
	s19 =	spop (v2sf);
	(v2sf) =	vpush v2, $0x5;
	s14 =	sadd.s32 s4, s14  }
0x67: {  	[tilespmem:s18], [sflag:$0x1] =	stream.linear.gather [hbm4b:s14+s2], $0x400, $0x38;
	[tilespmem:$0x10180] =	vst v63  }
0x68: {  	s14 =	sand.u32 $0x7FFFFC00, s19  }
0x69: {  	s14 =	sadd.s32 s5, s14  }
0x6a: {  	s14 =	sshrl.u32 s14, $0x3  }
0x6b: {  	s20 =	rddreg [dreg:$0xa];
	s21 =	sadd.s32 s3, s14  }
0x6c: {  	[tilespmem:s20], [sflag:$0x1] =	stream.linear.gather [hbm4b:s21+s2], $0x400, $0x38;
	[tilespmem:$0x10180] =	vst v63  }
0x6d: {  	s22 =	rddreg [dreg:$0xb];
	s14 =	sadd.s32 s4, s14  }
0x6e: {  	[tilespmem:s22], [sflag:$0x1] =	stream.linear.gather [hbm4b:s14+s2], $0x400, $0x38;
	[tilespmem:$0x10180] =	vst v63  }
0x6f: {  	s23 =	spop (v2sf);
	(v2sf) =	vpush v2, $0x6  }
0x70: {  	s14 =	sand.u32 $0x7FFFFC00, s23  }
0x71: {  	s14 =	sadd.s32 s5, s14  }
0x72: {  	s14 =	sshrl.u32 s14, $0x3  }
0x73: {  	s24 =	rddreg [dreg:$0xc];
	s25 =	sadd.s32 s3, s14  }
0x74: {  	[tilespmem:s24], [sflag:$0x1] =	stream.linear.gather [hbm4b:s25+s2], $0x400, $0x38;
	[tilespmem:$0x10180] =	vst v63  }
0x75: {  	s26 =	rddreg [dreg:$0xd];
	s28 =	spop (v2sf);
	(v2sf) =	vpush v2, $0x7;
	s14 =	sadd.s32 s4, s14  }
0x76: {  	[tilespmem:s26], [sflag:$0x1] =	stream.linear.gather [hbm4b:s14+s2], $0x400, $0x38;
	[tilespmem:$0x10180] =	vst v63  }
0x77: {  	s14 =	sand.u32 $0x7FFFFC00, s28  }
0x78: {  	s14 =	sadd.s32 s5, s14  }
0x79: {  	s14 =	sshrl.u32 s14, $0x3  }
0x7a: {  	s29 =	rddreg [dreg:$0xe];
	s30 =	sadd.s32 s3, s14  }
0x7b: {  	[tilespmem:s29], [sflag:$0x1] =	stream.linear.gather [hbm4b:s30+s2], $0x400, $0x38;
	[tilespmem:$0x10180] =	vst v63  }
0x7c: {  	s31 =	rddreg [dreg:$0xf];
	s14 =	sadd.s32 s4, s14  }
0x7d: {  	[tilespmem:s31], [sflag:$0x1] =	stream.linear.gather [hbm4b:s14+s2], $0x400, $0x38;
	[tilespmem:$0x10180] =	vst v63  }
0x7e: {  	s15 =	spop (v2sf);
	(v2sf) =	vpush v2, $0x8  }
0x7f: {  	s14 =	sand.u32 $0x7FFFFC00, s15  }
0x80: {  	s14 =	sadd.s32 s5, s14  }
0x81: {  	s14 =	sshrl.u32 s14, $0x3  }
0x82: {  	s16 =	rddreg [dreg:$0x10];
	s17 =	sadd.s32 s3, s14  }
0x83: {  	[tilespmem:s16], [sflag:$0x1] =	stream.linear.gather [hbm4b:s17+s2], $0x400, $0x38;
	[tilespmem:$0x10180] =	vst v63  }
0x84: {  	s18 =	rddreg [dreg:$0x11];
	s19 =	spop (v2sf);
	(v2sf) =	vpush v2, $0x9;
	s14 =	sadd.s32 s4, s14  }
0x85: {  	[tilespmem:s18], [sflag:$0x1] =	stream.linear.gather [hbm4b:s14+s2], $0x400, $0x38;
	[tilespmem:$0x10180] =	vst v63  }
0x86: {  	s14 =	sand.u32 $0x7FFFFC00, s19  }
0x87: {  	s14 =	sadd.s32 s5, s14  }
0x88: {  	s14 =	sshrl.u32 s14, $0x3  }
0x89: {  	s20 =	rddreg [dreg:$0x12];
	s21 =	sadd.s32 s3, s14  }
0x8a: {  	[tilespmem:s20], [sflag:$0x1] =	stream.linear.gather [hbm4b:s21+s2], $0x400, $0x38;
	[tilespmem:$0x10180] =	vst v63  }
0x8b: {  	s22 =	rddreg [dreg:$0x13];
	s14 =	sadd.s32 s4, s14  }
0x8c: {  	[tilespmem:s22], [sflag:$0x1] =	stream.linear.gather [hbm4b:s14+s2], $0x400, $0x38;
	[tilespmem:$0x10180] =	vst v63  }
0x8d: {  	s23 =	spop (v2sf);
	(v2sf) =	vpush v2, $0xA  }
0x8e: {  	s14 =	sand.u32 $0x7FFFFC00, s23  }
0x8f: {  	s14 =	sadd.s32 s6, s14  }
0x90: {  	s14 =	sshrl.u32 s14, $0x3  }
0x91: {  	s24 =	rddreg [dreg:$0x14];
	s25 =	sadd.s32 s3, s14  }
0x92: {  	[tilespmem:s24], [sflag:$0x1] =	stream.linear.gather [hbm4b:s25+s2], $0x400, $0x38;
	[tilespmem:$0x10180] =	vst v63  }
0x93: {  	s26 =	rddreg [dreg:$0x15];
	s28 =	spop (v2sf);
	(v2sf) =	vpush v2, $0xB;
	s14 =	sadd.s32 s4, s14  }
0x94: {  	[tilespmem:s26], [sflag:$0x1] =	stream.linear.gather [hbm4b:s14+s2], $0x400, $0x38;
	[tilespmem:$0x10180] =	vst v63  }
0x95: {  	s14 =	sand.u32 $0x7FFFFC00, s28  }
0x96: {  	s14 =	sadd.s32 s6, s14  }
0x97: {  	s14 =	sshrl.u32 s14, $0x3  }
0x98: {  	s29 =	rddreg [dreg:$0x16];
	s30 =	sadd.s32 s3, s14  }
0x99: {  	[tilespmem:s29], [sflag:$0x1] =	stream.linear.gather [hbm4b:s30+s2], $0x400, $0x38;
	[tilespmem:$0x10180] =	vst v63  }
0x9a: {  	s31 =	rddreg [dreg:$0x17];
	s14 =	sadd.s32 s4, s14  }
0x9b: {  	[tilespmem:s31], [sflag:$0x1] =	stream.linear.gather [hbm4b:s14+s2], $0x400, $0x38;
	[tilespmem:$0x10180] =	vst v63  }
0x9c: {  	s15 =	spop (v2sf);
	(v2sf) =	vpush v2, $0xC  }
0x9d: {  	s14 =	sand.u32 $0x7FFFFC00, s15  }
0x9e: {  	s14 =	sadd.s32 s6, s14  }
0x9f: {  	s14 =	sshrl.u32 s14, $0x3  }
0xa0: {  	s16 =	rddreg [dreg:$0x18];
	s17 =	sadd.s32 s3, s14  }
0xa1: {  	[tilespmem:s16], [sflag:$0x1] =	stream.linear.gather [hbm4b:s17+s2], $0x400, $0x38;
	[tilespmem:$0x10180] =	vst v63  }
0xa2: {  	s18 =	rddreg [dreg:$0x19];
	s19 =	spop (v2sf);
	(v2sf) =	vpush v2, $0xD;
	s14 =	sadd.s32 s4, s14  }
0xa3: {  	[tilespmem:s18], [sflag:$0x1] =	stream.linear.gather [hbm4b:s14+s2], $0x400, $0x38;
	[tilespmem:$0x10180] =	vst v63  }
0xa4: {  	s14 =	sand.u32 $0x7FFFFC00, s19  }
0xa5: {  	s14 =	sadd.s32 s6, s14  }
0xa6: {  	s14 =	sshrl.u32 s14, $0x3  }
0xa7: {  	s20 =	rddreg [dreg:$0x1a];
	s21 =	sadd.s32 s3, s14  }
0xa8: {  	[tilespmem:s20], [sflag:$0x1] =	stream.linear.gather [hbm4b:s21+s2], $0x400, $0x38;
	[tilespmem:$0x10180] =	vst v63  }
0xa9: {  	s22 =	rddreg [dreg:$0x1b];
	s14 =	sadd.s32 s4, s14  }
0xaa: {  	[tilespmem:s22], [sflag:$0x1] =	stream.linear.gather [hbm4b:s14+s2], $0x400, $0x38;
	[tilespmem:$0x10180] =	vst v63  }
0xab: {  	s23 =	spop (v2sf);
	(v2sf) =	vpush v2, $0xE  }
0xac: {  	s14 =	sand.u32 $0x7FFFFC00, s23  }
0xad: {  	s14 =	sadd.s32 s6, s14  }
0xae: {  	s14 =	sshrl.u32 s14, $0x3  }
0xaf: {  	s24 =	rddreg [dreg:$0x1c];
	s25 =	sadd.s32 s3, s14  }
0xb0: {  	[tilespmem:s24], [sflag:$0x1] =	stream.linear.gather [hbm4b:s25+s2], $0x400, $0x38;
	[tilespmem:$0x10180] =	vst v63  }
0xb1: {  	s26 =	rddreg [dreg:$0x1d];
	s28 =	spop (v2sf);
	(v2sf) =	vpush v2, $0xF;
	s14 =	sadd.s32 s4, s14  }
0xb2: {  	[tilespmem:s26], [sflag:$0x1] =	stream.linear.gather [hbm4b:s14+s2], $0x400, $0x38;
	[tilespmem:$0x10180] =	vst v63  }
0xb3: {  	s14 =	sand.u32 $0x7FFFFC00, s28  }
0xb4: {  	s14 =	sadd.s32 s6, s14  }
0xb5: {  	s14 =	sshrl.u32 s14, $0x3  }
0xb6: {  	s29 =	rddreg [dreg:$0x1e];
	s30 =	sadd.s32 s3, s14  }
0xb7: {  	[tilespmem:s29], [sflag:$0x1] =	stream.linear.gather [hbm4b:s30+s2], $0x400, $0x38;
	[tilespmem:$0x10180] =	vst v63  }
0xb8: {  	s31 =	rddreg [dreg:$0x1f];
	s14 =	sadd.s32 s4, s14  }
0xb9: {  	[tilespmem:s31], [sflag:$0x1] =	stream.linear.gather [hbm4b:s14+s2], $0x400, $0x38;
	[tilespmem:$0x10180] =	vst v63  }
0xba: {  	s15 =	spop (v2sf)  }
0xbb: {  	s14 =	sand.u32 $0x7FFFFC00, s15  }
0xbc: {  	s16 =	sld [smem:$0x7D8];
	s14 =	sadd.s32 s6, s14  }
0xbd: {  	s14 =	sshrl.u32 s14, $0x3  }
0xbe: {  	s18 =	sld [smem:$0x7D9];
	s17 =	sadd.s32 s3, s14  }
0xbf: {  	[tilespmem:s16], [sflag:$0x1] =	stream.linear.gather [hbm4b:s17+s2], $0x400, $0x38;
	[tilespmem:$0x10180] =	vst v63  }
0xc0: {  	s19 =	spop (v2sf);
	s14 =	sadd.s32 s4, s14  }
0xc1: {  	[tilespmem:s18], [sflag:$0x1] =	stream.linear.gather [hbm4b:s14+s2], $0x400, $0x38;
	[tilespmem:$0x10180] =	vst v63  }
0xc2: {  	s14 =	sand.u32 $0x7FFFFC00, s19  }
0xc3: {  	s20 =	sld [smem:$0x7DA];
	s14 =	sadd.s32 s6, s14  }
0xc4: {  	s14 =	sshrl.u32 s14, $0x3  }
0xc5: {  	s22 =	sld [smem:$0x7DB];
	s21 =	sadd.s32 s3, s14  }
0xc6: {  	[tilespmem:s20], [sflag:$0x1] =	stream.linear.gather [hbm4b:s21+s2], $0x400, $0x38;
	[tilespmem:$0x10180] =	vst v63  }
0xc7: {  	s14 =	sadd.s32 s4, s14  }
0xc8: {  	[tilespmem:s22], [sflag:$0x1] =	stream.linear.gather [hbm4b:s14+s2], $0x400, $0x38;
	[tilespmem:$0x10180] =	vst v63  }
0xc9: {  	v2 =	vld [tilespmem:$0x10];
	_ =	sdelay $0x4  }
0xca: {  	v2 =	vshll.u32 v2, $0x3  }
0xcb: {  	(v2sf) =	vpush v2, $0x0;
	_ =	sdelay $0x3  }
0xcc: {  	(v2sf) =	vpush v2, $0x1;
	_ =	sdelay $0x8  }
0xcd: {  	(v2sf) =	vpush v2, $0x2;
	_ =	sdelay $0x1  }
0xce: {  	s23 =	spop (v2sf);
	(v2sf) =	vpush v2, $0x3  }
0xcf: {  	s14 =	sand.u32 $0x7FFFFC00, s23  }
0xd0: {  	s24 =	sld [smem:$0x7DC];
	s14 =	sadd.s32 s7, s14  }
0xd1: {  	s14 =	sshrl.u32 s14, $0x3  }
0xd2: {  	s26 =	sld [smem:$0x7DD];
	s28 =	spop (v2sf);
	s25 =	sadd.s32 s3, s14  }
0xd3: {  	(v2sf) =	vpush v2, $0x4;
	[tilespmem:s24], [sflag:$0x1] =	stream.linear.gather [hbm4b:s25+s2], $0x400, $0x38;
	[tilespmem:$0x10180] =	vst v63  }
0xd4: {  	s14 =	sadd.s32 s4, s14  }
0xd5: {  	[tilespmem:s26], [sflag:$0x1] =	stream.linear.gather [hbm4b:s14+s2], $0x400, $0x38;
	[tilespmem:$0x10180] =	vst v63  }
0xd6: {  	s14 =	sand.u32 $0x7FFFFC00, s28  }
0xd7: {  	s29 =	sld [smem:$0x7DE];
	s14 =	sadd.s32 s7, s14  }
0xd8: {  	s14 =	sshrl.u32 s14, $0x3  }
0xd9: {  	s31 =	sld [smem:$0x7DF];
	s30 =	sadd.s32 s3, s14  }
0xda: {  	[tilespmem:s29], [sflag:$0x1] =	stream.linear.gather [hbm4b:s30+s2], $0x400, $0x38;
	[tilespmem:$0x10180] =	vst v63  }
0xdb: {  	s16 =	spop (v2sf);
	s14 =	sadd.s32 s4, s14  }
0xdc: {  	[tilespmem:s31], [sflag:$0x1] =	stream.linear.gather [hbm4b:s14+s2], $0x400, $0x38;
	[tilespmem:$0x10180] =	vst v63  }
0xdd: {  	s18 =	sand.u32 $0x7FFFFC00, s16;
	s22 =	spop (v2sf);
	(v2sf) =	vpush v2, $0x5  }
0xde: {  	s19 =	sld [smem:$0x7E0];
	s14 =	sadd.s32 s7, s18  }
0xdf: {  	s14 =	sshrl.u32 s14, $0x3  }
0xe0: {  	s21 =	sld [smem:$0x7E1];
	s20 =	sadd.s32 s3, s14  }
0xe1: {  	[tilespmem:s19], [sflag:$0x1] =	stream.linear.gather [hbm4b:s20+s2], $0x400, $0x38;
	[tilespmem:$0x10180] =	vst v63  }
0xe2: {  	s26 =	spop (v2sf);
	(v2sf) =	vpush v2, $0x6  }
0xe3: {  	s14 =	sadd.s32 s4, s14  }
0xe4: {  	[tilespmem:s21], [sflag:$0x1] =	stream.linear.gather [hbm4b:s14+s2], $0x400, $0x38;
	[tilespmem:$0x10180] =	vst v63  }
0xe5: {  	s14 =	sand.u32 $0x7FFFFC00, s22  }
0xe6: {  	s23 =	sld [smem:$0x7E2];
	s14 =	sadd.s32 s7, s14  }
0xe7: {  	s14 =	sshrl.u32 s14, $0x3  }
0xe8: {  	s25 =	sld [smem:$0x7E3];
	s24 =	sadd.s32 s3, s14  }
0xe9: {  	[tilespmem:s23], [sflag:$0x1] =	stream.linear.gather [hbm4b:s24+s2], $0x400, $0x38;
	[tilespmem:$0x10180] =	vst v63  }
0xea: {  	s14 =	sadd.s32 s4, s14  }
0xeb: {  	[tilespmem:s25], [sflag:$0x1] =	stream.linear.gather [hbm4b:s14+s2], $0x400, $0x38;
	[tilespmem:$0x10180] =	vst v63  }
0xec: {  	s28 =	sand.u32 $0x7FFFFC00, s26;
	s18 =	spop (v2sf);
	(v2sf) =	vpush v2, $0x7  }
0xed: {  	s29 =	sld [smem:$0x7E4];
	s14 =	sadd.s32 s7, s28  }
0xee: {  	s14 =	sshrl.u32 s14, $0x3  }
0xef: {  	s31 =	sld [smem:$0x7E5];
	s30 =	sadd.s32 s3, s14  }
0xf0: {  	[tilespmem:s29], [sflag:$0x1] =	stream.linear.gather [hbm4b:s30+s2], $0x400, $0x38;
	[tilespmem:$0x10180] =	vst v63  }
0xf1: {  	s22 =	spop (v2sf);
	(v2sf) =	vpush v2, $0x8  }
0xf2: {  	s14 =	sadd.s32 s4, s14  }
0xf3: {  	[tilespmem:s31], [sflag:$0x1] =	stream.linear.gather [hbm4b:s14+s2], $0x400, $0x38;
	[tilespmem:$0x10180] =	vst v63  }
0xf4: {  	s14 =	sand.u32 $0x7FFFFC00, s18  }
0xf5: {  	s19 =	sld [smem:$0x7E6];
	s14 =	sadd.s32 s7, s14  }
0xf6: {  	s14 =	sshrl.u32 s14, $0x3  }
0xf7: {  	s21 =	sld [smem:$0x7E7];
	s20 =	sadd.s32 s3, s14  }
0xf8: {  	[tilespmem:s19], [sflag:$0x1] =	stream.linear.gather [hbm4b:s20+s2], $0x400, $0x38;
	[tilespmem:$0x10180] =	vst v63  }
0xf9: {  	s14 =	sadd.s32 s4, s14  }
0xfa: {  	[tilespmem:s21], [sflag:$0x1] =	stream.linear.gather [hbm4b:s14+s2], $0x400, $0x38;
	[tilespmem:$0x10180] =	vst v63  }
0xfb: {  	s23 =	sand.u32 $0x7FFFFC00, s22;
	s28 =	spop (v2sf);
	(v2sf) =	vpush v2, $0x9  }
0xfc: {  	s24 =	sld [smem:$0x7E8];
	s14 =	sadd.s32 s7, s23  }
0xfd: {  	s14 =	sshrl.u32 s14, $0x3  }
0xfe: {  	s26 =	sld [smem:$0x7E9];
	s25 =	sadd.s32 s3, s14  }
0xff: {  	[tilespmem:s24], [sflag:$0x1] =	stream.linear.gather [hbm4b:s25+s2], $0x400, $0x38;
	[tilespmem:$0x10180] =	vst v63  }
0x100: {  	s14 =	sadd.s32 s4, s14;
	s16 =	spop (v2sf);
	(v2sf) =	vpush v2, $0xA  }
0x101: {  	[tilespmem:s26], [sflag:$0x1] =	stream.linear.gather [hbm4b:s14+s2], $0x400, $0x38;
	[tilespmem:$0x10180] =	vst v63  }
0x102: {  	s14 =	sand.u32 $0x7FFFFC00, s28  }
0x103: {  	s29 =	sld [smem:$0x7EA];
	s14 =	sadd.s32 s7, s14  }
0x104: {  	s14 =	sshrl.u32 s14, $0x3  }
0x105: {  	s31 =	sld [smem:$0x7EB];
	s30 =	sadd.s32 s3, s14  }
0x106: {  	[tilespmem:s29], [sflag:$0x1] =	stream.linear.gather [hbm4b:s30+s2], $0x400, $0x38;
	[tilespmem:$0x10180] =	vst v63  }
0x107: {  	s18 =	sand.u32 $0x7FFFFC00, s16;
	s14 =	sadd.s32 s4, s14  }
0x108: {  	[tilespmem:s31], [sflag:$0x1] =	stream.linear.gather [hbm4b:s14+s2], $0x400, $0x38;
	[tilespmem:$0x10180] =	vst v63  }
0x109: {  	s19 =	sld [smem:$0x7EC];
	s14 =	sadd.s32 s8, s18  }
0x10a: {  	s14 =	sshrl.u32 s14, $0x3;
	s22 =	spop (v2sf);
	(v2sf) =	vpush v2, $0xB  }
0x10b: {  	s21 =	sld [smem:$0x7ED];
	s20 =	sadd.s32 s3, s14  }
0x10c: {  	[tilespmem:s19], [sflag:$0x1] =	stream.linear.gather [hbm4b:s20+s2], $0x400, $0x38;
	[tilespmem:$0x10180] =	vst v63  }
0x10d: {  	s14 =	sadd.s32 s4, s14  }
0x10e: {  	[tilespmem:s21], [sflag:$0x1] =	stream.linear.gather [hbm4b:s14+s2], $0x400, $0x38;
	[tilespmem:$0x10180] =	vst v63  }
0x10f: {  	s26 =	spop (v2sf);
	(v2sf) =	vpush v2, $0xC  }
0x110: {  	s14 =	sand.u32 $0x7FFFFC00, s22  }
0x111: {  	s23 =	sld [smem:$0x7EE];
	s14 =	sadd.s32 s8, s14  }
0x112: {  	s14 =	sshrl.u32 s14, $0x3  }
0x113: {  	s25 =	sld [smem:$0x7EF];
	s24 =	sadd.s32 s3, s14  }
0x114: {  	[tilespmem:s23], [sflag:$0x1] =	stream.linear.gather [hbm4b:s24+s2], $0x400, $0x38;
	[tilespmem:$0x10180] =	vst v63  }
0x115: {  	s28 =	sand.u32 $0x7FFFFC00, s26;
	s14 =	sadd.s32 s4, s14  }
0x116: {  	[tilespmem:s25], [sflag:$0x1] =	stream.linear.gather [hbm4b:s14+s2], $0x400, $0x38;
	[tilespmem:$0x10180] =	vst v63  }
0x117: {  	s29 =	sld [smem:$0x7F0];
	s14 =	sadd.s32 s8, s28  }
0x118: {  	s14 =	sshrl.u32 s14, $0x3  }
0x119: {  	s31 =	sld [smem:$0x7F1];
	s30 =	sadd.s32 s3, s14;
	s18 =	spop (v2sf);
	(v2sf) =	vpush v2, $0xD  }
0x11a: {  	[tilespmem:s29], [sflag:$0x1] =	stream.linear.gather [hbm4b:s30+s2], $0x400, $0x38;
	[tilespmem:$0x10180] =	vst v63  }
0x11b: {  	s14 =	sadd.s32 s4, s14  }
0x11c: {  	[tilespmem:s31], [sflag:$0x1] =	stream.linear.gather [hbm4b:s14+s2], $0x400, $0x38;
	[tilespmem:$0x10180] =	vst v63  }
0x11d: {  	s14 =	sand.u32 $0x7FFFFC00, s18  }
0x11e: {  	s19 =	sld [smem:$0x7F2];
	s22 =	spop (v2sf);
	(v2sf) =	vpush v2, $0xE;
	s14 =	sadd.s32 s8, s14  }
0x11f: {  	s14 =	sshrl.u32 s14, $0x3  }
0x120: {  	s21 =	sld [smem:$0x7F3];
	s20 =	sadd.s32 s3, s14  }
0x121: {  	[tilespmem:s19], [sflag:$0x1] =	stream.linear.gather [hbm4b:s20+s2], $0x400, $0x38;
	[tilespmem:$0x10180] =	vst v63  }
0x122: {  	s23 =	sand.u32 $0x7FFFFC00, s22;
	s14 =	sadd.s32 s4, s14  }
0x123: {  	[tilespmem:s21], [sflag:$0x1] =	stream.linear.gather [hbm4b:s14+s2], $0x400, $0x38;
	[tilespmem:$0x10180] =	vst v63  }
0x124: {  	s24 =	sld [smem:$0x7F4];
	s14 =	sadd.s32 s8, s23  }
0x125: {  	s14 =	sshrl.u32 s14, $0x3  }
0x126: {  	s26 =	sld [smem:$0x7F5];
	s25 =	sadd.s32 s3, s14  }
0x127: {  	[tilespmem:s24], [sflag:$0x1] =	stream.linear.gather [hbm4b:s25+s2], $0x400, $0x38;
	[tilespmem:$0x10180] =	vst v63  }
0x128: {  	s14 =	sadd.s32 s4, s14;
	s28 =	spop (v2sf);
	(v2sf) =	vpush v2, $0xF  }
0x129: {  	[tilespmem:s26], [sflag:$0x1] =	stream.linear.gather [hbm4b:s14+s2], $0x400, $0x38;
	[tilespmem:$0x10180] =	vst v63  }
0x12a: {  	s14 =	sand.u32 $0x7FFFFC00, s28  }
0x12b: {  	s29 =	sld [smem:$0x7F6];
	s14 =	sadd.s32 s8, s14  }
0x12c: {  	s14 =	sshrl.u32 s14, $0x3  }
0x12d: {  	s31 =	sld [smem:$0x7F7];
	s18 =	spop (v2sf);
	s30 =	sadd.s32 s3, s14  }
0x12e: {  	[tilespmem:s29], [sflag:$0x1] =	stream.linear.gather [hbm4b:s30+s2], $0x400, $0x38;
	[tilespmem:$0x10180] =	vst v63  }
0x12f: {  	s19 =	sand.u32 $0x7FFFFC00, s18;
	s14 =	sadd.s32 s4, s14  }
0x130: {  	[tilespmem:s31], [sflag:$0x1] =	stream.linear.gather [hbm4b:s14+s2], $0x400, $0x38;
	[tilespmem:$0x10180] =	vst v63  }
0x131: {  	s20 =	sld [smem:$0x7F8];
	s14 =	sadd.s32 s8, s19  }
0x132: {  	s14 =	sshrl.u32 s14, $0x3  }
0x133: {  	s22 =	sld [smem:$0x7F9];
	s21 =	sadd.s32 s3, s14  }
0x134: {  	[tilespmem:s20], [sflag:$0x1] =	stream.linear.gather [hbm4b:s21+s2], $0x400, $0x38;
	[tilespmem:$0x10180] =	vst v63  }
0x135: {  	s14 =	sadd.s32 s4, s14  }
0x136: {  	[tilespmem:s22], [sflag:$0x1] =	stream.linear.gather [hbm4b:s14+s2], $0x400, $0x38;
	[tilespmem:$0x10180] =	vst v63  }
0x137: {  	s23 =	spop (v2sf)  }
0x138: {  	s14 =	sand.u32 $0x7FFFFC00, s23  }
0x139: {  	s24 =	sld [smem:$0x7FA];
	s14 =	sadd.s32 s8, s14  }
0x13a: {  	s14 =	sshrl.u32 s14, $0x3  }
0x13b: {  	s26 =	sld [smem:$0x7FB];
	s25 =	sadd.s32 s3, s14  }
0x13c: {  	[tilespmem:s24], [sflag:$0x1] =	stream.linear.gather [hbm4b:s25+s2], $0x400, $0x38;
	[tilespmem:$0x10180] =	vst v63  }
0x13d: {  	s14 =	sadd.s32 s4, s14  }
0x13e: {  	[tilespmem:s26], [sflag:$0x1] =	stream.linear.gather [hbm4b:s14+s2], $0x400, $0x38;
	[tilespmem:$0x10180] =	vst v63  }
0x13f: {  	_ =	swait.ge [sflag:s13], $0x400  }
0x140: {  	[sflag:s13] =	ssyncset.done $0x0  }
0x141: {  	[sflag:s13] =	ssyncadd.s32 $0xFFFFFC00  }
0x142: {  	_ =	swait.ge [sflag:s13], $0x400  }
0x143: {  	[sflag:s13] =	ssyncset.done $0x0  }
0x144: {  	[sflag:s13] =	ssyncadd.s32 $0xFFFFFC00  }
0x145: {  	_ =	swait.ge [sflag:s13], $0x400  }
0x146: {  	[sflag:s13] =	ssyncset.done $0x0  }
0x147: {  	[sflag:s13] =	ssyncadd.s32 $0xFFFFFC00  }
0x148: {  	_ =	swait.ge [sflag:s13], $0x400  }
0x149: {  	[sflag:s13] =	ssyncset.done $0x0  }
0x14a: {  	[sflag:s13] =	ssyncadd.s32 $0xFFFFFC00  }
0x14b: {  	_ =	swait.ge [sflag:s13], $0x400  }
0x14c: {  	[sflag:s13] =	ssyncset.done $0x0  }
0x14d: {  	[sflag:s13] =	ssyncadd.s32 $0xFFFFFC00  }
0x14e: {  	_ =	swait.ge [sflag:s13], $0x400  }
0x14f: {  	[sflag:s13] =	ssyncset.done $0x0  }
0x150: {  	[sflag:s13] =	ssyncadd.s32 $0xFFFFFC00  }
0x151: {  	_ =	swait.ge [sflag:s13], $0x400  }
0x152: {  	[sflag:s13] =	ssyncset.done $0x0  }
0x153: {  	[sflag:s13] =	ssyncadd.s32 $0xFFFFFC00  }
0x154: {  	_ =	swait.ge [sflag:s13], $0x400  }
0x155: {  	[sflag:s13] =	ssyncset.done $0x0  }
0x156: {  	[sflag:s13] =	ssyncadd.s32 $0xFFFFFC00  }
0x157: {  	_ =	swait.ge [sflag:s13], $0x400  }
0x158: {  	[sflag:s13] =	ssyncset.done $0x0  }
0x159: {  	[sflag:s13] =	ssyncadd.s32 $0xFFFFFC00  }
0x15a: {  	_ =	swait.ge [sflag:s13], $0x400  }
0x15b: {  	[sflag:s13] =	ssyncset.done $0x0  }
0x15c: {  	[sflag:s13] =	ssyncadd.s32 $0xFFFFFC00  }
0x15d: {  	_ =	swait.ge [sflag:s13], $0x400  }
0x15e: {  	[sflag:s13] =	ssyncset.done $0x0  }
0x15f: {  	[sflag:s13] =	ssyncadd.s32 $0xFFFFFC00  }
0x160: {  	_ =	swait.ge [sflag:s13], $0x400  }
0x161: {  	[sflag:s13] =	ssyncset.done $0x0  }
0x162: {  	[sflag:s13] =	ssyncadd.s32 $0xFFFFFC00  }
0x163: {  	_ =	swait.ge [sflag:s13], $0x400  }
0x164: {  	[sflag:s13] =	ssyncset.done $0x0  }
0x165: {  	[sflag:s13] =	ssyncadd.s32 $0xFFFFFC00  }
0x166: {  	_ =	swait.ge [sflag:s13], $0x400  }
0x167: {  	[sflag:s13] =	ssyncset.done $0x0  }
0x168: {  	[sflag:s13] =	ssyncadd.s32 $0xFFFFFC00  }
0x169: {  	_ =	swait.ge [sflag:s13], $0x400  }
0x16a: {  	[sflag:s13] =	ssyncset.done $0x0  }
0x16b: {  	[sflag:s13] =	ssyncadd.s32 $0xFFFFFC00  }
0x16c: {  	_ =	swait.ge [sflag:s13], $0x400  }
0x16d: {  	[sflag:s13] =	ssyncset.done $0x0  }
0x16e: {  	[sflag:s13] =	ssyncadd.s32 $0xFFFFFC00  }
0x16f: {  	_ =	swait.ge [sflag:s13], $0x400  }
0x170: {  	[sflag:s13] =	ssyncset.done $0x0  }
0x171: {  	[sflag:s13] =	ssyncadd.s32 $0xFFFFFC00  }
0x172: {  	_ =	swait.ge [sflag:s13], $0x400  }
0x173: {  	[sflag:s13] =	ssyncset.done $0x0  }
0x174: {  	[sflag:s13] =	ssyncadd.s32 $0xFFFFFC00  }
0x175: {  	_ =	swait.ge [sflag:s13], $0x400  }
0x176: {  	[sflag:s13] =	ssyncset.done $0x0  }
0x177: {  	[sflag:s13] =	ssyncadd.s32 $0xFFFFFC00  }
0x178: {  	_ =	swait.ge [sflag:s13], $0x400  }
0x179: {  	[sflag:s13] =	ssyncset.done $0x0  }
0x17a: {  	[sflag:s13] =	ssyncadd.s32 $0xFFFFFC00  }
0x17b: {  	_ =	swait.ge [sflag:s13], $0x400  }
0x17c: {  	[sflag:s13] =	ssyncset.done $0x0  }
0x17d: {  	[sflag:s13] =	ssyncadd.s32 $0xFFFFFC00  }
0x17e: {  	_ =	swait.ge [sflag:s13], $0x400  }
0x17f: {  	[sflag:s13] =	ssyncset.done $0x0  }
0x180: {  	[sflag:s13] =	ssyncadd.s32 $0xFFFFFC00  }
0x181: {  	_ =	swait.ge [sflag:s13], $0x400  }
0x182: {  	[sflag:s13] =	ssyncset.done $0x0  }
0x183: {  	[sflag:s13] =	ssyncadd.s32 $0xFFFFFC00  }
0x184: {  	_ =	swait.ge [sflag:s13], $0x400  }
0x185: {  	[sflag:s13] =	ssyncset.done $0x0  }
0x186: {  	[sflag:s13] =	ssyncadd.s32 $0xFFFFFC00  }
0x187: {  	_ =	swait.ge [sflag:s13], $0x400  }
0x188: {  	[sflag:s13] =	ssyncset.done $0x0  }
0x189: {  	[sflag:s13] =	ssyncadd.s32 $0xFFFFFC00  }
0x18a: {  	_ =	swait.ge [sflag:s13], $0x400  }
0x18b: {  	[sflag:s13] =	ssyncset.done $0x0  }
0x18c: {  	[sflag:s13] =	ssyncadd.s32 $0xFFFFFC00  }
0x18d: {  	_ =	swait.ge [sflag:s13], $0x400  }
0x18e: {  	[sflag:s13] =	ssyncset.done $0x0  }
0x18f: {  	[sflag:s13] =	ssyncadd.s32 $0xFFFFFC00  }
0x190: {  	_ =	swait.ge [sflag:s13], $0x400  }
0x191: {  	[sflag:s13] =	ssyncset.done $0x0  }
0x192: {  	[sflag:s13] =	ssyncadd.s32 $0xFFFFFC00  }
0x193: {  	_ =	swait.ge [sflag:s13], $0x400  }
0x194: {  	[sflag:s13] =	ssyncset.done $0x0  }
0x195: {  	[sflag:s13] =	ssyncadd.s32 $0xFFFFFC00  }
0x196: {  	_ =	swait.ge [sflag:s13], $0x400  }
0x197: {  	[sflag:s13] =	ssyncset.done $0x0  }
0x198: {  	[sflag:s13] =	ssyncadd.s32 $0xFFFFFC00  }
0x199: {  	_ =	swait.ge [sflag:s13], $0x400  }
0x19a: {  	[sflag:s13] =	ssyncset.done $0x0  }
0x19b: {  	[sflag:s13] =	ssyncadd.s32 $0xFFFFFC00  }
0x19c: {  	_ =	swait.ge [sflag:s13], $0x400  }
0x19d: {  	[sflag:s13] =	ssyncset.done $0x0  }
0x19e: {  	[sflag:s13] =	ssyncadd.s32 $0xFFFFFC00  }
0x19f: {  	_ =	swait.ge [sflag:s13], $0x400  }
0x1a0: {  	[sflag:s13] =	ssyncset.done $0x0  }
0x1a1: {  	[sflag:s13] =	ssyncadd.s32 $0xFFFFFC00  }
0x1a2: {  	_ =	swait.ge [sflag:s13], $0x400  }
0x1a3: {  	[sflag:s13] =	ssyncset.done $0x0  }
0x1a4: {  	[sflag:s13] =	ssyncadd.s32 $0xFFFFFC00  }
0x1a5: {  	_ =	swait.ge [sflag:s13], $0x400  }
0x1a6: {  	[sflag:s13] =	ssyncset.done $0x0  }
0x1a7: {  	[sflag:s13] =	ssyncadd.s32 $0xFFFFFC00  }
0x1a8: {  	_ =	swait.ge [sflag:s13], $0x400  }
0x1a9: {  	[sflag:s13] =	ssyncset.done $0x0  }
0x1aa: {  	[sflag:s13] =	ssyncadd.s32 $0xFFFFFC00  }
0x1ab: {  	_ =	swait.ge [sflag:s13], $0x400  }
0x1ac: {  	[sflag:s13] =	ssyncset.done $0x0  }
0x1ad: {  	[sflag:s13] =	ssyncadd.s32 $0xFFFFFC00  }
0x1ae: {  	_ =	swait.ge [sflag:s13], $0x400  }
0x1af: {  	[sflag:s13] =	ssyncset.done $0x0  }
0x1b0: {  	[sflag:s13] =	ssyncadd.s32 $0xFFFFFC00  }
0x1b1: {  	_ =	swait.ge [sflag:s13], $0x400  }
0x1b2: {  	[sflag:s13] =	ssyncset.done $0x0  }
0x1b3: {  	[sflag:s13] =	ssyncadd.s32 $0xFFFFFC00  }
0x1b4: {  	_ =	swait.ge [sflag:s13], $0x400  }
0x1b5: {  	[sflag:s13] =	ssyncset.done $0x0  }
0x1b6: {  	[sflag:s13] =	ssyncadd.s32 $0xFFFFFC00  }
0x1b7: {  	_ =	swait.ge [sflag:s13], $0x400  }
0x1b8: {  	[sflag:s13] =	ssyncset.done $0x0  }
0x1b9: {  	[sflag:s13] =	ssyncadd.s32 $0xFFFFFC00  }
0x1ba: {  	_ =	swait.ge [sflag:s13], $0x400  }
0x1bb: {  	[sflag:s13] =	ssyncset.done $0x0  }
0x1bc: {  	[sflag:s13] =	ssyncadd.s32 $0xFFFFFC00  }
0x1bd: {  	_ =	swait.ge [sflag:s13], $0x400  }
0x1be: {  	[sflag:s13] =	ssyncset.done $0x0  }
0x1bf: {  	[sflag:s13] =	ssyncadd.s32 $0xFFFFFC00  }
0x1c0: {  	_ =	swait.ge [sflag:s13], $0x400  }
0x1c1: {  	[sflag:s13] =	ssyncset.done $0x0  }
0x1c2: {  	[sflag:s13] =	ssyncadd.s32 $0xFFFFFC00  }
0x1c3: {  	_ =	swait.ge [sflag:s13], $0x400  }
0x1c4: {  	[sflag:s13] =	ssyncset.done $0x0  }
0x1c5: {  	[sflag:s13] =	ssyncadd.s32 $0xFFFFFC00  }
0x1c6: {  	_ =	swait.ge [sflag:s13], $0x400  }
0x1c7: {  	[sflag:s13] =	ssyncset.done $0x0  }
0x1c8: {  	[sflag:s13] =	ssyncadd.s32 $0xFFFFFC00  }
0x1c9: {  	_ =	swait.ge [sflag:s13], $0x400  }
0x1ca: {  	[sflag:s13] =	ssyncset.done $0x0  }
0x1cb: {  	[sflag:s13] =	ssyncadd.s32 $0xFFFFFC00  }
0x1cc: {  	_ =	swait.ge [sflag:s13], $0x400  }
0x1cd: {  	[sflag:s13] =	ssyncset.done $0x0  }
0x1ce: {  	[sflag:s13] =	ssyncadd.s32 $0xFFFFFC00  }
0x1cf: {  	_ =	swait.ge [sflag:s13], $0x400  }
0x1d0: {  	[sflag:s13] =	ssyncset.done $0x0  }
0x1d1: {  	[sflag:s13] =	ssyncadd.s32 $0xFFFFFC00  }
0x1d2: {  	_ =	swait.ge [sflag:s13], $0x400  }
0x1d3: {  	[sflag:s13] =	ssyncset.done $0x0  }
0x1d4: {  	[sflag:s13] =	ssyncadd.s32 $0xFFFFFC00  }
0x1d5: {  	_ =	swait.ge [sflag:s13], $0x400  }
0x1d6: {  	[sflag:s13] =	ssyncset.done $0x0  }
0x1d7: {  	[sflag:s13] =	ssyncadd.s32 $0xFFFFFC00  }
0x1d8: {  	_ =	swait.ge [sflag:s13], $0x400  }
0x1d9: {  	[sflag:s13] =	ssyncset.done $0x0  }
0x1da: {  	[sflag:s13] =	ssyncadd.s32 $0xFFFFFC00  }
0x1db: {  	_ =	swait.ge [sflag:s13], $0x400  }
0x1dc: {  	[sflag:s13] =	ssyncset.done $0x0  }
0x1dd: {  	[sflag:s13] =	ssyncadd.s32 $0xFFFFFC00  }
0x1de: {  	_ =	swait.ge [sflag:s13], $0x400  }
0x1df: {  	[sflag:s13] =	ssyncset.done $0x0  }
0x1e0: {  	[sflag:s13] =	ssyncadd.s32 $0xFFFFFC00  }
0x1e1: {  	_ =	swait.ge [sflag:s13], $0x400  }
0x1e2: {  	[sflag:s13] =	ssyncset.done $0x0  }
0x1e3: {  	[sflag:s13] =	ssyncadd.s32 $0xFFFFFC00  }
0x1e4: {  	_ =	swait.ge [sflag:s13], $0x400  }
0x1e5: {  	[sflag:s13] =	ssyncset.done $0x0  }
0x1e6: {  	[sflag:s13] =	ssyncadd.s32 $0xFFFFFC00  }
0x1e7: {  	_ =	swait.ge [sflag:s13], $0x400  }
0x1e8: {  	[sflag:s13] =	ssyncset.done $0x0  }
0x1e9: {  	[sflag:s13] =	ssyncadd.s32 $0xFFFFFC00  }
0x1ea: {  	_ =	swait.ge [sflag:s13], $0x400  }
0x1eb: {  	[sflag:s13] =	ssyncset.done $0x0  }
0x1ec: {  	[sflag:s13] =	ssyncadd.s32 $0xFFFFFC00  }
0x1ed: {  	_ =	swait.ge [sflag:s13], $0x400  }
0x1ee: {  	[sflag:s13] =	ssyncset.done $0x0  }
0x1ef: {  	[sflag:s13] =	ssyncadd.s32 $0xFFFFFC00  }
0x1f0: {  	_ =	swait.ge [sflag:s13], $0x400  }
0x1f1: {  	[sflag:s13] =	ssyncset.done $0x0  }
0x1f2: {  	[sflag:s13] =	ssyncadd.s32 $0xFFFFFC00  }
0x1f3: {  	_ =	swait.ge [sflag:s13], $0x400  }
0x1f4: {  	[sflag:s13] =	ssyncset.done $0x0  }
0x1f5: {  	[sflag:s13] =	ssyncadd.s32 $0xFFFFFC00  }
0x1f6: {  	_ =	swait.ge [sflag:s13], $0x400  }
0x1f7: {  	[sflag:s13] =	ssyncset.done $0x0  }
0x1f8: {  	[sflag:s13] =	ssyncadd.s32 $0xFFFFFC00  }
0x1f9: {  	_ =	swait.ge [sflag:s13], $0x400  }
0x1fa: {  	[sflag:s13] =	ssyncset.done $0x0  }
0x1fb: {  	[sflag:s13] =	ssyncadd.s32 $0xFFFFFC00  }
0x1fc: {  	_ =	swait.ge [sflag:s13], $0x400  }
0x1fd: {  	[sflag:s13] =	ssyncset.done $0x0  }
0x1fe: {  	[sflag:s13] =	ssyncadd.s32 $0xFFFFFC00  }
0x1ff: {  	v2 =	vld [tilespmem:$0x0];
	_ =	sdelay $0x4  }
0x200: {  	v2 =	vand.u32 $0x7F, v2  }
0x201: {  	v2 =	vor.u32 v0, v2;
	_ =	sdelay $0x4  }
0x202: {  	v3 =	vld.idx.msk [tilespmem:v2+s11+$0x0], $0xffff  }
0x203: {  	v4 =	vld [tilespmem:$0x10];
	_ =	sdelay $0x3  }
0x204: {  	[tilespmem:$0x10080] =	vst v3  }
0x205: {  	v3 =	vand.u32 $0x7F, v4;
	v2 =	vld.idx.msk [tilespmem:v2+s12+$0x0], $0xffff  }
0x206: {  	v3 =	vor.u32 v1, v3;
	_ =	sdelay $0x3  }
0x207: {  	[tilespmem:$0x10100] =	vst v2  }
0x208: {  	v2 =	vld.idx.msk [tilespmem:v3+s11+$0x0], $0xffff;
	_ =	sdelay $0x4  }
0x209: {  	[tilespmem:$0x10090] =	vst v2  }
0x20a: {  	v2 =	vld.idx.msk [tilespmem:v3+s12+$0x0], $0xffff;
	_ =	sdelay $0x2  }
0x20b: {  	s29 =	sld [smem:$0x7FC];
	_ =	sdelay $0x1  }
0x20c: {  	s28 =	rddreg [dreg:$0x4];
	[tilespmem:$0x10110] =	vst v2  }
0x20d: {  	[hbm4b:s28+s2] =	stream.linear.scatter [tilespmem:s29], [sflag:$0x2], $0x20, $0x38;
	[tilespmem:$0x10180] =	vst v63  }
0x20e: {  	_ =	swait.ge [sflag:s10], $0x20  }
0x20f: {  	s31 =	sld [smem:$0x7FD]  }
0x210: {  	p0 =	sne.s32 s9, $0x1;
	[sflag:s10] =	ssyncset.done $0x0  }
.Ltmp0:
0x211: {  	s30 =	rddreg [dreg:$0x5];
	[sflag:s10] =	ssyncadd.s32 $0xFFFFFFE0;
	(pc) =	sbr.rel @p0 .LBB2_1-.Ltmp0, $4  }
0x212: {  	[hbm4b:s30+s2] =	stream.linear.scatter [tilespmem:s31], [sflag:$0x2], $0x20, $0x38;
	[tilespmem:$0x10180] =	vst v63  }
0x213: {  	_ =	swait.ge [sflag:s10], $0x20  }
0x214: {  	[sflag:s10] =	ssyncset.done $0x0  }
0x215: {  	s9 =	sadd.s32 $0xFFFFFFFF, s9;
	[sflag:s10] =	ssyncadd.s32 $0xFFFFFFE0  }
0x216: {  	_ =	sfence.sel $0x180000  }
0x217: {  	[bflag:$0x0] =	sbarrier.arrive $0xFFFF  }
0x218: {  	p0 =	sne.s32 s1, $0x0;
	_ =	strace $0x90000047  }
0x219: {  	s0 =	sadd.s32 @!p0 $0x100000, s0;
	[bflag:$0x2] =	sbarrier.arrive $0xFFFF  }
0x21a: {  	[sflag:s0] =	ssyncadd.tile.s32 @!p0 $0x1;
	_ =	shalt  }
.Lfunc_end2:
_tile_overlayer_lowered:
.L_overlay_start_2:
0x21b: {  	(tag) =	ssettag $0x2  }
0x21c: {  	s0 =	rddreg [dreg:$0x0];
	s2 =	stileid.u32  }
0x21d: {  	s1 =	rddreg [dreg:$0x1];
	p0 =	sne.s32 s2, $0x0  }
0x21e: {  	s3 =	rddreg [dreg:$0x2];
	[bflag:$0x3] =	sbarrier.arrive $0xFFFF;
	s2 =	simm.s32 @!p0 $0x1C02  }
0x21f: {  	[timem:s3], [sflag:s2] =	dma.local @!p0 [hbm:s0], s1  }
0x220: {  	s0 =	simm.s32 @!p0 $0x2  }
0x221: {  	_ =	swait.ge @!p0 [sflag:s0], s1  }
0x222: {  	s1 =	ssub.s32 @!p0 $0x0, s1;
	[sflag:s0] =	ssyncset.done @!p0 $0x0  }
0x223: {  	[sflag:s0] =	ssyncadd.s32 @!p0 s1  }
0x224: {  	[bflag:$0x3] =	sbarrier.arrive $0xFFFF  }
0x225: {  	_ =	shalt  }

</sc_bundles>
